<compile_context>
chip_gen: v7x
topology: tpu7x:2x2x1
jax: 0.10.2.dev20260603
libtpu: 0.0.44.dev20260713+nightly
codegen_flags: <defaults>
</compile_context>

<pallas_src>
import functools

import jax
import jax.numpy as jnp
from jax import lax
from jax.experimental import pallas as pl
from jax.experimental.pallas import tpu as pltpu
from jax.experimental.pallas import tpu_sc as plsc

B, L = 1024, 50
N_CAT, N_CONT = 26, 13
VOCAB, HID, OUT = 100000, 32, 128
T = B * L

SC_CORES = 2
SC_SUBCORES = 16
N_WORKERS = SC_CORES * SC_SUBCORES
TOK_PER_W = T // N_WORKERS


def _sc_gather(idx2d, tab3d):
    mesh = plsc.VectorSubcoreMesh(core_axis_name="c", subcore_axis_name="s")
    NBLK = (N_CAT * HID + 127) // 128

    @functools.partial(
        pl.kernel,
        out_type=jax.ShapeDtypeStruct((NBLK, T, 128), jnp.float32),
        mesh=mesh,
        scratch_types=[
            pltpu.VMEM((TOK_PER_W, HID), jnp.float32),
            pltpu.VMEM((TOK_PER_W, HID), jnp.float32),
            pltpu.VMEM((TOK_PER_W,), jnp.int32),
            pltpu.SemaphoreType.DMA,
            pltpu.SemaphoreType.DMA,
            pltpu.SemaphoreType.DMA,
        ],
        compiler_params=pltpu.CompilerParams(use_tc_tiling_on_sc=False),
    )
    def gather_kernel(idx_hbm, tab_hbm, out_hbm, rows_a, rows_b,
                      idx_v, gsem, wsem_a, wsem_b):
        wid = lax.axis_index("s") * SC_CORES + lax.axis_index("c")
        base = wid * TOK_PER_W

        def out_slice(i):
            return out_hbm.at[
                i // 4, pl.ds(base, TOK_PER_W), pl.ds((i % 4) * HID, HID)
            ]

        bufs = (rows_a, rows_b)
        wsems = (wsem_a, wsem_b)
        for i in range(N_CAT):
            rows, wsem = bufs[i % 2], wsems[i % 2]
            pltpu.sync_copy(idx_hbm.at[i, pl.ds(base, TOK_PER_W)], idx_v)
            if i >= 2:
                pltpu.make_async_copy(rows, out_slice(i - 2), wsem).wait()
            pltpu.async_copy(tab_hbm.at[i].at[idx_v], rows, gsem).wait()
            pltpu.async_copy(rows, out_slice(i), wsem)
        for i in (N_CAT - 2, N_CAT - 1):
            pltpu.make_async_copy(bufs[i % 2], out_slice(i), wsems[i % 2]).wait()

    return gather_kernel(idx2d, tab3d)


def _stats_kernel(cont_ref, stats_ref, s_acc, sq_acc):
    k = pl.program_id(0)
    x = cont_ref[...]
    s = jnp.sum(x, axis=0, keepdims=True)
    sq = jnp.sum(x * x, axis=0, keepdims=True)

    @pl.when(k == 0)
    def _init():
        s_acc[...] = s
        sq_acc[...] = sq

    @pl.when(k > 0)
    def _acc():
        s_acc[...] = s_acc[...] + s
        sq_acc[...] = sq_acc[...] + sq

    @pl.when(k == pl.num_programs(0) - 1)
    def _fin():
        inv_n = 1.0 / T
        mu = s_acc[...] * inv_n
        var = sq_acc[...] * inv_n - mu * mu
        stats_ref[0:1, :] = mu
        stats_ref[1:2, :] = lax.rsqrt(var + 1e-5)


def _fuse_kernel(stats_ref, cont_ref, g_ref, gamma_ref, beta_ref, wc_ref,
                 bc_ref, w3_ref, wout2_ref, bout_ref, out_ref):
    mu = stats_ref[0:1, :]
    rstd = stats_ref[1:2, :]
    xn = (cont_ref[...] - mu) * rstd * gamma_ref[...] + beta_ref[...]
    ce = jnp.dot(xn, wc_ref[...], preferred_element_type=jnp.float32)
    ce = ce + bc_ref[...]
    gv = g_ref[...]
    nblk = gv.shape[0]
    lane = lax.broadcasted_iota(jnp.int32, (nblk, 1, 128), 2)
    blk = lax.broadcasted_iota(jnp.int32, (nblk, 1, 128), 0)
    gv = jnp.where(blk * 128 + lane < N_CAT * HID, gv, 0.0)
    acc = jnp.dot(gv[0], w3_ref[0], preferred_element_type=jnp.float32)
    for j in range(1, nblk):
        acc = acc + jnp.dot(gv[j], w3_ref[j],
                            preferred_element_type=jnp.float32)
    acc = acc + jnp.dot(ce, wout2_ref[...],
                        preferred_element_type=jnp.float32)
    out_ref[...] = acc + bout_ref[...]


def kernel(cat_features, cont_features, emb_tables, bn_gamma, bn_beta,
           W_cont, b_cont, W_out, b_out):
    idx2d = jnp.transpose(cat_features.reshape(T, N_CAT).astype(jnp.int32))
    cont2d = cont_features.reshape(T, N_CONT)
    gamma2 = bn_gamma.reshape(1, N_CONT)
    beta2 = bn_beta.reshape(1, N_CONT)
    bc2 = b_cont.reshape(1, HID)
    bout2 = b_out.reshape(1, OUT)

    g3 = _sc_gather(idx2d, emb_tables)
    NBLK = g3.shape[0]

    TBLK = 1024
    n_blk = T // TBLK
    stats = pl.pallas_call(
        _stats_kernel,
        grid=(n_blk,),
        in_specs=[pl.BlockSpec((TBLK, N_CONT), lambda k: (k, 0))],
        out_specs=pl.BlockSpec((2, N_CONT), lambda k: (0, 0)),
        out_shape=jax.ShapeDtypeStruct((2, N_CONT), jnp.float32),
        scratch_shapes=[
            pltpu.VMEM((1, N_CONT), jnp.float32),
            pltpu.VMEM((1, N_CONT), jnp.float32),
        ],
    )(cont2d)

    w3 = jnp.concatenate(
        [W_out[: N_CAT * HID],
         jnp.zeros((NBLK * 128 - N_CAT * HID, OUT), jnp.float32)], axis=0
    ).reshape(NBLK, 128, OUT)
    out2d = pl.pallas_call(
        _fuse_kernel,
        grid=(n_blk,),
        in_specs=[
            pl.BlockSpec((2, N_CONT), lambda k: (0, 0)),
            pl.BlockSpec((TBLK, N_CONT), lambda k: (k, 0)),
            pl.BlockSpec((NBLK, TBLK, 128), lambda k: (0, k, 0)),
            pl.BlockSpec((1, N_CONT), lambda k: (0, 0)),
            pl.BlockSpec((1, N_CONT), lambda k: (0, 0)),
            pl.BlockSpec((N_CONT, HID), lambda k: (0, 0)),
            pl.BlockSpec((1, HID), lambda k: (0, 0)),
            pl.BlockSpec((NBLK, 128, OUT), lambda k: (0, 0, 0)),
            pl.BlockSpec((HID, OUT), lambda k: (0, 0)),
            pl.BlockSpec((1, OUT), lambda k: (0, 0)),
        ],
        out_specs=pl.BlockSpec((TBLK, OUT), lambda k: (k, 0)),
        out_shape=jax.ShapeDtypeStruct((T, OUT), jnp.float32),
    )(stats, cont2d, g3, gamma2, beta2, W_cont, bc2,
      w3, W_out[N_CAT * HID :], bout2)

    return out2d.reshape(B, L, OUT)

# --- scband reference (transcript-rebuilt; emitter-appended) ---
"""Pipeline reference for scband-event-encoder-54580444397834 (READ-ONLY COPY).

The authoritative reference and input builder live on the scoring server;
editing this copy changes nothing except your own understanding.
"""

import jax, jax.numpy as jnp
import numpy as np

B, L = 1024, 50
N_CAT, N_CONT = 26, 13
VOCAB, HID, OUT = 100000, 32, 128


def setup_inputs(seed: int = 0) -> dict:
    key = jax.random.key(seed)
    ks = jax.random.split(key, 8)
    cat_features = jax.random.randint(ks[0], (B, L, N_CAT), 0, VOCAB)
    cont_features = jax.random.normal(ks[1], (B, L, N_CONT), dtype=jnp.float32)
    emb_tables = jax.random.normal(ks[2], (N_CAT, VOCAB, HID), dtype=jnp.float32) * 0.02
    bn_gamma = jnp.ones((N_CONT,), dtype=jnp.float32)
    bn_beta = jnp.zeros((N_CONT,), dtype=jnp.float32)
    W_cont = jax.random.normal(ks[3], (N_CONT, HID), dtype=jnp.float32) * 0.02
    b_cont = jnp.zeros((HID,), dtype=jnp.float32)
    W_out = jax.random.normal(ks[4], ((N_CAT + 1) * HID, OUT), dtype=jnp.float32) * 0.02
    b_out = jnp.zeros((OUT,), dtype=jnp.float32)
    return {
        "cat_features": cat_features,
        "cont_features": cont_features,
        "emb_tables": emb_tables,
        "bn_gamma": bn_gamma,
        "bn_beta": bn_beta,
        "W_cont": W_cont,
        "b_cont": b_cont,
        "W_out": W_out,
        "b_out": b_out,
    }


def reference(cat_features, cont_features, emb_tables, bn_gamma, bn_beta, W_cont, b_cont, W_out, b_out):
    # BatchNorm1d over channel dim (training mode: batch statistics over (B, L)), eps=1e-5
    x = cont_features  # [B, L, N_CONT]; cont_feature_indexes = identity
    mean = jnp.mean(x, axis=(0, 1), keepdims=True)
    var = jnp.var(x, axis=(0, 1), keepdims=True)
    xn = (x - mean) / jnp.sqrt(var + 1e-5) * bn_gamma + bn_beta
    cont_emb = xn @ W_cont + b_cont  # [B, L, HID]
    # per-field embedding lookups (cat_feature_indexes = identity)
    cat_emb = jnp.concatenate(
        [jnp.take(emb_tables[i], cat_features[:, :, i], axis=0) for i in range(N_CAT)], axis=2
    )  # [B, L, N_CAT*HID]
    whole = jnp.concatenate([cat_emb, cont_emb], axis=2)  # [B, L, (N_CAT+1)*HID]
    out = whole @ W_out + b_out  # [B, L, OUT]
    return out

if __name__ == "__main__":
    import jax
    _d = setup_inputs()
    print(jax.jit(kernel)(*tuple(_d.values())))

</pallas_src>

<mosaic_0001>
#map = affine_map<(d0, d1) -> (0, 0)>
#map1 = affine_map<(d0, d1) -> (0, 0, 0)>
module attributes {stable_mosaic.version = 14 : i64} {
  func.func @gather_kernel(%arg0: i32, %arg1: i32, %arg2: memref<26x51200xi32, #tpu.memory_space<hbm>>, %arg3: memref<26x100000x32xf32, #tpu.memory_space<hbm>>, %arg4: memref<7x51200x128xf32, #tpu.memory_space<hbm>>, %arg5: memref<1600x32xf32, #tpu.memory_space<vmem>>, %arg6: memref<1600x32xf32, #tpu.memory_space<vmem>>, %arg7: memref<1600xi32, #tpu.memory_space<vmem>>, %arg8: memref<!tpu.dma_semaphore, #tpu.memory_space<semaphore_mem>>, %arg9: memref<!tpu.dma_semaphore, #tpu.memory_space<semaphore_mem>>, %arg10: memref<!tpu.dma_semaphore, #tpu.memory_space<semaphore_mem>>) attributes {dimension_semantics = [#tpu.dimension_semantics<core_parallel>, #tpu.dimension_semantics<subcore_parallel>], iteration_bounds = array<i64: 2, 16>, scalar_prefetch = 0 : i64, scratch_operands = 6 : i64, tpu.core_type = #tpu.core_type<sc_vector_subcore>, window_params = [{transform_indices = #map}, {transform_indices = #map1}, {transform_indices = #map1}]} {
    %mul3A = arith.constant 2 : i32
    %mul3A_0 = arith.muli %arg1, %mul3A : i32
    %add3A = arith.addi %mul3A_0, %arg0 : i32
    %mul3A_1 = arith.constant 1600 : i32
    %mul3A_2 = arith.muli %add3A, %mul3A_1 : i32
    %run_scoped3A = arith.constant 0 : i32
    "tpu.region"() ({
      %run_scoped3A_806 = tpu.sem_alloc : memref<!tpu.dma_semaphore, #tpu.memory_space<semaphore_mem>>
      %dma_start3A_807 = tpu.memref_slice %arg2[%run_scoped3A, %mul3A_2] : memref<26x51200xi32, #tpu.memory_space<hbm>> -> memref<1x1600xi32, #tpu.memory_space<hbm>>
      %dma_start3A_808 = tpu.memref_squeeze %dma_start3A_807 : memref<1x1600xi32, #tpu.memory_space<hbm>> -> memref<1600xi32, #tpu.memory_space<hbm>>
      %dma_start3A_809 = tpu.memref_slice %arg2[%run_scoped3A, %mul3A_2] : memref<26x51200xi32, #tpu.memory_space<hbm>> -> memref<1x1600xi32, #tpu.memory_space<hbm>>
      %dma_start3A_810 = tpu.memref_squeeze %dma_start3A_809 : memref<1x1600xi32, #tpu.memory_space<hbm>> -> memref<1600xi32, #tpu.memory_space<hbm>>
      tpu.enqueue_dma source(%dma_start3A_810 : memref<1600xi32, #tpu.memory_space<hbm>>) target(%arg7 : memref<1600xi32, #tpu.memory_space<vmem>>) target_semaphore(%run_scoped3A_806 : memref<!tpu.dma_semaphore, #tpu.memory_space<semaphore_mem>>)
      %dma_wait3A_811 = tpu.memref_slice %arg2[%run_scoped3A, %mul3A_2] : memref<26x51200xi32, #tpu.memory_space<hbm>> -> memref<1x1600xi32, #tpu.memory_space<hbm>>
      %dma_wait3A_812 = tpu.memref_squeeze %dma_wait3A_811 : memref<1x1600xi32, #tpu.memory_space<hbm>> -> memref<1600xi32, #tpu.memory_space<hbm>>
      %dma_wait3A_813 = tpu.memref_slice %arg2[%run_scoped3A, %mul3A_2] : memref<26x51200xi32, #tpu.memory_space<hbm>> -> memref<1x1600xi32, #tpu.memory_space<hbm>>
      %dma_wait3A_814 = tpu.memref_squeeze %dma_wait3A_813 : memref<1x1600xi32, #tpu.memory_space<hbm>> -> memref<1600xi32, #tpu.memory_space<hbm>>
      tpu.wait_dma2 semaphore(%run_scoped3A_806 : memref<!tpu.dma_semaphore, #tpu.memory_space<semaphore_mem>>) src(%dma_wait3A_814 : memref<1600xi32, #tpu.memory_space<hbm>>) dst(%arg7 : memref<1600xi32, #tpu.memory_space<vmem>>)
      tpu.yield
    }) : () -> ()
    %dma_start3A = arith.constant 0 : i32
    %dma_start3A_3 = arith.constant 0 : i32
    %dma_start3A_4 = arith.constant 0 : i32
    %dma_start3A_5 = tpu.memref_slice %arg3[%dma_start3A, %dma_start3A_3, %dma_start3A_4] : memref<26x100000x32xf32, #tpu.memory_space<hbm>> -> memref<1x100000x32xf32, #tpu.memory_space<hbm>>
    %dma_start3A_6 = tpu.memref_squeeze %dma_start3A_5 : memref<1x100000x32xf32, #tpu.memory_space<hbm>> -> memref<100000x32xf32, #tpu.memory_space<hbm>>
    %dma_start3A_7 = arith.constant 0 : i32
    %dma_start3A_8 = arith.constant 0 : i32
    %dma_start3A_9 = tpu.memref_slice %dma_start3A_6[%dma_start3A_7, %dma_start3A_8] : memref<100000x32xf32, #tpu.memory_space<hbm>> -> memref<100000x32xf32, #tpu.memory_space<hbm>>
    tpu.enqueue_indirect_dma source(%dma_start3A_9 : memref<100000x32xf32, #tpu.memory_space<hbm>>) target(%arg5 : memref<1600x32xf32, #tpu.memory_space<vmem>>) offsets(%arg7 : memref<1600xi32, #tpu.memory_space<vmem>>) semaphore(%arg8 : memref<!tpu.dma_semaphore, #tpu.memory_space<semaphore_mem>>)
    %dma_wait3A = arith.constant 0 : i32
    %dma_wait3A_10 = arith.constant 0 : i32
    %dma_wait3A_11 = arith.constant 0 : i32
    %dma_wait3A_12 = tpu.memref_slice %arg3[%dma_wait3A, %dma_wait3A_10, %dma_wait3A_11] : memref<26x100000x32xf32, #tpu.memory_space<hbm>> -> memref<1x100000x32xf32, #tpu.memory_space<hbm>>
    %dma_wait3A_13 = tpu.memref_squeeze %dma_wait3A_12 : memref<1x100000x32xf32, #tpu.memory_space<hbm>> -> memref<100000x32xf32, #tpu.memory_space<hbm>>
    %dma_wait3A_14 = arith.constant 0 : i32
    %dma_wait3A_15 = arith.constant 0 : i32
    %dma_wait3A_16 = tpu.memref_slice %dma_wait3A_13[%dma_wait3A_14, %dma_wait3A_15] : memref<100000x32xf32, #tpu.memory_space<hbm>> -> memref<100000x32xf32, #tpu.memory_space<hbm>>
    tpu.wait_indirect_dma semaphore(%arg8 : memref<!tpu.dma_semaphore, #tpu.memory_space<semaphore_mem>>) src(%dma_wait3A_16 : memref<100000x32xf32, #tpu.memory_space<hbm>>) dst(%arg5 : memref<1600x32xf32, #tpu.memory_space<vmem>>)
    %dma_start3A_17 = arith.constant 0 : i32
    %dma_start3A_18 = arith.constant 0 : i32
    %dma_start3A_19 = tpu.memref_slice %arg4[%dma_start3A_17, %mul3A_2, %dma_start3A_18] : memref<7x51200x128xf32, #tpu.memory_space<hbm>> -> memref<1x1600x32xf32, #tpu.memory_space<hbm>>
    %dma_start3A_20 = tpu.memref_squeeze %dma_start3A_19 : memref<1x1600x32xf32, #tpu.memory_space<hbm>> -> memref<1600x32xf32, #tpu.memory_space<hbm>>
    %dma_start3A_21 = arith.constant 0 : i32
    %dma_start3A_22 = tpu.memref_slice %arg4[%dma_start3A_17, %mul3A_2, %dma_start3A_21] : memref<7x51200x128xf32, #tpu.memory_space<hbm>> -> memref<1x1600x32xf32, #tpu.memory_space<hbm>>
    %dma_start3A_23 = tpu.memref_squeeze %dma_start3A_22 : memref<1x1600x32xf32, #tpu.memory_space<hbm>> -> memref<1600x32xf32, #tpu.memory_space<hbm>>
    tpu.enqueue_dma source(%arg5 : memref<1600x32xf32, #tpu.memory_space<vmem>>) target(%dma_start3A_23 : memref<1600x32xf32, #tpu.memory_space<hbm>>) target_semaphore(%arg9 : memref<!tpu.dma_semaphore, #tpu.memory_space<semaphore_mem>>)
    %run_scoped3A_24 = arith.constant 1 : i32
    "tpu.region"() ({
      %run_scoped3A_806 = tpu.sem_alloc : memref<!tpu.dma_semaphore, #tpu.memory_space<semaphore_mem>>
      %dma_start3A_807 = tpu.memref_slice %arg2[%run_scoped3A_24, %mul3A_2] : memref<26x51200xi32, #tpu.memory_space<hbm>> -> memref<1x1600xi32, #tpu.memory_space<hbm>>
      %dma_start3A_808 = tpu.memref_squeeze %dma_start3A_807 : memref<1x1600xi32, #tpu.memory_space<hbm>> -> memref<1600xi32, #tpu.memory_space<hbm>>
      %dma_start3A_809 = tpu.memref_slice %arg2[%run_scoped3A_24, %mul3A_2] : memref<26x51200xi32, #tpu.memory_space<hbm>> -> memref<1x1600xi32, #tpu.memory_space<hbm>>
      %dma_start3A_810 = tpu.memref_squeeze %dma_start3A_809 : memref<1x1600xi32, #tpu.memory_space<hbm>> -> memref<1600xi32, #tpu.memory_space<hbm>>
      tpu.enqueue_dma source(%dma_start3A_810 : memref<1600xi32, #tpu.memory_space<hbm>>) target(%arg7 : memref<1600xi32, #tpu.memory_space<vmem>>) target_semaphore(%run_scoped3A_806 : memref<!tpu.dma_semaphore, #tpu.memory_space<semaphore_mem>>)
      %dma_wait3A_811 = tpu.memref_slice %arg2[%run_scoped3A_24, %mul3A_2] : memref<26x51200xi32, #tpu.memory_space<hbm>> -> memref<1x1600xi32, #tpu.memory_space<hbm>>
      %dma_wait3A_812 = tpu.memref_squeeze %dma_wait3A_811 : memref<1x1600xi32, #tpu.memory_space<hbm>> -> memref<1600xi32, #tpu.memory_space<hbm>>
      %dma_wait3A_813 = tpu.memref_slice %arg2[%run_scoped3A_24, %mul3A_2] : memref<26x51200xi32, #tpu.memory_space<hbm>> -> memref<1x1600xi32, #tpu.memory_space<hbm>>
      %dma_wait3A_814 = tpu.memref_squeeze %dma_wait3A_813 : memref<1x1600xi32, #tpu.memory_space<hbm>> -> memref<1600xi32, #tpu.memory_space<hbm>>
      tpu.wait_dma2 semaphore(%run_scoped3A_806 : memref<!tpu.dma_semaphore, #tpu.memory_space<semaphore_mem>>) src(%dma_wait3A_814 : memref<1600xi32, #tpu.memory_space<hbm>>) dst(%arg7 : memref<1600xi32, #tpu.memory_space<vmem>>)
      tpu.yield
    }) : () -> ()
    %dma_start3A_25 = arith.constant 1 : i32
    %dma_start3A_26 = arith.constant 0 : i32
    %dma_start3A_27 = arith.constant 0 : i32
    %dma_start3A_28 = tpu.memref_slice %arg3[%dma_start3A_25, %dma_start3A_26, %dma_start3A_27] : memref<26x100000x32xf32, #tpu.memory_space<hbm>> -> memref<1x100000x32xf32, #tpu.memory_space<hbm>>
    %dma_start3A_29 = tpu.memref_squeeze %dma_start3A_28 : memref<1x100000x32xf32, #tpu.memory_space<hbm>> -> memref<100000x32xf32, #tpu.memory_space<hbm>>
    %dma_start3A_30 = arith.constant 0 : i32
    %dma_start3A_31 = arith.constant 0 : i32
    %dma_start3A_32 = tpu.memref_slice %dma_start3A_29[%dma_start3A_30, %dma_start3A_31] : memref<100000x32xf32, #tpu.memory_space<hbm>> -> memref<100000x32xf32, #tpu.memory_space<hbm>>
    tpu.enqueue_indirect_dma source(%dma_start3A_32 : memref<100000x32xf32, #tpu.memory_space<hbm>>) target(%arg6 : memref<1600x32xf32, #tpu.memory_space<vmem>>) offsets(%arg7 : memref<1600xi32, #tpu.memory_space<vmem>>) semaphore(%arg8 : memref<!tpu.dma_semaphore, #tpu.memory_space<semaphore_mem>>)
    %dma_wait3A_33 = arith.constant 1 : i32
    %dma_wait3A_34 = arith.constant 0 : i32
    %dma_wait3A_35 = arith.constant 0 : i32
    %dma_wait3A_36 = tpu.memref_slice %arg3[%dma_wait3A_33, %dma_wait3A_34, %dma_wait3A_35] : memref<26x100000x32xf32, #tpu.memory_space<hbm>> -> memref<1x100000x32xf32, #tpu.memory_space<hbm>>
    %dma_wait3A_37 = tpu.memref_squeeze %dma_wait3A_36 : memref<1x100000x32xf32, #tpu.memory_space<hbm>> -> memref<100000x32xf32, #tpu.memory_space<hbm>>
    %dma_wait3A_38 = arith.constant 0 : i32
    %dma_wait3A_39 = arith.constant 0 : i32
    %dma_wait3A_40 = tpu.memref_slice %dma_wait3A_37[%dma_wait3A_38, %dma_wait3A_39] : memref<100000x32xf32, #tpu.memory_space<hbm>> -> memref<100000x32xf32, #tpu.memory_space<hbm>>
    tpu.wait_indirect_dma semaphore(%arg8 : memref<!tpu.dma_semaphore, #tpu.memory_space<semaphore_mem>>) src(%dma_wait3A_40 : memref<100000x32xf32, #tpu.memory_space<hbm>>) dst(%arg6 : memref<1600x32xf32, #tpu.memory_space<vmem>>)
    %dma_start3A_41 = arith.constant 0 : i32
    %dma_start3A_42 = arith.constant 32 : i32
    %dma_start3A_43 = tpu.memref_slice %arg4[%dma_start3A_41, %mul3A_2, %dma_start3A_42] : memref<7x51200x128xf32, #tpu.memory_space<hbm>> -> memref<1x1600x32xf32, #tpu.memory_space<hbm>>
    %dma_start3A_44 = tpu.memref_squeeze %dma_start3A_43 : memref<1x1600x32xf32, #tpu.memory_space<hbm>> -> memref<1600x32xf32, #tpu.memory_space<hbm>>
    %dma_start3A_45 = arith.constant 32 : i32
    %dma_start3A_46 = tpu.memref_slice %arg4[%dma_start3A_41, %mul3A_2, %dma_start3A_45] : memref<7x51200x128xf32, #tpu.memory_space<hbm>> -> memref<1x1600x32xf32, #tpu.memory_space<hbm>>
    %dma_start3A_47 = tpu.memref_squeeze %dma_start3A_46 : memref<1x1600x32xf32, #tpu.memory_space<hbm>> -> memref<1600x32xf32, #tpu.memory_space<hbm>>
    tpu.enqueue_dma source(%arg6 : memref<1600x32xf32, #tpu.memory_space<vmem>>) target(%dma_start3A_47 : memref<1600x32xf32, #tpu.memory_space<hbm>>) target_semaphore(%arg10 : memref<!tpu.dma_semaphore, #tpu.memory_space<semaphore_mem>>)
    %run_scoped3A_48 = arith.constant 2 : i32
    "tpu.region"() ({
      %run_scoped3A_806 = tpu.sem_alloc : memref<!tpu.dma_semaphore, #tpu.memory_space<semaphore_mem>>
      %dma_start3A_807 = tpu.memref_slice %arg2[%run_scoped3A_48, %mul3A_2] : memref<26x51200xi32, #tpu.memory_space<hbm>> -> memref<1x1600xi32, #tpu.memory_space<hbm>>
      %dma_start3A_808 = tpu.memref_squeeze %dma_start3A_807 : memref<1x1600xi32, #tpu.memory_space<hbm>> -> memref<1600xi32, #tpu.memory_space<hbm>>
      %dma_start3A_809 = tpu.memref_slice %arg2[%run_scoped3A_48, %mul3A_2] : memref<26x51200xi32, #tpu.memory_space<hbm>> -> memref<1x1600xi32, #tpu.memory_space<hbm>>
      %dma_start3A_810 = tpu.memref_squeeze %dma_start3A_809 : memref<1x1600xi32, #tpu.memory_space<hbm>> -> memref<1600xi32, #tpu.memory_space<hbm>>
      tpu.enqueue_dma source(%dma_start3A_810 : memref<1600xi32, #tpu.memory_space<hbm>>) target(%arg7 : memref<1600xi32, #tpu.memory_space<vmem>>) target_semaphore(%run_scoped3A_806 : memref<!tpu.dma_semaphore, #tpu.memory_space<semaphore_mem>>)
      %dma_wait3A_811 = tpu.memref_slice %arg2[%run_scoped3A_48, %mul3A_2] : memref<26x51200xi32, #tpu.memory_space<hbm>> -> memref<1x1600xi32, #tpu.memory_space<hbm>>
      %dma_wait3A_812 = tpu.memref_squeeze %dma_wait3A_811 : memref<1x1600xi32, #tpu.memory_space<hbm>> -> memref<1600xi32, #tpu.memory_space<hbm>>
      %dma_wait3A_813 = tpu.memref_slice %arg2[%run_scoped3A_48, %mul3A_2] : memref<26x51200xi32, #tpu.memory_space<hbm>> -> memref<1x1600xi32, #tpu.memory_space<hbm>>
      %dma_wait3A_814 = tpu.memref_squeeze %dma_wait3A_813 : memref<1x1600xi32, #tpu.memory_space<hbm>> -> memref<1600xi32, #tpu.memory_space<hbm>>
      tpu.wait_dma2 semaphore(%run_scoped3A_806 : memref<!tpu.dma_semaphore, #tpu.memory_space<semaphore_mem>>) src(%dma_wait3A_814 : memref<1600xi32, #tpu.memory_space<hbm>>) dst(%arg7 : memref<1600xi32, #tpu.memory_space<vmem>>)
      tpu.yield
    }) : () -> ()
    %dma_wait3A_49 = arith.constant 0 : i32
    %dma_wait3A_50 = arith.constant 0 : i32
    %dma_wait3A_51 = tpu.memref_slice %arg4[%dma_wait3A_49, %mul3A_2, %dma_wait3A_50] : memref<7x51200x128xf32, #tpu.memory_space<hbm>> -> memref<1x1600x32xf32, #tpu.memory_space<hbm>>
    %dma_wait3A_52 = tpu.memref_squeeze %dma_wait3A_51 : memref<1x1600x32xf32, #tpu.memory_space<hbm>> -> memref<1600x32xf32, #tpu.memory_space<hbm>>
    %dma_wait3A_53 = arith.constant 0 : i32
    %dma_wait3A_54 = tpu.memref_slice %arg4[%dma_wait3A_49, %mul3A_2, %dma_wait3A_53] : memref<7x51200x128xf32, #tpu.memory_space<hbm>> -> memref<1x1600x32xf32, #tpu.memory_space<hbm>>
    %dma_wait3A_55 = tpu.memref_squeeze %dma_wait3A_54 : memref<1x1600x32xf32, #tpu.memory_space<hbm>> -> memref<1600x32xf32, #tpu.memory_space<hbm>>
    tpu.wait_dma2 semaphore(%arg9 : memref<!tpu.dma_semaphore, #tpu.memory_space<semaphore_mem>>) src(%arg5 : memref<1600x32xf32, #tpu.memory_space<vmem>>) dst(%dma_wait3A_55 : memref<1600x32xf32, #tpu.memory_space<hbm>>)
    %dma_start3A_56 = arith.constant 2 : i32
    %dma_start3A_57 = arith.constant 0 : i32
    %dma_start3A_58 = arith.constant 0 : i32
    %dma_start3A_59 = tpu.memref_slice %arg3[%dma_start3A_56, %dma_start3A_57, %dma_start3A_58] : memref<26x100000x32xf32, #tpu.memory_space<hbm>> -> memref<1x100000x32xf32, #tpu.memory_space<hbm>>
    %dma_start3A_60 = tpu.memref_squeeze %dma_start3A_59 : memref<1x100000x32xf32, #tpu.memory_space<hbm>> -> memref<100000x32xf32, #tpu.memory_space<hbm>>
    %dma_start3A_61 = arith.constant 0 : i32
    %dma_start3A_62 = arith.constant 0 : i32
    %dma_start3A_63 = tpu.memref_slice %dma_start3A_60[%dma_start3A_61, %dma_start3A_62] : memref<100000x32xf32, #tpu.memory_space<hbm>> -> memref<100000x32xf32, #tpu.memory_space<hbm>>
    tpu.enqueue_indirect_dma source(%dma_start3A_63 : memref<100000x32xf32, #tpu.memory_space<hbm>>) target(%arg5 : memref<1600x32xf32, #tpu.memory_space<vmem>>) offsets(%arg7 : memref<1600xi32, #tpu.memory_space<vmem>>) semaphore(%arg8 : memref<!tpu.dma_semaphore, #tpu.memory_space<semaphore_mem>>)
    %dma_wait3A_64 = arith.constant 2 : i32
    %dma_wait3A_65 = arith.constant 0 : i32
    %dma_wait3A_66 = arith.constant 0 : i32
    %dma_wait3A_67 = tpu.memref_slice %arg3[%dma_wait3A_64, %dma_wait3A_65, %dma_wait3A_66] : memref<26x100000x32xf32, #tpu.memory_space<hbm>> -> memref<1x100000x32xf32, #tpu.memory_space<hbm>>
    %dma_wait3A_68 = tpu.memref_squeeze %dma_wait3A_67 : memref<1x100000x32xf32, #tpu.memory_space<hbm>> -> memref<100000x32xf32, #tpu.memory_space<hbm>>
    %dma_wait3A_69 = arith.constant 0 : i32
    %dma_wait3A_70 = arith.constant 0 : i32
    %dma_wait3A_71 = tpu.memref_slice %dma_wait3A_68[%dma_wait3A_69, %dma_wait3A_70] : memref<100000x32xf32, #tpu.memory_space<hbm>> -> memref<100000x32xf32, #tpu.memory_space<hbm>>
    tpu.wait_indirect_dma semaphore(%arg8 : memref<!tpu.dma_semaphore, #tpu.memory_space<semaphore_mem>>) src(%dma_wait3A_71 : memref<100000x32xf32, #tpu.memory_space<hbm>>) dst(%arg5 : memref<1600x32xf32, #tpu.memory_space<vmem>>)
    %dma_start3A_72 = arith.constant 0 : i32
    %dma_start3A_73 = arith.constant 64 : i32
    %dma_start3A_74 = tpu.memref_slice %arg4[%dma_start3A_72, %mul3A_2, %dma_start3A_73] : memref<7x51200x128xf32, #tpu.memory_space<hbm>> -> memref<1x1600x32xf32, #tpu.memory_space<hbm>>
    %dma_start3A_75 = tpu.memref_squeeze %dma_start3A_74 : memref<1x1600x32xf32, #tpu.memory_space<hbm>> -> memref<1600x32xf32, #tpu.memory_space<hbm>>
    %dma_start3A_76 = arith.constant 64 : i32
    %dma_start3A_77 = tpu.memref_slice %arg4[%dma_start3A_72, %mul3A_2, %dma_start3A_76] : memref<7x51200x128xf32, #tpu.memory_space<hbm>> -> memref<1x1600x32xf32, #tpu.memory_space<hbm>>
    %dma_start3A_78 = tpu.memref_squeeze %dma_start3A_77 : memref<1x1600x32xf32, #tpu.memory_space<hbm>> -> memref<1600x32xf32, #tpu.memory_space<hbm>>
    tpu.enqueue_dma source(%arg5 : memref<1600x32xf32, #tpu.memory_space<vmem>>) target(%dma_start3A_78 : memref<1600x32xf32, #tpu.memory_space<hbm>>) target_semaphore(%arg9 : memref<!tpu.dma_semaphore, #tpu.memory_space<semaphore_mem>>)
    %run_scoped3A_79 = arith.constant 3 : i32
    "tpu.region"() ({
      %run_scoped3A_806 = tpu.sem_alloc : memref<!tpu.dma_semaphore, #tpu.memory_space<semaphore_mem>>
      %dma_start3A_807 = tpu.memref_slice %arg2[%run_scoped3A_79, %mul3A_2] : memref<26x51200xi32, #tpu.memory_space<hbm>> -> memref<1x1600xi32, #tpu.memory_space<hbm>>
      %dma_start3A_808 = tpu.memref_squeeze %dma_start3A_807 : memref<1x1600xi32, #tpu.memory_space<hbm>> -> memref<1600xi32, #tpu.memory_space<hbm>>
      %dma_start3A_809 = tpu.memref_slice %arg2[%run_scoped3A_79, %mul3A_2] : memref<26x51200xi32, #tpu.memory_space<hbm>> -> memref<1x1600xi32, #tpu.memory_space<hbm>>
      %dma_start3A_810 = tpu.memref_squeeze %dma_start3A_809 : memref<1x1600xi32, #tpu.memory_space<hbm>> -> memref<1600xi32, #tpu.memory_space<hbm>>
      tpu.enqueue_dma source(%dma_start3A_810 : memref<1600xi32, #tpu.memory_space<hbm>>) target(%arg7 : memref<1600xi32, #tpu.memory_space<vmem>>) target_semaphore(%run_scoped3A_806 : memref<!tpu.dma_semaphore, #tpu.memory_space<semaphore_mem>>)
      %dma_wait3A_811 = tpu.memref_slice %arg2[%run_scoped3A_79, %mul3A_2] : memref<26x51200xi32, #tpu.memory_space<hbm>> -> memref<1x1600xi32, #tpu.memory_space<hbm>>
      %dma_wait3A_812 = tpu.memref_squeeze %dma_wait3A_811 : memref<1x1600xi32, #tpu.memory_space<hbm>> -> memref<1600xi32, #tpu.memory_space<hbm>>
      %dma_wait3A_813 = tpu.memref_slice %arg2[%run_scoped3A_79, %mul3A_2] : memref<26x51200xi32, #tpu.memory_space<hbm>> -> memref<1x1600xi32, #tpu.memory_space<hbm>>
      %dma_wait3A_814 = tpu.memref_squeeze %dma_wait3A_813 : memref<1x1600xi32, #tpu.memory_space<hbm>> -> memref<1600xi32, #tpu.memory_space<hbm>>
      tpu.wait_dma2 semaphore(%run_scoped3A_806 : memref<!tpu.dma_semaphore, #tpu.memory_space<semaphore_mem>>) src(%dma_wait3A_814 : memref<1600xi32, #tpu.memory_space<hbm>>) dst(%arg7 : memref<1600xi32, #tpu.memory_space<vmem>>)
      tpu.yield
    }) : () -> ()
    %dma_wait3A_80 = arith.constant 0 : i32
    %dma_wait3A_81 = arith.constant 32 : i32
    %dma_wait3A_82 = tpu.memref_slice %arg4[%dma_wait3A_80, %mul3A_2, %dma_wait3A_81] : memref<7x51200x128xf32, #tpu.memory_space<hbm>> -> memref<1x1600x32xf32, #tpu.memory_space<hbm>>
    %dma_wait3A_83 = tpu.memref_squeeze %dma_wait3A_82 : memref<1x1600x32xf32, #tpu.memory_space<hbm>> -> memref<1600x32xf32, #tpu.memory_space<hbm>>
    %dma_wait3A_84 = arith.constant 32 : i32
    %dma_wait3A_85 = tpu.memref_slice %arg4[%dma_wait3A_80, %mul3A_2, %dma_wait3A_84] : memref<7x51200x128xf32, #tpu.memory_space<hbm>> -> memref<1x1600x32xf32, #tpu.memory_space<hbm>>
    %dma_wait3A_86 = tpu.memref_squeeze %dma_wait3A_85 : memref<1x1600x32xf32, #tpu.memory_space<hbm>> -> memref<1600x32xf32, #tpu.memory_space<hbm>>
    tpu.wait_dma2 semaphore(%arg10 : memref<!tpu.dma_semaphore, #tpu.memory_space<semaphore_mem>>) src(%arg6 : memref<1600x32xf32, #tpu.memory_space<vmem>>) dst(%dma_wait3A_86 : memref<1600x32xf32, #tpu.memory_space<hbm>>)
    %dma_start3A_87 = arith.constant 3 : i32
    %dma_start3A_88 = arith.constant 0 : i32
    %dma_start3A_89 = arith.constant 0 : i32
    %dma_start3A_90 = tpu.memref_slice %arg3[%dma_start3A_87, %dma_start3A_88, %dma_start3A_89] : memref<26x100000x32xf32, #tpu.memory_space<hbm>> -> memref<1x100000x32xf32, #tpu.memory_space<hbm>>
    %dma_start3A_91 = tpu.memref_squeeze %dma_start3A_90 : memref<1x100000x32xf32, #tpu.memory_space<hbm>> -> memref<100000x32xf32, #tpu.memory_space<hbm>>
    %dma_start3A_92 = arith.constant 0 : i32
    %dma_start3A_93 = arith.constant 0 : i32
    %dma_start3A_94 = tpu.memref_slice %dma_start3A_91[%dma_start3A_92, %dma_start3A_93] : memref<100000x32xf32, #tpu.memory_space<hbm>> -> memref<100000x32xf32, #tpu.memory_space<hbm>>
    tpu.enqueue_indirect_dma source(%dma_start3A_94 : memref<100000x32xf32, #tpu.memory_space<hbm>>) target(%arg6 : memref<1600x32xf32, #tpu.memory_space<vmem>>) offsets(%arg7 : memref<1600xi32, #tpu.memory_space<vmem>>) semaphore(%arg8 : memref<!tpu.dma_semaphore, #tpu.memory_space<semaphore_mem>>)
    %dma_wait3A_95 = arith.constant 3 : i32
    %dma_wait3A_96 = arith.constant 0 : i32
    %dma_wait3A_97 = arith.constant 0 : i32
    %dma_wait3A_98 = tpu.memref_slice %arg3[%dma_wait3A_95, %dma_wait3A_96, %dma_wait3A_97] : memref<26x100000x32xf32, #tpu.memory_space<hbm>> -> memref<1x100000x32xf32, #tpu.memory_space<hbm>>
    %dma_wait3A_99 = tpu.memref_squeeze %dma_wait3A_98 : memref<1x100000x32xf32, #tpu.memory_space<hbm>> -> memref<100000x32xf32, #tpu.memory_space<hbm>>
    %dma_wait3A_100 = arith.constant 0 : i32
    %dma_wait3A_101 = arith.constant 0 : i32
    %dma_wait3A_102 = tpu.memref_slice %dma_wait3A_99[%dma_wait3A_100, %dma_wait3A_101] : memref<100000x32xf32, #tpu.memory_space<hbm>> -> memref<100000x32xf32, #tpu.memory_space<hbm>>
    tpu.wait_indirect_dma semaphore(%arg8 : memref<!tpu.dma_semaphore, #tpu.memory_space<semaphore_mem>>) src(%dma_wait3A_102 : memref<100000x32xf32, #tpu.memory_space<hbm>>) dst(%arg6 : memref<1600x32xf32, #tpu.memory_space<vmem>>)
    %dma_start3A_103 = arith.constant 0 : i32
    %dma_start3A_104 = arith.constant 96 : i32
    %dma_start3A_105 = tpu.memref_slice %arg4[%dma_start3A_103, %mul3A_2, %dma_start3A_104] : memref<7x51200x128xf32, #tpu.memory_space<hbm>> -> memref<1x1600x32xf32, #tpu.memory_space<hbm>>
    %dma_start3A_106 = tpu.memref_squeeze %dma_start3A_105 : memref<1x1600x32xf32, #tpu.memory_space<hbm>> -> memref<1600x32xf32, #tpu.memory_space<hbm>>
    %dma_start3A_107 = arith.constant 96 : i32
    %dma_start3A_108 = tpu.memref_slice %arg4[%dma_start3A_103, %mul3A_2, %dma_start3A_107] : memref<7x51200x128xf32, #tpu.memory_space<hbm>> -> memref<1x1600x32xf32, #tpu.memory_space<hbm>>
    %dma_start3A_109 = tpu.memref_squeeze %dma_start3A_108 : memref<1x1600x32xf32, #tpu.memory_space<hbm>> -> memref<1600x32xf32, #tpu.memory_space<hbm>>
    tpu.enqueue_dma source(%arg6 : memref<1600x32xf32, #tpu.memory_space<vmem>>) target(%dma_start3A_109 : memref<1600x32xf32, #tpu.memory_space<hbm>>) target_semaphore(%arg10 : memref<!tpu.dma_semaphore, #tpu.memory_space<semaphore_mem>>)
    %run_scoped3A_110 = arith.constant 4 : i32
    "tpu.region"() ({
      %run_scoped3A_806 = tpu.sem_alloc : memref<!tpu.dma_semaphore, #tpu.memory_space<semaphore_mem>>
      %dma_start3A_807 = tpu.memref_slice %arg2[%run_scoped3A_110, %mul3A_2] : memref<26x51200xi32, #tpu.memory_space<hbm>> -> memref<1x1600xi32, #tpu.memory_space<hbm>>
      %dma_start3A_808 = tpu.memref_squeeze %dma_start3A_807 : memref<1x1600xi32, #tpu.memory_space<hbm>> -> memref<1600xi32, #tpu.memory_space<hbm>>
      %dma_start3A_809 = tpu.memref_slice %arg2[%run_scoped3A_110, %mul3A_2] : memref<26x51200xi32, #tpu.memory_space<hbm>> -> memref<1x1600xi32, #tpu.memory_space<hbm>>
      %dma_start3A_810 = tpu.memref_squeeze %dma_start3A_809 : memref<1x1600xi32, #tpu.memory_space<hbm>> -> memref<1600xi32, #tpu.memory_space<hbm>>
      tpu.enqueue_dma source(%dma_start3A_810 : memref<1600xi32, #tpu.memory_space<hbm>>) target(%arg7 : memref<1600xi32, #tpu.memory_space<vmem>>) target_semaphore(%run_scoped3A_806 : memref<!tpu.dma_semaphore, #tpu.memory_space<semaphore_mem>>)
      %dma_wait3A_811 = tpu.memref_slice %arg2[%run_scoped3A_110, %mul3A_2] : memref<26x51200xi32, #tpu.memory_space<hbm>> -> memref<1x1600xi32, #tpu.memory_space<hbm>>
      %dma_wait3A_812 = tpu.memref_squeeze %dma_wait3A_811 : memref<1x1600xi32, #tpu.memory_space<hbm>> -> memref<1600xi32, #tpu.memory_space<hbm>>
      %dma_wait3A_813 = tpu.memref_slice %arg2[%run_scoped3A_110, %mul3A_2] : memref<26x51200xi32, #tpu.memory_space<hbm>> -> memref<1x1600xi32, #tpu.memory_space<hbm>>
      %dma_wait3A_814 = tpu.memref_squeeze %dma_wait3A_813 : memref<1x1600xi32, #tpu.memory_space<hbm>> -> memref<1600xi32, #tpu.memory_space<hbm>>
      tpu.wait_dma2 semaphore(%run_scoped3A_806 : memref<!tpu.dma_semaphore, #tpu.memory_space<semaphore_mem>>) src(%dma_wait3A_814 : memref<1600xi32, #tpu.memory_space<hbm>>) dst(%arg7 : memref<1600xi32, #tpu.memory_space<vmem>>)
      tpu.yield
    }) : () -> ()
    %dma_wait3A_111 = arith.constant 0 : i32
    %dma_wait3A_112 = arith.constant 64 : i32
    %dma_wait3A_113 = tpu.memref_slice %arg4[%dma_wait3A_111, %mul3A_2, %dma_wait3A_112] : memref<7x51200x128xf32, #tpu.memory_space<hbm>> -> memref<1x1600x32xf32, #tpu.memory_space<hbm>>
    %dma_wait3A_114 = tpu.memref_squeeze %dma_wait3A_113 : memref<1x1600x32xf32, #tpu.memory_space<hbm>> -> memref<1600x32xf32, #tpu.memory_space<hbm>>
    %dma_wait3A_115 = arith.constant 64 : i32
    %dma_wait3A_116 = tpu.memref_slice %arg4[%dma_wait3A_111, %mul3A_2, %dma_wait3A_115] : memref<7x51200x128xf32, #tpu.memory_space<hbm>> -> memref<1x1600x32xf32, #tpu.memory_space<hbm>>
    %dma_wait3A_117 = tpu.memref_squeeze %dma_wait3A_116 : memref<1x1600x32xf32, #tpu.memory_space<hbm>> -> memref<1600x32xf32, #tpu.memory_space<hbm>>
    tpu.wait_dma2 semaphore(%arg9 : memref<!tpu.dma_semaphore, #tpu.memory_space<semaphore_mem>>) src(%arg5 : memref<1600x32xf32, #tpu.memory_space<vmem>>) dst(%dma_wait3A_117 : memref<1600x32xf32, #tpu.memory_space<hbm>>)
    %dma_start3A_118 = arith.constant 4 : i32
    %dma_start3A_119 = arith.constant 0 : i32
    %dma_start3A_120 = arith.constant 0 : i32
    %dma_start3A_121 = tpu.memref_slice %arg3[%dma_start3A_118, %dma_start3A_119, %dma_start3A_120] : memref<26x100000x32xf32, #tpu.memory_space<hbm>> -> memref<1x100000x32xf32, #tpu.memory_space<hbm>>
    %dma_start3A_122 = tpu.memref_squeeze %dma_start3A_121 : memref<1x100000x32xf32, #tpu.memory_space<hbm>> -> memref<100000x32xf32, #tpu.memory_space<hbm>>
    %dma_start3A_123 = arith.constant 0 : i32
    %dma_start3A_124 = arith.constant 0 : i32
    %dma_start3A_125 = tpu.memref_slice %dma_start3A_122[%dma_start3A_123, %dma_start3A_124] : memref<100000x32xf32, #tpu.memory_space<hbm>> -> memref<100000x32xf32, #tpu.memory_space<hbm>>
    tpu.enqueue_indirect_dma source(%dma_start3A_125 : memref<100000x32xf32, #tpu.memory_space<hbm>>) target(%arg5 : memref<1600x32xf32, #tpu.memory_space<vmem>>) offsets(%arg7 : memref<1600xi32, #tpu.memory_space<vmem>>) semaphore(%arg8 : memref<!tpu.dma_semaphore, #tpu.memory_space<semaphore_mem>>)
    %dma_wait3A_126 = arith.constant 4 : i32
    %dma_wait3A_127 = arith.constant 0 : i32
    %dma_wait3A_128 = arith.constant 0 : i32
    %dma_wait3A_129 = tpu.memref_slice %arg3[%dma_wait3A_126, %dma_wait3A_127, %dma_wait3A_128] : memref<26x100000x32xf32, #tpu.memory_space<hbm>> -> memref<1x100000x32xf32, #tpu.memory_space<hbm>>
    %dma_wait3A_130 = tpu.memref_squeeze %dma_wait3A_129 : memref<1x100000x32xf32, #tpu.memory_space<hbm>> -> memref<100000x32xf32, #tpu.memory_space<hbm>>
    %dma_wait3A_131 = arith.constant 0 : i32
    %dma_wait3A_132 = arith.constant 0 : i32
    %dma_wait3A_133 = tpu.memref_slice %dma_wait3A_130[%dma_wait3A_131, %dma_wait3A_132] : memref<100000x32xf32, #tpu.memory_space<hbm>> -> memref<100000x32xf32, #tpu.memory_space<hbm>>
    tpu.wait_indirect_dma semaphore(%arg8 : memref<!tpu.dma_semaphore, #tpu.memory_space<semaphore_mem>>) src(%dma_wait3A_133 : memref<100000x32xf32, #tpu.memory_space<hbm>>) dst(%arg5 : memref<1600x32xf32, #tpu.memory_space<vmem>>)
    %dma_start3A_134 = arith.constant 1 : i32
    %dma_start3A_135 = arith.constant 0 : i32
    %dma_start3A_136 = tpu.memref_slice %arg4[%dma_start3A_134, %mul3A_2, %dma_start3A_135] : memref<7x51200x128xf32, #tpu.memory_space<hbm>> -> memref<1x1600x32xf32, #tpu.memory_space<hbm>>
    %dma_start3A_137 = tpu.memref_squeeze %dma_start3A_136 : memref<1x1600x32xf32, #tpu.memory_space<hbm>> -> memref<1600x32xf32, #tpu.memory_space<hbm>>
    %dma_start3A_138 = arith.constant 0 : i32
    %dma_start3A_139 = tpu.memref_slice %arg4[%dma_start3A_134, %mul3A_2, %dma_start3A_138] : memref<7x51200x128xf32, #tpu.memory_space<hbm>> -> memref<1x1600x32xf32, #tpu.memory_space<hbm>>
    %dma_start3A_140 = tpu.memref_squeeze %dma_start3A_139 : memref<1x1600x32xf32, #tpu.memory_space<hbm>> -> memref<1600x32xf32, #tpu.memory_space<hbm>>
    tpu.enqueue_dma source(%arg5 : memref<1600x32xf32, #tpu.memory_space<vmem>>) target(%dma_start3A_140 : memref<1600x32xf32, #tpu.memory_space<hbm>>) target_semaphore(%arg9 : memref<!tpu.dma_semaphore, #tpu.memory_space<semaphore_mem>>)
    %run_scoped3A_141 = arith.constant 5 : i32
    "tpu.region"() ({
      %run_scoped3A_806 = tpu.sem_alloc : memref<!tpu.dma_semaphore, #tpu.memory_space<semaphore_mem>>
      %dma_start3A_807 = tpu.memref_slice %arg2[%run_scoped3A_141, %mul3A_2] : memref<26x51200xi32, #tpu.memory_space<hbm>> -> memref<1x1600xi32, #tpu.memory_space<hbm>>
      %dma_start3A_808 = tpu.memref_squeeze %dma_start3A_807 : memref<1x1600xi32, #tpu.memory_space<hbm>> -> memref<1600xi32, #tpu.memory_space<hbm>>
      %dma_start3A_809 = tpu.memref_slice %arg2[%run_scoped3A_141, %mul3A_2] : memref<26x51200xi32, #tpu.memory_space<hbm>> -> memref<1x1600xi32, #tpu.memory_space<hbm>>
      %dma_start3A_810 = tpu.memref_squeeze %dma_start3A_809 : memref<1x1600xi32, #tpu.memory_space<hbm>> -> memref<1600xi32, #tpu.memory_space<hbm>>
      tpu.enqueue_dma source(%dma_start3A_810 : memref<1600xi32, #tpu.memory_space<hbm>>) target(%arg7 : memref<1600xi32, #tpu.memory_space<vmem>>) target_semaphore(%run_scoped3A_806 : memref<!tpu.dma_semaphore, #tpu.memory_space<semaphore_mem>>)
      %dma_wait3A_811 = tpu.memref_slice %arg2[%run_scoped3A_141, %mul3A_2] : memref<26x51200xi32, #tpu.memory_space<hbm>> -> memref<1x1600xi32, #tpu.memory_space<hbm>>
      %dma_wait3A_812 = tpu.memref_squeeze %dma_wait3A_811 : memref<1x1600xi32, #tpu.memory_space<hbm>> -> memref<1600xi32, #tpu.memory_space<hbm>>
      %dma_wait3A_813 = tpu.memref_slice %arg2[%run_scoped3A_141, %mul3A_2] : memref<26x51200xi32, #tpu.memory_space<hbm>> -> memref<1x1600xi32, #tpu.memory_space<hbm>>
      %dma_wait3A_814 = tpu.memref_squeeze %dma_wait3A_813 : memref<1x1600xi32, #tpu.memory_space<hbm>> -> memref<1600xi32, #tpu.memory_space<hbm>>
      tpu.wait_dma2 semaphore(%run_scoped3A_806 : memref<!tpu.dma_semaphore, #tpu.memory_space<semaphore_mem>>) src(%dma_wait3A_814 : memref<1600xi32, #tpu.memory_space<hbm>>) dst(%arg7 : memref<1600xi32, #tpu.memory_space<vmem>>)
      tpu.yield
    }) : () -> ()
    %dma_wait3A_142 = arith.constant 0 : i32
    %dma_wait3A_143 = arith.constant 96 : i32
    %dma_wait3A_144 = tpu.memref_slice %arg4[%dma_wait3A_142, %mul3A_2, %dma_wait3A_143] : memref<7x51200x128xf32, #tpu.memory_space<hbm>> -> memref<1x1600x32xf32, #tpu.memory_space<hbm>>
    %dma_wait3A_145 = tpu.memref_squeeze %dma_wait3A_144 : memref<1x1600x32xf32, #tpu.memory_space<hbm>> -> memref<1600x32xf32, #tpu.memory_space<hbm>>
    %dma_wait3A_146 = arith.constant 96 : i32
    %dma_wait3A_147 = tpu.memref_slice %arg4[%dma_wait3A_142, %mul3A_2, %dma_wait3A_146] : memref<7x51200x128xf32, #tpu.memory_space<hbm>> -> memref<1x1600x32xf32, #tpu.memory_space<hbm>>
    %dma_wait3A_148 = tpu.memref_squeeze %dma_wait3A_147 : memref<1x1600x32xf32, #tpu.memory_space<hbm>> -> memref<1600x32xf32, #tpu.memory_space<hbm>>
    tpu.wait_dma2 semaphore(%arg10 : memref<!tpu.dma_semaphore, #tpu.memory_space<semaphore_mem>>) src(%arg6 : memref<1600x32xf32, #tpu.memory_space<vmem>>) dst(%dma_wait3A_148 : memref<1600x32xf32, #tpu.memory_space<hbm>>)
    %dma_start3A_149 = arith.constant 5 : i32
    %dma_start3A_150 = arith.constant 0 : i32
    %dma_start3A_151 = arith.constant 0 : i32
    %dma_start3A_152 = tpu.memref_slice %arg3[%dma_start3A_149, %dma_start3A_150, %dma_start3A_151] : memref<26x100000x32xf32, #tpu.memory_space<hbm>> -> memref<1x100000x32xf32, #tpu.memory_space<hbm>>
    %dma_start3A_153 = tpu.memref_squeeze %dma_start3A_152 : memref<1x100000x32xf32, #tpu.memory_space<hbm>> -> memref<100000x32xf32, #tpu.memory_space<hbm>>
    %dma_start3A_154 = arith.constant 0 : i32
    %dma_start3A_155 = arith.constant 0 : i32
    %dma_start3A_156 = tpu.memref_slice %dma_start3A_153[%dma_start3A_154, %dma_start3A_155] : memref<100000x32xf32, #tpu.memory_space<hbm>> -> memref<100000x32xf32, #tpu.memory_space<hbm>>
    tpu.enqueue_indirect_dma source(%dma_start3A_156 : memref<100000x32xf32, #tpu.memory_space<hbm>>) target(%arg6 : memref<1600x32xf32, #tpu.memory_space<vmem>>) offsets(%arg7 : memref<1600xi32, #tpu.memory_space<vmem>>) semaphore(%arg8 : memref<!tpu.dma_semaphore, #tpu.memory_space<semaphore_mem>>)
    %dma_wait3A_157 = arith.constant 5 : i32
    %dma_wait3A_158 = arith.constant 0 : i32
    %dma_wait3A_159 = arith.constant 0 : i32
    %dma_wait3A_160 = tpu.memref_slice %arg3[%dma_wait3A_157, %dma_wait3A_158, %dma_wait3A_159] : memref<26x100000x32xf32, #tpu.memory_space<hbm>> -> memref<1x100000x32xf32, #tpu.memory_space<hbm>>
    %dma_wait3A_161 = tpu.memref_squeeze %dma_wait3A_160 : memref<1x100000x32xf32, #tpu.memory_space<hbm>> -> memref<100000x32xf32, #tpu.memory_space<hbm>>
    %dma_wait3A_162 = arith.constant 0 : i32
    %dma_wait3A_163 = arith.constant 0 : i32
    %dma_wait3A_164 = tpu.memref_slice %dma_wait3A_161[%dma_wait3A_162, %dma_wait3A_163] : memref<100000x32xf32, #tpu.memory_space<hbm>> -> memref<100000x32xf32, #tpu.memory_space<hbm>>
    tpu.wait_indirect_dma semaphore(%arg8 : memref<!tpu.dma_semaphore, #tpu.memory_space<semaphore_mem>>) src(%dma_wait3A_164 : memref<100000x32xf32, #tpu.memory_space<hbm>>) dst(%arg6 : memref<1600x32xf32, #tpu.memory_space<vmem>>)
    %dma_start3A_165 = arith.constant 1 : i32
    %dma_start3A_166 = arith.constant 32 : i32
    %dma_start3A_167 = tpu.memref_slice %arg4[%dma_start3A_165, %mul3A_2, %dma_start3A_166] : memref<7x51200x128xf32, #tpu.memory_space<hbm>> -> memref<1x1600x32xf32, #tpu.memory_space<hbm>>
    %dma_start3A_168 = tpu.memref_squeeze %dma_start3A_167 : memref<1x1600x32xf32, #tpu.memory_space<hbm>> -> memref<1600x32xf32, #tpu.memory_space<hbm>>
    %dma_start3A_169 = arith.constant 32 : i32
    %dma_start3A_170 = tpu.memref_slice %arg4[%dma_start3A_165, %mul3A_2, %dma_start3A_169] : memref<7x51200x128xf32, #tpu.memory_space<hbm>> -> memref<1x1600x32xf32, #tpu.memory_space<hbm>>
    %dma_start3A_171 = tpu.memref_squeeze %dma_start3A_170 : memref<1x1600x32xf32, #tpu.memory_space<hbm>> -> memref<1600x32xf32, #tpu.memory_space<hbm>>
    tpu.enqueue_dma source(%arg6 : memref<1600x32xf32, #tpu.memory_space<vmem>>) target(%dma_start3A_171 : memref<1600x32xf32, #tpu.memory_space<hbm>>) target_semaphore(%arg10 : memref<!tpu.dma_semaphore, #tpu.memory_space<semaphore_mem>>)
    %run_scoped3A_172 = arith.constant 6 : i32
    "tpu.region"() ({
      %run_scoped3A_806 = tpu.sem_alloc : memref<!tpu.dma_semaphore, #tpu.memory_space<semaphore_mem>>
      %dma_start3A_807 = tpu.memref_slice %arg2[%run_scoped3A_172, %mul3A_2] : memref<26x51200xi32, #tpu.memory_space<hbm>> -> memref<1x1600xi32, #tpu.memory_space<hbm>>
      %dma_start3A_808 = tpu.memref_squeeze %dma_start3A_807 : memref<1x1600xi32, #tpu.memory_space<hbm>> -> memref<1600xi32, #tpu.memory_space<hbm>>
      %dma_start3A_809 = tpu.memref_slice %arg2[%run_scoped3A_172, %mul3A_2] : memref<26x51200xi32, #tpu.memory_space<hbm>> -> memref<1x1600xi32, #tpu.memory_space<hbm>>
      %dma_start3A_810 = tpu.memref_squeeze %dma_start3A_809 : memref<1x1600xi32, #tpu.memory_space<hbm>> -> memref<1600xi32, #tpu.memory_space<hbm>>
      tpu.enqueue_dma source(%dma_start3A_810 : memref<1600xi32, #tpu.memory_space<hbm>>) target(%arg7 : memref<1600xi32, #tpu.memory_space<vmem>>) target_semaphore(%run_scoped3A_806 : memref<!tpu.dma_semaphore, #tpu.memory_space<semaphore_mem>>)
      %dma_wait3A_811 = tpu.memref_slice %arg2[%run_scoped3A_172, %mul3A_2] : memref<26x51200xi32, #tpu.memory_space<hbm>> -> memref<1x1600xi32, #tpu.memory_space<hbm>>
      %dma_wait3A_812 = tpu.memref_squeeze %dma_wait3A_811 : memref<1x1600xi32, #tpu.memory_space<hbm>> -> memref<1600xi32, #tpu.memory_space<hbm>>
      %dma_wait3A_813 = tpu.memref_slice %arg2[%run_scoped3A_172, %mul3A_2] : memref<26x51200xi32, #tpu.memory_space<hbm>> -> memref<1x1600xi32, #tpu.memory_space<hbm>>
      %dma_wait3A_814 = tpu.memref_squeeze %dma_wait3A_813 : memref<1x1600xi32, #tpu.memory_space<hbm>> -> memref<1600xi32, #tpu.memory_space<hbm>>
      tpu.wait_dma2 semaphore(%run_scoped3A_806 : memref<!tpu.dma_semaphore, #tpu.memory_space<semaphore_mem>>) src(%dma_wait3A_814 : memref<1600xi32, #tpu.memory_space<hbm>>) dst(%arg7 : memref<1600xi32, #tpu.memory_space<vmem>>)
      tpu.yield
    }) : () -> ()
    %dma_wait3A_173 = arith.constant 1 : i32
    %dma_wait3A_174 = arith.constant 0 : i32
    %dma_wait3A_175 = tpu.memref_slice %arg4[%dma_wait3A_173, %mul3A_2, %dma_wait3A_174] : memref<7x51200x128xf32, #tpu.memory_space<hbm>> -> memref<1x1600x32xf32, #tpu.memory_space<hbm>>
    %dma_wait3A_176 = tpu.memref_squeeze %dma_wait3A_175 : memref<1x1600x32xf32, #tpu.memory_space<hbm>> -> memref<1600x32xf32, #tpu.memory_space<hbm>>
    %dma_wait3A_177 = arith.constant 0 : i32
    %dma_wait3A_178 = tpu.memref_slice %arg4[%dma_wait3A_173, %mul3A_2, %dma_wait3A_177] : memref<7x51200x128xf32, #tpu.memory_space<hbm>> -> memref<1x1600x32xf32, #tpu.memory_space<hbm>>
    %dma_wait3A_179 = tpu.memref_squeeze %dma_wait3A_178 : memref<1x1600x32xf32, #tpu.memory_space<hbm>> -> memref<1600x32xf32, #tpu.memory_space<hbm>>
    tpu.wait_dma2 semaphore(%arg9 : memref<!tpu.dma_semaphore, #tpu.memory_space<semaphore_mem>>) src(%arg5 : memref<1600x32xf32, #tpu.memory_space<vmem>>) dst(%dma_wait3A_179 : memref<1600x32xf32, #tpu.memory_space<hbm>>)
    %dma_start3A_180 = arith.constant 6 : i32
    %dma_start3A_181 = arith.constant 0 : i32
    %dma_start3A_182 = arith.constant 0 : i32
    %dma_start3A_183 = tpu.memref_slice %arg3[%dma_start3A_180, %dma_start3A_181, %dma_start3A_182] : memref<26x100000x32xf32, #tpu.memory_space<hbm>> -> memref<1x100000x32xf32, #tpu.memory_space<hbm>>
    %dma_start3A_184 = tpu.memref_squeeze %dma_start3A_183 : memref<1x100000x32xf32, #tpu.memory_space<hbm>> -> memref<100000x32xf32, #tpu.memory_space<hbm>>
    %dma_start3A_185 = arith.constant 0 : i32
    %dma_start3A_186 = arith.constant 0 : i32
    %dma_start3A_187 = tpu.memref_slice %dma_start3A_184[%dma_start3A_185, %dma_start3A_186] : memref<100000x32xf32, #tpu.memory_space<hbm>> -> memref<100000x32xf32, #tpu.memory_space<hbm>>
    tpu.enqueue_indirect_dma source(%dma_start3A_187 : memref<100000x32xf32, #tpu.memory_space<hbm>>) target(%arg5 : memref<1600x32xf32, #tpu.memory_space<vmem>>) offsets(%arg7 : memref<1600xi32, #tpu.memory_space<vmem>>) semaphore(%arg8 : memref<!tpu.dma_semaphore, #tpu.memory_space<semaphore_mem>>)
    %dma_wait3A_188 = arith.constant 6 : i32
    %dma_wait3A_189 = arith.constant 0 : i32
    %dma_wait3A_190 = arith.constant 0 : i32
    %dma_wait3A_191 = tpu.memref_slice %arg3[%dma_wait3A_188, %dma_wait3A_189, %dma_wait3A_190] : memref<26x100000x32xf32, #tpu.memory_space<hbm>> -> memref<1x100000x32xf32, #tpu.memory_space<hbm>>
    %dma_wait3A_192 = tpu.memref_squeeze %dma_wait3A_191 : memref<1x100000x32xf32, #tpu.memory_space<hbm>> -> memref<100000x32xf32, #tpu.memory_space<hbm>>
    %dma_wait3A_193 = arith.constant 0 : i32
    %dma_wait3A_194 = arith.constant 0 : i32
    %dma_wait3A_195 = tpu.memref_slice %dma_wait3A_192[%dma_wait3A_193, %dma_wait3A_194] : memref<100000x32xf32, #tpu.memory_space<hbm>> -> memref<100000x32xf32, #tpu.memory_space<hbm>>
    tpu.wait_indirect_dma semaphore(%arg8 : memref<!tpu.dma_semaphore, #tpu.memory_space<semaphore_mem>>) src(%dma_wait3A_195 : memref<100000x32xf32, #tpu.memory_space<hbm>>) dst(%arg5 : memref<1600x32xf32, #tpu.memory_space<vmem>>)
    %dma_start3A_196 = arith.constant 1 : i32
    %dma_start3A_197 = arith.constant 64 : i32
    %dma_start3A_198 = tpu.memref_slice %arg4[%dma_start3A_196, %mul3A_2, %dma_start3A_197] : memref<7x51200x128xf32, #tpu.memory_space<hbm>> -> memref<1x1600x32xf32, #tpu.memory_space<hbm>>
    %dma_start3A_199 = tpu.memref_squeeze %dma_start3A_198 : memref<1x1600x32xf32, #tpu.memory_space<hbm>> -> memref<1600x32xf32, #tpu.memory_space<hbm>>
    %dma_start3A_200 = arith.constant 64 : i32
    %dma_start3A_201 = tpu.memref_slice %arg4[%dma_start3A_196, %mul3A_2, %dma_start3A_200] : memref<7x51200x128xf32, #tpu.memory_space<hbm>> -> memref<1x1600x32xf32, #tpu.memory_space<hbm>>
    %dma_start3A_202 = tpu.memref_squeeze %dma_start3A_201 : memref<1x1600x32xf32, #tpu.memory_space<hbm>> -> memref<1600x32xf32, #tpu.memory_space<hbm>>
    tpu.enqueue_dma source(%arg5 : memref<1600x32xf32, #tpu.memory_space<vmem>>) target(%dma_start3A_202 : memref<1600x32xf32, #tpu.memory_space<hbm>>) target_semaphore(%arg9 : memref<!tpu.dma_semaphore, #tpu.memory_space<semaphore_mem>>)
    %run_scoped3A_203 = arith.constant 7 : i32
    "tpu.region"() ({
      %run_scoped3A_806 = tpu.sem_alloc : memref<!tpu.dma_semaphore, #tpu.memory_space<semaphore_mem>>
      %dma_start3A_807 = tpu.memref_slice %arg2[%run_scoped3A_203, %mul3A_2] : memref<26x51200xi32, #tpu.memory_space<hbm>> -> memref<1x1600xi32, #tpu.memory_space<hbm>>
      %dma_start3A_808 = tpu.memref_squeeze %dma_start3A_807 : memref<1x1600xi32, #tpu.memory_space<hbm>> -> memref<1600xi32, #tpu.memory_space<hbm>>
      %dma_start3A_809 = tpu.memref_slice %arg2[%run_scoped3A_203, %mul3A_2] : memref<26x51200xi32, #tpu.memory_space<hbm>> -> memref<1x1600xi32, #tpu.memory_space<hbm>>
      %dma_start3A_810 = tpu.memref_squeeze %dma_start3A_809 : memref<1x1600xi32, #tpu.memory_space<hbm>> -> memref<1600xi32, #tpu.memory_space<hbm>>
      tpu.enqueue_dma source(%dma_start3A_810 : memref<1600xi32, #tpu.memory_space<hbm>>) target(%arg7 : memref<1600xi32, #tpu.memory_space<vmem>>) target_semaphore(%run_scoped3A_806 : memref<!tpu.dma_semaphore, #tpu.memory_space<semaphore_mem>>)
      %dma_wait3A_811 = tpu.memref_slice %arg2[%run_scoped3A_203, %mul3A_2] : memref<26x51200xi32, #tpu.memory_space<hbm>> -> memref<1x1600xi32, #tpu.memory_space<hbm>>
      %dma_wait3A_812 = tpu.memref_squeeze %dma_wait3A_811 : memref<1x1600xi32, #tpu.memory_space<hbm>> -> memref<1600xi32, #tpu.memory_space<hbm>>
      %dma_wait3A_813 = tpu.memref_slice %arg2[%run_scoped3A_203, %mul3A_2] : memref<26x51200xi32, #tpu.memory_space<hbm>> -> memref<1x1600xi32, #tpu.memory_space<hbm>>
      %dma_wait3A_814 = tpu.memref_squeeze %dma_wait3A_813 : memref<1x1600xi32, #tpu.memory_space<hbm>> -> memref<1600xi32, #tpu.memory_space<hbm>>
      tpu.wait_dma2 semaphore(%run_scoped3A_806 : memref<!tpu.dma_semaphore, #tpu.memory_space<semaphore_mem>>) src(%dma_wait3A_814 : memref<1600xi32, #tpu.memory_space<hbm>>) dst(%arg7 : memref<1600xi32, #tpu.memory_space<vmem>>)
      tpu.yield
    }) : () -> ()
    %dma_wait3A_204 = arith.constant 1 : i32
    %dma_wait3A_205 = arith.constant 32 : i32
    %dma_wait3A_206 = tpu.memref_slice %arg4[%dma_wait3A_204, %mul3A_2, %dma_wait3A_205] : memref<7x51200x128xf32, #tpu.memory_space<hbm>> -> memref<1x1600x32xf32, #tpu.memory_space<hbm>>
    %dma_wait3A_207 = tpu.memref_squeeze %dma_wait3A_206 : memref<1x1600x32xf32, #tpu.memory_space<hbm>> -> memref<1600x32xf32, #tpu.memory_space<hbm>>
    %dma_wait3A_208 = arith.constant 32 : i32
    %dma_wait3A_209 = tpu.memref_slice %arg4[%dma_wait3A_204, %mul3A_2, %dma_wait3A_208] : memref<7x51200x128xf32, #tpu.memory_space<hbm>> -> memref<1x1600x32xf32, #tpu.memory_space<hbm>>
    %dma_wait3A_210 = tpu.memref_squeeze %dma_wait3A_209 : memref<1x1600x32xf32, #tpu.memory_space<hbm>> -> memref<1600x32xf32, #tpu.memory_space<hbm>>
    tpu.wait_dma2 semaphore(%arg10 : memref<!tpu.dma_semaphore, #tpu.memory_space<semaphore_mem>>) src(%arg6 : memref<1600x32xf32, #tpu.memory_space<vmem>>) dst(%dma_wait3A_210 : memref<1600x32xf32, #tpu.memory_space<hbm>>)
    %dma_start3A_211 = arith.constant 7 : i32
    %dma_start3A_212 = arith.constant 0 : i32
    %dma_start3A_213 = arith.constant 0 : i32
    %dma_start3A_214 = tpu.memref_slice %arg3[%dma_start3A_211, %dma_start3A_212, %dma_start3A_213] : memref<26x100000x32xf32, #tpu.memory_space<hbm>> -> memref<1x100000x32xf32, #tpu.memory_space<hbm>>
    %dma_start3A_215 = tpu.memref_squeeze %dma_start3A_214 : memref<1x100000x32xf32, #tpu.memory_space<hbm>> -> memref<100000x32xf32, #tpu.memory_space<hbm>>
    %dma_start3A_216 = arith.constant 0 : i32
    %dma_start3A_217 = arith.constant 0 : i32
    %dma_start3A_218 = tpu.memref_slice %dma_start3A_215[%dma_start3A_216, %dma_start3A_217] : memref<100000x32xf32, #tpu.memory_space<hbm>> -> memref<100000x32xf32, #tpu.memory_space<hbm>>
    tpu.enqueue_indirect_dma source(%dma_start3A_218 : memref<100000x32xf32, #tpu.memory_space<hbm>>) target(%arg6 : memref<1600x32xf32, #tpu.memory_space<vmem>>) offsets(%arg7 : memref<1600xi32, #tpu.memory_space<vmem>>) semaphore(%arg8 : memref<!tpu.dma_semaphore, #tpu.memory_space<semaphore_mem>>)
    %dma_wait3A_219 = arith.constant 7 : i32
    %dma_wait3A_220 = arith.constant 0 : i32
    %dma_wait3A_221 = arith.constant 0 : i32
    %dma_wait3A_222 = tpu.memref_slice %arg3[%dma_wait3A_219, %dma_wait3A_220, %dma_wait3A_221] : memref<26x100000x32xf32, #tpu.memory_space<hbm>> -> memref<1x100000x32xf32, #tpu.memory_space<hbm>>
    %dma_wait3A_223 = tpu.memref_squeeze %dma_wait3A_222 : memref<1x100000x32xf32, #tpu.memory_space<hbm>> -> memref<100000x32xf32, #tpu.memory_space<hbm>>
    %dma_wait3A_224 = arith.constant 0 : i32
    %dma_wait3A_225 = arith.constant 0 : i32
    %dma_wait3A_226 = tpu.memref_slice %dma_wait3A_223[%dma_wait3A_224, %dma_wait3A_225] : memref<100000x32xf32, #tpu.memory_space<hbm>> -> memref<100000x32xf32, #tpu.memory_space<hbm>>
    tpu.wait_indirect_dma semaphore(%arg8 : memref<!tpu.dma_semaphore, #tpu.memory_space<semaphore_mem>>) src(%dma_wait3A_226 : memref<100000x32xf32, #tpu.memory_space<hbm>>) dst(%arg6 : memref<1600x32xf32, #tpu.memory_space<vmem>>)
    %dma_start3A_227 = arith.constant 1 : i32
    %dma_start3A_228 = arith.constant 96 : i32
    %dma_start3A_229 = tpu.memref_slice %arg4[%dma_start3A_227, %mul3A_2, %dma_start3A_228] : memref<7x51200x128xf32, #tpu.memory_space<hbm>> -> memref<1x1600x32xf32, #tpu.memory_space<hbm>>
    %dma_start3A_230 = tpu.memref_squeeze %dma_start3A_229 : memref<1x1600x32xf32, #tpu.memory_space<hbm>> -> memref<1600x32xf32, #tpu.memory_space<hbm>>
    %dma_start3A_231 = arith.constant 96 : i32
    %dma_start3A_232 = tpu.memref_slice %arg4[%dma_start3A_227, %mul3A_2, %dma_start3A_231] : memref<7x51200x128xf32, #tpu.memory_space<hbm>> -> memref<1x1600x32xf32, #tpu.memory_space<hbm>>
    %dma_start3A_233 = tpu.memref_squeeze %dma_start3A_232 : memref<1x1600x32xf32, #tpu.memory_space<hbm>> -> memref<1600x32xf32, #tpu.memory_space<hbm>>
    tpu.enqueue_dma source(%arg6 : memref<1600x32xf32, #tpu.memory_space<vmem>>) target(%dma_start3A_233 : memref<1600x32xf32, #tpu.memory_space<hbm>>) target_semaphore(%arg10 : memref<!tpu.dma_semaphore, #tpu.memory_space<semaphore_mem>>)
    %run_scoped3A_234 = arith.constant 8 : i32
    "tpu.region"() ({
      %run_scoped3A_806 = tpu.sem_alloc : memref<!tpu.dma_semaphore, #tpu.memory_space<semaphore_mem>>
      %dma_start3A_807 = tpu.memref_slice %arg2[%run_scoped3A_234, %mul3A_2] : memref<26x51200xi32, #tpu.memory_space<hbm>> -> memref<1x1600xi32, #tpu.memory_space<hbm>>
      %dma_start3A_808 = tpu.memref_squeeze %dma_start3A_807 : memref<1x1600xi32, #tpu.memory_space<hbm>> -> memref<1600xi32, #tpu.memory_space<hbm>>
      %dma_start3A_809 = tpu.memref_slice %arg2[%run_scoped3A_234, %mul3A_2] : memref<26x51200xi32, #tpu.memory_space<hbm>> -> memref<1x1600xi32, #tpu.memory_space<hbm>>
      %dma_start3A_810 = tpu.memref_squeeze %dma_start3A_809 : memref<1x1600xi32, #tpu.memory_space<hbm>> -> memref<1600xi32, #tpu.memory_space<hbm>>
      tpu.enqueue_dma source(%dma_start3A_810 : memref<1600xi32, #tpu.memory_space<hbm>>) target(%arg7 : memref<1600xi32, #tpu.memory_space<vmem>>) target_semaphore(%run_scoped3A_806 : memref<!tpu.dma_semaphore, #tpu.memory_space<semaphore_mem>>)
      %dma_wait3A_811 = tpu.memref_slice %arg2[%run_scoped3A_234, %mul3A_2] : memref<26x51200xi32, #tpu.memory_space<hbm>> -> memref<1x1600xi32, #tpu.memory_space<hbm>>
      %dma_wait3A_812 = tpu.memref_squeeze %dma_wait3A_811 : memref<1x1600xi32, #tpu.memory_space<hbm>> -> memref<1600xi32, #tpu.memory_space<hbm>>
      %dma_wait3A_813 = tpu.memref_slice %arg2[%run_scoped3A_234, %mul3A_2] : memref<26x51200xi32, #tpu.memory_space<hbm>> -> memref<1x1600xi32, #tpu.memory_space<hbm>>
      %dma_wait3A_814 = tpu.memref_squeeze %dma_wait3A_813 : memref<1x1600xi32, #tpu.memory_space<hbm>> -> memref<1600xi32, #tpu.memory_space<hbm>>
      tpu.wait_dma2 semaphore(%run_scoped3A_806 : memref<!tpu.dma_semaphore, #tpu.memory_space<semaphore_mem>>) src(%dma_wait3A_814 : memref<1600xi32, #tpu.memory_space<hbm>>) dst(%arg7 : memref<1600xi32, #tpu.memory_space<vmem>>)
      tpu.yield
    }) : () -> ()
    %dma_wait3A_235 = arith.constant 1 : i32
    %dma_wait3A_236 = arith.constant 64 : i32
    %dma_wait3A_237 = tpu.memref_slice %arg4[%dma_wait3A_235, %mul3A_2, %dma_wait3A_236] : memref<7x51200x128xf32, #tpu.memory_space<hbm>> -> memref<1x1600x32xf32, #tpu.memory_space<hbm>>
    %dma_wait3A_238 = tpu.memref_squeeze %dma_wait3A_237 : memref<1x1600x32xf32, #tpu.memory_space<hbm>> -> memref<1600x32xf32, #tpu.memory_space<hbm>>
    %dma_wait3A_239 = arith.constant 64 : i32
    %dma_wait3A_240 = tpu.memref_slice %arg4[%dma_wait3A_235, %mul3A_2, %dma_wait3A_239] : memref<7x51200x128xf32, #tpu.memory_space<hbm>> -> memref<1x1600x32xf32, #tpu.memory_space<hbm>>
    %dma_wait3A_241 = tpu.memref_squeeze %dma_wait3A_240 : memref<1x1600x32xf32, #tpu.memory_space<hbm>> -> memref<1600x32xf32, #tpu.memory_space<hbm>>
    tpu.wait_dma2 semaphore(%arg9 : memref<!tpu.dma_semaphore, #tpu.memory_space<semaphore_mem>>) src(%arg5 : memref<1600x32xf32, #tpu.memory_space<vmem>>) dst(%dma_wait3A_241 : memref<1600x32xf32, #tpu.memory_space<hbm>>)
    %dma_start3A_242 = arith.constant 8 : i32
    %dma_start3A_243 = arith.constant 0 : i32
    %dma_start3A_244 = arith.constant 0 : i32
    %dma_start3A_245 = tpu.memref_slice %arg3[%dma_start3A_242, %dma_start3A_243, %dma_start3A_244] : memref<26x100000x32xf32, #tpu.memory_space<hbm>> -> memref<1x100000x32xf32, #tpu.memory_space<hbm>>
    %dma_start3A_246 = tpu.memref_squeeze %dma_start3A_245 : memref<1x100000x32xf32, #tpu.memory_space<hbm>> -> memref<100000x32xf32, #tpu.memory_space<hbm>>
    %dma_start3A_247 = arith.constant 0 : i32
    %dma_start3A_248 = arith.constant 0 : i32
    %dma_start3A_249 = tpu.memref_slice %dma_start3A_246[%dma_start3A_247, %dma_start3A_248] : memref<100000x32xf32, #tpu.memory_space<hbm>> -> memref<100000x32xf32, #tpu.memory_space<hbm>>
    tpu.enqueue_indirect_dma source(%dma_start3A_249 : memref<100000x32xf32, #tpu.memory_space<hbm>>) target(%arg5 : memref<1600x32xf32, #tpu.memory_space<vmem>>) offsets(%arg7 : memref<1600xi32, #tpu.memory_space<vmem>>) semaphore(%arg8 : memref<!tpu.dma_semaphore, #tpu.memory_space<semaphore_mem>>)
    %dma_wait3A_250 = arith.constant 8 : i32
    %dma_wait3A_251 = arith.constant 0 : i32
    %dma_wait3A_252 = arith.constant 0 : i32
    %dma_wait3A_253 = tpu.memref_slice %arg3[%dma_wait3A_250, %dma_wait3A_251, %dma_wait3A_252] : memref<26x100000x32xf32, #tpu.memory_space<hbm>> -> memref<1x100000x32xf32, #tpu.memory_space<hbm>>
    %dma_wait3A_254 = tpu.memref_squeeze %dma_wait3A_253 : memref<1x100000x32xf32, #tpu.memory_space<hbm>> -> memref<100000x32xf32, #tpu.memory_space<hbm>>
    %dma_wait3A_255 = arith.constant 0 : i32
    %dma_wait3A_256 = arith.constant 0 : i32
    %dma_wait3A_257 = tpu.memref_slice %dma_wait3A_254[%dma_wait3A_255, %dma_wait3A_256] : memref<100000x32xf32, #tpu.memory_space<hbm>> -> memref<100000x32xf32, #tpu.memory_space<hbm>>
    tpu.wait_indirect_dma semaphore(%arg8 : memref<!tpu.dma_semaphore, #tpu.memory_space<semaphore_mem>>) src(%dma_wait3A_257 : memref<100000x32xf32, #tpu.memory_space<hbm>>) dst(%arg5 : memref<1600x32xf32, #tpu.memory_space<vmem>>)
    %dma_start3A_258 = arith.constant 2 : i32
    %dma_start3A_259 = arith.constant 0 : i32
    %dma_start3A_260 = tpu.memref_slice %arg4[%dma_start3A_258, %mul3A_2, %dma_start3A_259] : memref<7x51200x128xf32, #tpu.memory_space<hbm>> -> memref<1x1600x32xf32, #tpu.memory_space<hbm>>
    %dma_start3A_261 = tpu.memref_squeeze %dma_start3A_260 : memref<1x1600x32xf32, #tpu.memory_space<hbm>> -> memref<1600x32xf32, #tpu.memory_space<hbm>>
    %dma_start3A_262 = arith.constant 0 : i32
    %dma_start3A_263 = tpu.memref_slice %arg4[%dma_start3A_258, %mul3A_2, %dma_start3A_262] : memref<7x51200x128xf32, #tpu.memory_space<hbm>> -> memref<1x1600x32xf32, #tpu.memory_space<hbm>>
    %dma_start3A_264 = tpu.memref_squeeze %dma_start3A_263 : memref<1x1600x32xf32, #tpu.memory_space<hbm>> -> memref<1600x32xf32, #tpu.memory_space<hbm>>
    tpu.enqueue_dma source(%arg5 : memref<1600x32xf32, #tpu.memory_space<vmem>>) target(%dma_start3A_264 : memref<1600x32xf32, #tpu.memory_space<hbm>>) target_semaphore(%arg9 : memref<!tpu.dma_semaphore, #tpu.memory_space<semaphore_mem>>)
    %run_scoped3A_265 = arith.constant 9 : i32
    "tpu.region"() ({
      %run_scoped3A_806 = tpu.sem_alloc : memref<!tpu.dma_semaphore, #tpu.memory_space<semaphore_mem>>
      %dma_start3A_807 = tpu.memref_slice %arg2[%run_scoped3A_265, %mul3A_2] : memref<26x51200xi32, #tpu.memory_space<hbm>> -> memref<1x1600xi32, #tpu.memory_space<hbm>>
      %dma_start3A_808 = tpu.memref_squeeze %dma_start3A_807 : memref<1x1600xi32, #tpu.memory_space<hbm>> -> memref<1600xi32, #tpu.memory_space<hbm>>
      %dma_start3A_809 = tpu.memref_slice %arg2[%run_scoped3A_265, %mul3A_2] : memref<26x51200xi32, #tpu.memory_space<hbm>> -> memref<1x1600xi32, #tpu.memory_space<hbm>>
      %dma_start3A_810 = tpu.memref_squeeze %dma_start3A_809 : memref<1x1600xi32, #tpu.memory_space<hbm>> -> memref<1600xi32, #tpu.memory_space<hbm>>
      tpu.enqueue_dma source(%dma_start3A_810 : memref<1600xi32, #tpu.memory_space<hbm>>) target(%arg7 : memref<1600xi32, #tpu.memory_space<vmem>>) target_semaphore(%run_scoped3A_806 : memref<!tpu.dma_semaphore, #tpu.memory_space<semaphore_mem>>)
      %dma_wait3A_811 = tpu.memref_slice %arg2[%run_scoped3A_265, %mul3A_2] : memref<26x51200xi32, #tpu.memory_space<hbm>> -> memref<1x1600xi32, #tpu.memory_space<hbm>>
      %dma_wait3A_812 = tpu.memref_squeeze %dma_wait3A_811 : memref<1x1600xi32, #tpu.memory_space<hbm>> -> memref<1600xi32, #tpu.memory_space<hbm>>
      %dma_wait3A_813 = tpu.memref_slice %arg2[%run_scoped3A_265, %mul3A_2] : memref<26x51200xi32, #tpu.memory_space<hbm>> -> memref<1x1600xi32, #tpu.memory_space<hbm>>
      %dma_wait3A_814 = tpu.memref_squeeze %dma_wait3A_813 : memref<1x1600xi32, #tpu.memory_space<hbm>> -> memref<1600xi32, #tpu.memory_space<hbm>>
      tpu.wait_dma2 semaphore(%run_scoped3A_806 : memref<!tpu.dma_semaphore, #tpu.memory_space<semaphore_mem>>) src(%dma_wait3A_814 : memref<1600xi32, #tpu.memory_space<hbm>>) dst(%arg7 : memref<1600xi32, #tpu.memory_space<vmem>>)
      tpu.yield
    }) : () -> ()
    %dma_wait3A_266 = arith.constant 1 : i32
    %dma_wait3A_267 = arith.constant 96 : i32
    %dma_wait3A_268 = tpu.memref_slice %arg4[%dma_wait3A_266, %mul3A_2, %dma_wait3A_267] : memref<7x51200x128xf32, #tpu.memory_space<hbm>> -> memref<1x1600x32xf32, #tpu.memory_space<hbm>>
    %dma_wait3A_269 = tpu.memref_squeeze %dma_wait3A_268 : memref<1x1600x32xf32, #tpu.memory_space<hbm>> -> memref<1600x32xf32, #tpu.memory_space<hbm>>
    %dma_wait3A_270 = arith.constant 96 : i32
    %dma_wait3A_271 = tpu.memref_slice %arg4[%dma_wait3A_266, %mul3A_2, %dma_wait3A_270] : memref<7x51200x128xf32, #tpu.memory_space<hbm>> -> memref<1x1600x32xf32, #tpu.memory_space<hbm>>
    %dma_wait3A_272 = tpu.memref_squeeze %dma_wait3A_271 : memref<1x1600x32xf32, #tpu.memory_space<hbm>> -> memref<1600x32xf32, #tpu.memory_space<hbm>>
    tpu.wait_dma2 semaphore(%arg10 : memref<!tpu.dma_semaphore, #tpu.memory_space<semaphore_mem>>) src(%arg6 : memref<1600x32xf32, #tpu.memory_space<vmem>>) dst(%dma_wait3A_272 : memref<1600x32xf32, #tpu.memory_space<hbm>>)
    %dma_start3A_273 = arith.constant 9 : i32
    %dma_start3A_274 = arith.constant 0 : i32
    %dma_start3A_275 = arith.constant 0 : i32
    %dma_start3A_276 = tpu.memref_slice %arg3[%dma_start3A_273, %dma_start3A_274, %dma_start3A_275] : memref<26x100000x32xf32, #tpu.memory_space<hbm>> -> memref<1x100000x32xf32, #tpu.memory_space<hbm>>
    %dma_start3A_277 = tpu.memref_squeeze %dma_start3A_276 : memref<1x100000x32xf32, #tpu.memory_space<hbm>> -> memref<100000x32xf32, #tpu.memory_space<hbm>>
    %dma_start3A_278 = arith.constant 0 : i32
    %dma_start3A_279 = arith.constant 0 : i32
    %dma_start3A_280 = tpu.memref_slice %dma_start3A_277[%dma_start3A_278, %dma_start3A_279] : memref<100000x32xf32, #tpu.memory_space<hbm>> -> memref<100000x32xf32, #tpu.memory_space<hbm>>
    tpu.enqueue_indirect_dma source(%dma_start3A_280 : memref<100000x32xf32, #tpu.memory_space<hbm>>) target(%arg6 : memref<1600x32xf32, #tpu.memory_space<vmem>>) offsets(%arg7 : memref<1600xi32, #tpu.memory_space<vmem>>) semaphore(%arg8 : memref<!tpu.dma_semaphore, #tpu.memory_space<semaphore_mem>>)
    %dma_wait3A_281 = arith.constant 9 : i32
    %dma_wait3A_282 = arith.constant 0 : i32
    %dma_wait3A_283 = arith.constant 0 : i32
    %dma_wait3A_284 = tpu.memref_slice %arg3[%dma_wait3A_281, %dma_wait3A_282, %dma_wait3A_283] : memref<26x100000x32xf32, #tpu.memory_space<hbm>> -> memref<1x100000x32xf32, #tpu.memory_space<hbm>>
    %dma_wait3A_285 = tpu.memref_squeeze %dma_wait3A_284 : memref<1x100000x32xf32, #tpu.memory_space<hbm>> -> memref<100000x32xf32, #tpu.memory_space<hbm>>
    %dma_wait3A_286 = arith.constant 0 : i32
    %dma_wait3A_287 = arith.constant 0 : i32
    %dma_wait3A_288 = tpu.memref_slice %dma_wait3A_285[%dma_wait3A_286, %dma_wait3A_287] : memref<100000x32xf32, #tpu.memory_space<hbm>> -> memref<100000x32xf32, #tpu.memory_space<hbm>>
    tpu.wait_indirect_dma semaphore(%arg8 : memref<!tpu.dma_semaphore, #tpu.memory_space<semaphore_mem>>) src(%dma_wait3A_288 : memref<100000x32xf32, #tpu.memory_space<hbm>>) dst(%arg6 : memref<1600x32xf32, #tpu.memory_space<vmem>>)
    %dma_start3A_289 = arith.constant 2 : i32
    %dma_start3A_290 = arith.constant 32 : i32
    %dma_start3A_291 = tpu.memref_slice %arg4[%dma_start3A_289, %mul3A_2, %dma_start3A_290] : memref<7x51200x128xf32, #tpu.memory_space<hbm>> -> memref<1x1600x32xf32, #tpu.memory_space<hbm>>
    %dma_start3A_292 = tpu.memref_squeeze %dma_start3A_291 : memref<1x1600x32xf32, #tpu.memory_space<hbm>> -> memref<1600x32xf32, #tpu.memory_space<hbm>>
    %dma_start3A_293 = arith.constant 32 : i32
    %dma_start3A_294 = tpu.memref_slice %arg4[%dma_start3A_289, %mul3A_2, %dma_start3A_293] : memref<7x51200x128xf32, #tpu.memory_space<hbm>> -> memref<1x1600x32xf32, #tpu.memory_space<hbm>>
    %dma_start3A_295 = tpu.memref_squeeze %dma_start3A_294 : memref<1x1600x32xf32, #tpu.memory_space<hbm>> -> memref<1600x32xf32, #tpu.memory_space<hbm>>
    tpu.enqueue_dma source(%arg6 : memref<1600x32xf32, #tpu.memory_space<vmem>>) target(%dma_start3A_295 : memref<1600x32xf32, #tpu.memory_space<hbm>>) target_semaphore(%arg10 : memref<!tpu.dma_semaphore, #tpu.memory_space<semaphore_mem>>)
    %run_scoped3A_296 = arith.constant 10 : i32
    "tpu.region"() ({
      %run_scoped3A_806 = tpu.sem_alloc : memref<!tpu.dma_semaphore, #tpu.memory_space<semaphore_mem>>
      %dma_start3A_807 = tpu.memref_slice %arg2[%run_scoped3A_296, %mul3A_2] : memref<26x51200xi32, #tpu.memory_space<hbm>> -> memref<1x1600xi32, #tpu.memory_space<hbm>>
      %dma_start3A_808 = tpu.memref_squeeze %dma_start3A_807 : memref<1x1600xi32, #tpu.memory_space<hbm>> -> memref<1600xi32, #tpu.memory_space<hbm>>
      %dma_start3A_809 = tpu.memref_slice %arg2[%run_scoped3A_296, %mul3A_2] : memref<26x51200xi32, #tpu.memory_space<hbm>> -> memref<1x1600xi32, #tpu.memory_space<hbm>>
      %dma_start3A_810 = tpu.memref_squeeze %dma_start3A_809 : memref<1x1600xi32, #tpu.memory_space<hbm>> -> memref<1600xi32, #tpu.memory_space<hbm>>
      tpu.enqueue_dma source(%dma_start3A_810 : memref<1600xi32, #tpu.memory_space<hbm>>) target(%arg7 : memref<1600xi32, #tpu.memory_space<vmem>>) target_semaphore(%run_scoped3A_806 : memref<!tpu.dma_semaphore, #tpu.memory_space<semaphore_mem>>)
      %dma_wait3A_811 = tpu.memref_slice %arg2[%run_scoped3A_296, %mul3A_2] : memref<26x51200xi32, #tpu.memory_space<hbm>> -> memref<1x1600xi32, #tpu.memory_space<hbm>>
      %dma_wait3A_812 = tpu.memref_squeeze %dma_wait3A_811 : memref<1x1600xi32, #tpu.memory_space<hbm>> -> memref<1600xi32, #tpu.memory_space<hbm>>
      %dma_wait3A_813 = tpu.memref_slice %arg2[%run_scoped3A_296, %mul3A_2] : memref<26x51200xi32, #tpu.memory_space<hbm>> -> memref<1x1600xi32, #tpu.memory_space<hbm>>
      %dma_wait3A_814 = tpu.memref_squeeze %dma_wait3A_813 : memref<1x1600xi32, #tpu.memory_space<hbm>> -> memref<1600xi32, #tpu.memory_space<hbm>>
      tpu.wait_dma2 semaphore(%run_scoped3A_806 : memref<!tpu.dma_semaphore, #tpu.memory_space<semaphore_mem>>) src(%dma_wait3A_814 : memref<1600xi32, #tpu.memory_space<hbm>>) dst(%arg7 : memref<1600xi32, #tpu.memory_space<vmem>>)
      tpu.yield
    }) : () -> ()
    %dma_wait3A_297 = arith.constant 2 : i32
    %dma_wait3A_298 = arith.constant 0 : i32
    %dma_wait3A_299 = tpu.memref_slice %arg4[%dma_wait3A_297, %mul3A_2, %dma_wait3A_298] : memref<7x51200x128xf32, #tpu.memory_space<hbm>> -> memref<1x1600x32xf32, #tpu.memory_space<hbm>>
    %dma_wait3A_300 = tpu.memref_squeeze %dma_wait3A_299 : memref<1x1600x32xf32, #tpu.memory_space<hbm>> -> memref<1600x32xf32, #tpu.memory_space<hbm>>
    %dma_wait3A_301 = arith.constant 0 : i32
    %dma_wait3A_302 = tpu.memref_slice %arg4[%dma_wait3A_297, %mul3A_2, %dma_wait3A_301] : memref<7x51200x128xf32, #tpu.memory_space<hbm>> -> memref<1x1600x32xf32, #tpu.memory_space<hbm>>
    %dma_wait3A_303 = tpu.memref_squeeze %dma_wait3A_302 : memref<1x1600x32xf32, #tpu.memory_space<hbm>> -> memref<1600x32xf32, #tpu.memory_space<hbm>>
    tpu.wait_dma2 semaphore(%arg9 : memref<!tpu.dma_semaphore, #tpu.memory_space<semaphore_mem>>) src(%arg5 : memref<1600x32xf32, #tpu.memory_space<vmem>>) dst(%dma_wait3A_303 : memref<1600x32xf32, #tpu.memory_space<hbm>>)
    %dma_start3A_304 = arith.constant 10 : i32
    %dma_start3A_305 = arith.constant 0 : i32
    %dma_start3A_306 = arith.constant 0 : i32
    %dma_start3A_307 = tpu.memref_slice %arg3[%dma_start3A_304, %dma_start3A_305, %dma_start3A_306] : memref<26x100000x32xf32, #tpu.memory_space<hbm>> -> memref<1x100000x32xf32, #tpu.memory_space<hbm>>
    %dma_start3A_308 = tpu.memref_squeeze %dma_start3A_307 : memref<1x100000x32xf32, #tpu.memory_space<hbm>> -> memref<100000x32xf32, #tpu.memory_space<hbm>>
    %dma_start3A_309 = arith.constant 0 : i32
    %dma_start3A_310 = arith.constant 0 : i32
    %dma_start3A_311 = tpu.memref_slice %dma_start3A_308[%dma_start3A_309, %dma_start3A_310] : memref<100000x32xf32, #tpu.memory_space<hbm>> -> memref<100000x32xf32, #tpu.memory_space<hbm>>
    tpu.enqueue_indirect_dma source(%dma_start3A_311 : memref<100000x32xf32, #tpu.memory_space<hbm>>) target(%arg5 : memref<1600x32xf32, #tpu.memory_space<vmem>>) offsets(%arg7 : memref<1600xi32, #tpu.memory_space<vmem>>) semaphore(%arg8 : memref<!tpu.dma_semaphore, #tpu.memory_space<semaphore_mem>>)
    %dma_wait3A_312 = arith.constant 10 : i32
    %dma_wait3A_313 = arith.constant 0 : i32
    %dma_wait3A_314 = arith.constant 0 : i32
    %dma_wait3A_315 = tpu.memref_slice %arg3[%dma_wait3A_312, %dma_wait3A_313, %dma_wait3A_314] : memref<26x100000x32xf32, #tpu.memory_space<hbm>> -> memref<1x100000x32xf32, #tpu.memory_space<hbm>>
    %dma_wait3A_316 = tpu.memref_squeeze %dma_wait3A_315 : memref<1x100000x32xf32, #tpu.memory_space<hbm>> -> memref<100000x32xf32, #tpu.memory_space<hbm>>
    %dma_wait3A_317 = arith.constant 0 : i32
    %dma_wait3A_318 = arith.constant 0 : i32
    %dma_wait3A_319 = tpu.memref_slice %dma_wait3A_316[%dma_wait3A_317, %dma_wait3A_318] : memref<100000x32xf32, #tpu.memory_space<hbm>> -> memref<100000x32xf32, #tpu.memory_space<hbm>>
    tpu.wait_indirect_dma semaphore(%arg8 : memref<!tpu.dma_semaphore, #tpu.memory_space<semaphore_mem>>) src(%dma_wait3A_319 : memref<100000x32xf32, #tpu.memory_space<hbm>>) dst(%arg5 : memref<1600x32xf32, #tpu.memory_space<vmem>>)
    %dma_start3A_320 = arith.constant 2 : i32
    %dma_start3A_321 = arith.constant 64 : i32
    %dma_start3A_322 = tpu.memref_slice %arg4[%dma_start3A_320, %mul3A_2, %dma_start3A_321] : memref<7x51200x128xf32, #tpu.memory_space<hbm>> -> memref<1x1600x32xf32, #tpu.memory_space<hbm>>
    %dma_start3A_323 = tpu.memref_squeeze %dma_start3A_322 : memref<1x1600x32xf32, #tpu.memory_space<hbm>> -> memref<1600x32xf32, #tpu.memory_space<hbm>>
    %dma_start3A_324 = arith.constant 64 : i32
    %dma_start3A_325 = tpu.memref_slice %arg4[%dma_start3A_320, %mul3A_2, %dma_start3A_324] : memref<7x51200x128xf32, #tpu.memory_space<hbm>> -> memref<1x1600x32xf32, #tpu.memory_space<hbm>>
    %dma_start3A_326 = tpu.memref_squeeze %dma_start3A_325 : memref<1x1600x32xf32, #tpu.memory_space<hbm>> -> memref<1600x32xf32, #tpu.memory_space<hbm>>
    tpu.enqueue_dma source(%arg5 : memref<1600x32xf32, #tpu.memory_space<vmem>>) target(%dma_start3A_326 : memref<1600x32xf32, #tpu.memory_space<hbm>>) target_semaphore(%arg9 : memref<!tpu.dma_semaphore, #tpu.memory_space<semaphore_mem>>)
    %run_scoped3A_327 = arith.constant 11 : i32
    "tpu.region"() ({
      %run_scoped3A_806 = tpu.sem_alloc : memref<!tpu.dma_semaphore, #tpu.memory_space<semaphore_mem>>
      %dma_start3A_807 = tpu.memref_slice %arg2[%run_scoped3A_327, %mul3A_2] : memref<26x51200xi32, #tpu.memory_space<hbm>> -> memref<1x1600xi32, #tpu.memory_space<hbm>>
      %dma_start3A_808 = tpu.memref_squeeze %dma_start3A_807 : memref<1x1600xi32, #tpu.memory_space<hbm>> -> memref<1600xi32, #tpu.memory_space<hbm>>
      %dma_start3A_809 = tpu.memref_slice %arg2[%run_scoped3A_327, %mul3A_2] : memref<26x51200xi32, #tpu.memory_space<hbm>> -> memref<1x1600xi32, #tpu.memory_space<hbm>>
      %dma_start3A_810 = tpu.memref_squeeze %dma_start3A_809 : memref<1x1600xi32, #tpu.memory_space<hbm>> -> memref<1600xi32, #tpu.memory_space<hbm>>
      tpu.enqueue_dma source(%dma_start3A_810 : memref<1600xi32, #tpu.memory_space<hbm>>) target(%arg7 : memref<1600xi32, #tpu.memory_space<vmem>>) target_semaphore(%run_scoped3A_806 : memref<!tpu.dma_semaphore, #tpu.memory_space<semaphore_mem>>)
      %dma_wait3A_811 = tpu.memref_slice %arg2[%run_scoped3A_327, %mul3A_2] : memref<26x51200xi32, #tpu.memory_space<hbm>> -> memref<1x1600xi32, #tpu.memory_space<hbm>>
      %dma_wait3A_812 = tpu.memref_squeeze %dma_wait3A_811 : memref<1x1600xi32, #tpu.memory_space<hbm>> -> memref<1600xi32, #tpu.memory_space<hbm>>
      %dma_wait3A_813 = tpu.memref_slice %arg2[%run_scoped3A_327, %mul3A_2] : memref<26x51200xi32, #tpu.memory_space<hbm>> -> memref<1x1600xi32, #tpu.memory_space<hbm>>
      %dma_wait3A_814 = tpu.memref_squeeze %dma_wait3A_813 : memref<1x1600xi32, #tpu.memory_space<hbm>> -> memref<1600xi32, #tpu.memory_space<hbm>>
      tpu.wait_dma2 semaphore(%run_scoped3A_806 : memref<!tpu.dma_semaphore, #tpu.memory_space<semaphore_mem>>) src(%dma_wait3A_814 : memref<1600xi32, #tpu.memory_space<hbm>>) dst(%arg7 : memref<1600xi32, #tpu.memory_space<vmem>>)
      tpu.yield
    }) : () -> ()
    %dma_wait3A_328 = arith.constant 2 : i32
    %dma_wait3A_329 = arith.constant 32 : i32
    %dma_wait3A_330 = tpu.memref_slice %arg4[%dma_wait3A_328, %mul3A_2, %dma_wait3A_329] : memref<7x51200x128xf32, #tpu.memory_space<hbm>> -> memref<1x1600x32xf32, #tpu.memory_space<hbm>>
    %dma_wait3A_331 = tpu.memref_squeeze %dma_wait3A_330 : memref<1x1600x32xf32, #tpu.memory_space<hbm>> -> memref<1600x32xf32, #tpu.memory_space<hbm>>
    %dma_wait3A_332 = arith.constant 32 : i32
    %dma_wait3A_333 = tpu.memref_slice %arg4[%dma_wait3A_328, %mul3A_2, %dma_wait3A_332] : memref<7x51200x128xf32, #tpu.memory_space<hbm>> -> memref<1x1600x32xf32, #tpu.memory_space<hbm>>
    %dma_wait3A_334 = tpu.memref_squeeze %dma_wait3A_333 : memref<1x1600x32xf32, #tpu.memory_space<hbm>> -> memref<1600x32xf32, #tpu.memory_space<hbm>>
    tpu.wait_dma2 semaphore(%arg10 : memref<!tpu.dma_semaphore, #tpu.memory_space<semaphore_mem>>) src(%arg6 : memref<1600x32xf32, #tpu.memory_space<vmem>>) dst(%dma_wait3A_334 : memref<1600x32xf32, #tpu.memory_space<hbm>>)
    %dma_start3A_335 = arith.constant 11 : i32
    %dma_start3A_336 = arith.constant 0 : i32
    %dma_start3A_337 = arith.constant 0 : i32
    %dma_start3A_338 = tpu.memref_slice %arg3[%dma_start3A_335, %dma_start3A_336, %dma_start3A_337] : memref<26x100000x32xf32, #tpu.memory_space<hbm>> -> memref<1x100000x32xf32, #tpu.memory_space<hbm>>
    %dma_start3A_339 = tpu.memref_squeeze %dma_start3A_338 : memref<1x100000x32xf32, #tpu.memory_space<hbm>> -> memref<100000x32xf32, #tpu.memory_space<hbm>>
    %dma_start3A_340 = arith.constant 0 : i32
    %dma_start3A_341 = arith.constant 0 : i32
    %dma_start3A_342 = tpu.memref_slice %dma_start3A_339[%dma_start3A_340, %dma_start3A_341] : memref<100000x32xf32, #tpu.memory_space<hbm>> -> memref<100000x32xf32, #tpu.memory_space<hbm>>
    tpu.enqueue_indirect_dma source(%dma_start3A_342 : memref<100000x32xf32, #tpu.memory_space<hbm>>) target(%arg6 : memref<1600x32xf32, #tpu.memory_space<vmem>>) offsets(%arg7 : memref<1600xi32, #tpu.memory_space<vmem>>) semaphore(%arg8 : memref<!tpu.dma_semaphore, #tpu.memory_space<semaphore_mem>>)
    %dma_wait3A_343 = arith.constant 11 : i32
    %dma_wait3A_344 = arith.constant 0 : i32
    %dma_wait3A_345 = arith.constant 0 : i32
    %dma_wait3A_346 = tpu.memref_slice %arg3[%dma_wait3A_343, %dma_wait3A_344, %dma_wait3A_345] : memref<26x100000x32xf32, #tpu.memory_space<hbm>> -> memref<1x100000x32xf32, #tpu.memory_space<hbm>>
    %dma_wait3A_347 = tpu.memref_squeeze %dma_wait3A_346 : memref<1x100000x32xf32, #tpu.memory_space<hbm>> -> memref<100000x32xf32, #tpu.memory_space<hbm>>
    %dma_wait3A_348 = arith.constant 0 : i32
    %dma_wait3A_349 = arith.constant 0 : i32
    %dma_wait3A_350 = tpu.memref_slice %dma_wait3A_347[%dma_wait3A_348, %dma_wait3A_349] : memref<100000x32xf32, #tpu.memory_space<hbm>> -> memref<100000x32xf32, #tpu.memory_space<hbm>>
    tpu.wait_indirect_dma semaphore(%arg8 : memref<!tpu.dma_semaphore, #tpu.memory_space<semaphore_mem>>) src(%dma_wait3A_350 : memref<100000x32xf32, #tpu.memory_space<hbm>>) dst(%arg6 : memref<1600x32xf32, #tpu.memory_space<vmem>>)
    %dma_start3A_351 = arith.constant 2 : i32
    %dma_start3A_352 = arith.constant 96 : i32
    %dma_start3A_353 = tpu.memref_slice %arg4[%dma_start3A_351, %mul3A_2, %dma_start3A_352] : memref<7x51200x128xf32, #tpu.memory_space<hbm>> -> memref<1x1600x32xf32, #tpu.memory_space<hbm>>
    %dma_start3A_354 = tpu.memref_squeeze %dma_start3A_353 : memref<1x1600x32xf32, #tpu.memory_space<hbm>> -> memref<1600x32xf32, #tpu.memory_space<hbm>>
    %dma_start3A_355 = arith.constant 96 : i32
    %dma_start3A_356 = tpu.memref_slice %arg4[%dma_start3A_351, %mul3A_2, %dma_start3A_355] : memref<7x51200x128xf32, #tpu.memory_space<hbm>> -> memref<1x1600x32xf32, #tpu.memory_space<hbm>>
    %dma_start3A_357 = tpu.memref_squeeze %dma_start3A_356 : memref<1x1600x32xf32, #tpu.memory_space<hbm>> -> memref<1600x32xf32, #tpu.memory_space<hbm>>
    tpu.enqueue_dma source(%arg6 : memref<1600x32xf32, #tpu.memory_space<vmem>>) target(%dma_start3A_357 : memref<1600x32xf32, #tpu.memory_space<hbm>>) target_semaphore(%arg10 : memref<!tpu.dma_semaphore, #tpu.memory_space<semaphore_mem>>)
    %run_scoped3A_358 = arith.constant 12 : i32
    "tpu.region"() ({
      %run_scoped3A_806 = tpu.sem_alloc : memref<!tpu.dma_semaphore, #tpu.memory_space<semaphore_mem>>
      %dma_start3A_807 = tpu.memref_slice %arg2[%run_scoped3A_358, %mul3A_2] : memref<26x51200xi32, #tpu.memory_space<hbm>> -> memref<1x1600xi32, #tpu.memory_space<hbm>>
      %dma_start3A_808 = tpu.memref_squeeze %dma_start3A_807 : memref<1x1600xi32, #tpu.memory_space<hbm>> -> memref<1600xi32, #tpu.memory_space<hbm>>
      %dma_start3A_809 = tpu.memref_slice %arg2[%run_scoped3A_358, %mul3A_2] : memref<26x51200xi32, #tpu.memory_space<hbm>> -> memref<1x1600xi32, #tpu.memory_space<hbm>>
      %dma_start3A_810 = tpu.memref_squeeze %dma_start3A_809 : memref<1x1600xi32, #tpu.memory_space<hbm>> -> memref<1600xi32, #tpu.memory_space<hbm>>
      tpu.enqueue_dma source(%dma_start3A_810 : memref<1600xi32, #tpu.memory_space<hbm>>) target(%arg7 : memref<1600xi32, #tpu.memory_space<vmem>>) target_semaphore(%run_scoped3A_806 : memref<!tpu.dma_semaphore, #tpu.memory_space<semaphore_mem>>)
      %dma_wait3A_811 = tpu.memref_slice %arg2[%run_scoped3A_358, %mul3A_2] : memref<26x51200xi32, #tpu.memory_space<hbm>> -> memref<1x1600xi32, #tpu.memory_space<hbm>>
      %dma_wait3A_812 = tpu.memref_squeeze %dma_wait3A_811 : memref<1x1600xi32, #tpu.memory_space<hbm>> -> memref<1600xi32, #tpu.memory_space<hbm>>
      %dma_wait3A_813 = tpu.memref_slice %arg2[%run_scoped3A_358, %mul3A_2] : memref<26x51200xi32, #tpu.memory_space<hbm>> -> memref<1x1600xi32, #tpu.memory_space<hbm>>
      %dma_wait3A_814 = tpu.memref_squeeze %dma_wait3A_813 : memref<1x1600xi32, #tpu.memory_space<hbm>> -> memref<1600xi32, #tpu.memory_space<hbm>>
      tpu.wait_dma2 semaphore(%run_scoped3A_806 : memref<!tpu.dma_semaphore, #tpu.memory_space<semaphore_mem>>) src(%dma_wait3A_814 : memref<1600xi32, #tpu.memory_space<hbm>>) dst(%arg7 : memref<1600xi32, #tpu.memory_space<vmem>>)
      tpu.yield
    }) : () -> ()
    %dma_wait3A_359 = arith.constant 2 : i32
    %dma_wait3A_360 = arith.constant 64 : i32
    %dma_wait3A_361 = tpu.memref_slice %arg4[%dma_wait3A_359, %mul3A_2, %dma_wait3A_360] : memref<7x51200x128xf32, #tpu.memory_space<hbm>> -> memref<1x1600x32xf32, #tpu.memory_space<hbm>>
    %dma_wait3A_362 = tpu.memref_squeeze %dma_wait3A_361 : memref<1x1600x32xf32, #tpu.memory_space<hbm>> -> memref<1600x32xf32, #tpu.memory_space<hbm>>
    %dma_wait3A_363 = arith.constant 64 : i32
    %dma_wait3A_364 = tpu.memref_slice %arg4[%dma_wait3A_359, %mul3A_2, %dma_wait3A_363] : memref<7x51200x128xf32, #tpu.memory_space<hbm>> -> memref<1x1600x32xf32, #tpu.memory_space<hbm>>
    %dma_wait3A_365 = tpu.memref_squeeze %dma_wait3A_364 : memref<1x1600x32xf32, #tpu.memory_space<hbm>> -> memref<1600x32xf32, #tpu.memory_space<hbm>>
    tpu.wait_dma2 semaphore(%arg9 : memref<!tpu.dma_semaphore, #tpu.memory_space<semaphore_mem>>) src(%arg5 : memref<1600x32xf32, #tpu.memory_space<vmem>>) dst(%dma_wait3A_365 : memref<1600x32xf32, #tpu.memory_space<hbm>>)
    %dma_start3A_366 = arith.constant 12 : i32
    %dma_start3A_367 = arith.constant 0 : i32
    %dma_start3A_368 = arith.constant 0 : i32
    %dma_start3A_369 = tpu.memref_slice %arg3[%dma_start3A_366, %dma_start3A_367, %dma_start3A_368] : memref<26x100000x32xf32, #tpu.memory_space<hbm>> -> memref<1x100000x32xf32, #tpu.memory_space<hbm>>
    %dma_start3A_370 = tpu.memref_squeeze %dma_start3A_369 : memref<1x100000x32xf32, #tpu.memory_space<hbm>> -> memref<100000x32xf32, #tpu.memory_space<hbm>>
    %dma_start3A_371 = arith.constant 0 : i32
    %dma_start3A_372 = arith.constant 0 : i32
    %dma_start3A_373 = tpu.memref_slice %dma_start3A_370[%dma_start3A_371, %dma_start3A_372] : memref<100000x32xf32, #tpu.memory_space<hbm>> -> memref<100000x32xf32, #tpu.memory_space<hbm>>
    tpu.enqueue_indirect_dma source(%dma_start3A_373 : memref<100000x32xf32, #tpu.memory_space<hbm>>) target(%arg5 : memref<1600x32xf32, #tpu.memory_space<vmem>>) offsets(%arg7 : memref<1600xi32, #tpu.memory_space<vmem>>) semaphore(%arg8 : memref<!tpu.dma_semaphore, #tpu.memory_space<semaphore_mem>>)
    %dma_wait3A_374 = arith.constant 12 : i32
    %dma_wait3A_375 = arith.constant 0 : i32
    %dma_wait3A_376 = arith.constant 0 : i32
    %dma_wait3A_377 = tpu.memref_slice %arg3[%dma_wait3A_374, %dma_wait3A_375, %dma_wait3A_376] : memref<26x100000x32xf32, #tpu.memory_space<hbm>> -> memref<1x100000x32xf32, #tpu.memory_space<hbm>>
    %dma_wait3A_378 = tpu.memref_squeeze %dma_wait3A_377 : memref<1x100000x32xf32, #tpu.memory_space<hbm>> -> memref<100000x32xf32, #tpu.memory_space<hbm>>
    %dma_wait3A_379 = arith.constant 0 : i32
    %dma_wait3A_380 = arith.constant 0 : i32
    %dma_wait3A_381 = tpu.memref_slice %dma_wait3A_378[%dma_wait3A_379, %dma_wait3A_380] : memref<100000x32xf32, #tpu.memory_space<hbm>> -> memref<100000x32xf32, #tpu.memory_space<hbm>>
    tpu.wait_indirect_dma semaphore(%arg8 : memref<!tpu.dma_semaphore, #tpu.memory_space<semaphore_mem>>) src(%dma_wait3A_381 : memref<100000x32xf32, #tpu.memory_space<hbm>>) dst(%arg5 : memref<1600x32xf32, #tpu.memory_space<vmem>>)
    %dma_start3A_382 = arith.constant 3 : i32
    %dma_start3A_383 = arith.constant 0 : i32
    %dma_start3A_384 = tpu.memref_slice %arg4[%dma_start3A_382, %mul3A_2, %dma_start3A_383] : memref<7x51200x128xf32, #tpu.memory_space<hbm>> -> memref<1x1600x32xf32, #tpu.memory_space<hbm>>
    %dma_start3A_385 = tpu.memref_squeeze %dma_start3A_384 : memref<1x1600x32xf32, #tpu.memory_space<hbm>> -> memref<1600x32xf32, #tpu.memory_space<hbm>>
    %dma_start3A_386 = arith.constant 0 : i32
    %dma_start3A_387 = tpu.memref_slice %arg4[%dma_start3A_382, %mul3A_2, %dma_start3A_386] : memref<7x51200x128xf32, #tpu.memory_space<hbm>> -> memref<1x1600x32xf32, #tpu.memory_space<hbm>>
    %dma_start3A_388 = tpu.memref_squeeze %dma_start3A_387 : memref<1x1600x32xf32, #tpu.memory_space<hbm>> -> memref<1600x32xf32, #tpu.memory_space<hbm>>
    tpu.enqueue_dma source(%arg5 : memref<1600x32xf32, #tpu.memory_space<vmem>>) target(%dma_start3A_388 : memref<1600x32xf32, #tpu.memory_space<hbm>>) target_semaphore(%arg9 : memref<!tpu.dma_semaphore, #tpu.memory_space<semaphore_mem>>)
    %run_scoped3A_389 = arith.constant 13 : i32
    "tpu.region"() ({
      %run_scoped3A_806 = tpu.sem_alloc : memref<!tpu.dma_semaphore, #tpu.memory_space<semaphore_mem>>
      %dma_start3A_807 = tpu.memref_slice %arg2[%run_scoped3A_389, %mul3A_2] : memref<26x51200xi32, #tpu.memory_space<hbm>> -> memref<1x1600xi32, #tpu.memory_space<hbm>>
      %dma_start3A_808 = tpu.memref_squeeze %dma_start3A_807 : memref<1x1600xi32, #tpu.memory_space<hbm>> -> memref<1600xi32, #tpu.memory_space<hbm>>
      %dma_start3A_809 = tpu.memref_slice %arg2[%run_scoped3A_389, %mul3A_2] : memref<26x51200xi32, #tpu.memory_space<hbm>> -> memref<1x1600xi32, #tpu.memory_space<hbm>>
      %dma_start3A_810 = tpu.memref_squeeze %dma_start3A_809 : memref<1x1600xi32, #tpu.memory_space<hbm>> -> memref<1600xi32, #tpu.memory_space<hbm>>
      tpu.enqueue_dma source(%dma_start3A_810 : memref<1600xi32, #tpu.memory_space<hbm>>) target(%arg7 : memref<1600xi32, #tpu.memory_space<vmem>>) target_semaphore(%run_scoped3A_806 : memref<!tpu.dma_semaphore, #tpu.memory_space<semaphore_mem>>)
      %dma_wait3A_811 = tpu.memref_slice %arg2[%run_scoped3A_389, %mul3A_2] : memref<26x51200xi32, #tpu.memory_space<hbm>> -> memref<1x1600xi32, #tpu.memory_space<hbm>>
      %dma_wait3A_812 = tpu.memref_squeeze %dma_wait3A_811 : memref<1x1600xi32, #tpu.memory_space<hbm>> -> memref<1600xi32, #tpu.memory_space<hbm>>
      %dma_wait3A_813 = tpu.memref_slice %arg2[%run_scoped3A_389, %mul3A_2] : memref<26x51200xi32, #tpu.memory_space<hbm>> -> memref<1x1600xi32, #tpu.memory_space<hbm>>
      %dma_wait3A_814 = tpu.memref_squeeze %dma_wait3A_813 : memref<1x1600xi32, #tpu.memory_space<hbm>> -> memref<1600xi32, #tpu.memory_space<hbm>>
      tpu.wait_dma2 semaphore(%run_scoped3A_806 : memref<!tpu.dma_semaphore, #tpu.memory_space<semaphore_mem>>) src(%dma_wait3A_814 : memref<1600xi32, #tpu.memory_space<hbm>>) dst(%arg7 : memref<1600xi32, #tpu.memory_space<vmem>>)
      tpu.yield
    }) : () -> ()
    %dma_wait3A_390 = arith.constant 2 : i32
    %dma_wait3A_391 = arith.constant 96 : i32
    %dma_wait3A_392 = tpu.memref_slice %arg4[%dma_wait3A_390, %mul3A_2, %dma_wait3A_391] : memref<7x51200x128xf32, #tpu.memory_space<hbm>> -> memref<1x1600x32xf32, #tpu.memory_space<hbm>>
    %dma_wait3A_393 = tpu.memref_squeeze %dma_wait3A_392 : memref<1x1600x32xf32, #tpu.memory_space<hbm>> -> memref<1600x32xf32, #tpu.memory_space<hbm>>
    %dma_wait3A_394 = arith.constant 96 : i32
    %dma_wait3A_395 = tpu.memref_slice %arg4[%dma_wait3A_390, %mul3A_2, %dma_wait3A_394] : memref<7x51200x128xf32, #tpu.memory_space<hbm>> -> memref<1x1600x32xf32, #tpu.memory_space<hbm>>
    %dma_wait3A_396 = tpu.memref_squeeze %dma_wait3A_395 : memref<1x1600x32xf32, #tpu.memory_space<hbm>> -> memref<1600x32xf32, #tpu.memory_space<hbm>>
    tpu.wait_dma2 semaphore(%arg10 : memref<!tpu.dma_semaphore, #tpu.memory_space<semaphore_mem>>) src(%arg6 : memref<1600x32xf32, #tpu.memory_space<vmem>>) dst(%dma_wait3A_396 : memref<1600x32xf32, #tpu.memory_space<hbm>>)
    %dma_start3A_397 = arith.constant 13 : i32
    %dma_start3A_398 = arith.constant 0 : i32
    %dma_start3A_399 = arith.constant 0 : i32
    %dma_start3A_400 = tpu.memref_slice %arg3[%dma_start3A_397, %dma_start3A_398, %dma_start3A_399] : memref<26x100000x32xf32, #tpu.memory_space<hbm>> -> memref<1x100000x32xf32, #tpu.memory_space<hbm>>
    %dma_start3A_401 = tpu.memref_squeeze %dma_start3A_400 : memref<1x100000x32xf32, #tpu.memory_space<hbm>> -> memref<100000x32xf32, #tpu.memory_space<hbm>>
    %dma_start3A_402 = arith.constant 0 : i32
    %dma_start3A_403 = arith.constant 0 : i32
    %dma_start3A_404 = tpu.memref_slice %dma_start3A_401[%dma_start3A_402, %dma_start3A_403] : memref<100000x32xf32, #tpu.memory_space<hbm>> -> memref<100000x32xf32, #tpu.memory_space<hbm>>
    tpu.enqueue_indirect_dma source(%dma_start3A_404 : memref<100000x32xf32, #tpu.memory_space<hbm>>) target(%arg6 : memref<1600x32xf32, #tpu.memory_space<vmem>>) offsets(%arg7 : memref<1600xi32, #tpu.memory_space<vmem>>) semaphore(%arg8 : memref<!tpu.dma_semaphore, #tpu.memory_space<semaphore_mem>>)
    %dma_wait3A_405 = arith.constant 13 : i32
    %dma_wait3A_406 = arith.constant 0 : i32
    %dma_wait3A_407 = arith.constant 0 : i32
    %dma_wait3A_408 = tpu.memref_slice %arg3[%dma_wait3A_405, %dma_wait3A_406, %dma_wait3A_407] : memref<26x100000x32xf32, #tpu.memory_space<hbm>> -> memref<1x100000x32xf32, #tpu.memory_space<hbm>>
    %dma_wait3A_409 = tpu.memref_squeeze %dma_wait3A_408 : memref<1x100000x32xf32, #tpu.memory_space<hbm>> -> memref<100000x32xf32, #tpu.memory_space<hbm>>
    %dma_wait3A_410 = arith.constant 0 : i32
    %dma_wait3A_411 = arith.constant 0 : i32
    %dma_wait3A_412 = tpu.memref_slice %dma_wait3A_409[%dma_wait3A_410, %dma_wait3A_411] : memref<100000x32xf32, #tpu.memory_space<hbm>> -> memref<100000x32xf32, #tpu.memory_space<hbm>>
    tpu.wait_indirect_dma semaphore(%arg8 : memref<!tpu.dma_semaphore, #tpu.memory_space<semaphore_mem>>) src(%dma_wait3A_412 : memref<100000x32xf32, #tpu.memory_space<hbm>>) dst(%arg6 : memref<1600x32xf32, #tpu.memory_space<vmem>>)
    %dma_start3A_413 = arith.constant 3 : i32
    %dma_start3A_414 = arith.constant 32 : i32
    %dma_start3A_415 = tpu.memref_slice %arg4[%dma_start3A_413, %mul3A_2, %dma_start3A_414] : memref<7x51200x128xf32, #tpu.memory_space<hbm>> -> memref<1x1600x32xf32, #tpu.memory_space<hbm>>
    %dma_start3A_416 = tpu.memref_squeeze %dma_start3A_415 : memref<1x1600x32xf32, #tpu.memory_space<hbm>> -> memref<1600x32xf32, #tpu.memory_space<hbm>>
    %dma_start3A_417 = arith.constant 32 : i32
    %dma_start3A_418 = tpu.memref_slice %arg4[%dma_start3A_413, %mul3A_2, %dma_start3A_417] : memref<7x51200x128xf32, #tpu.memory_space<hbm>> -> memref<1x1600x32xf32, #tpu.memory_space<hbm>>
    %dma_start3A_419 = tpu.memref_squeeze %dma_start3A_418 : memref<1x1600x32xf32, #tpu.memory_space<hbm>> -> memref<1600x32xf32, #tpu.memory_space<hbm>>
    tpu.enqueue_dma source(%arg6 : memref<1600x32xf32, #tpu.memory_space<vmem>>) target(%dma_start3A_419 : memref<1600x32xf32, #tpu.memory_space<hbm>>) target_semaphore(%arg10 : memref<!tpu.dma_semaphore, #tpu.memory_space<semaphore_mem>>)
    %run_scoped3A_420 = arith.constant 14 : i32
    "tpu.region"() ({
      %run_scoped3A_806 = tpu.sem_alloc : memref<!tpu.dma_semaphore, #tpu.memory_space<semaphore_mem>>
      %dma_start3A_807 = tpu.memref_slice %arg2[%run_scoped3A_420, %mul3A_2] : memref<26x51200xi32, #tpu.memory_space<hbm>> -> memref<1x1600xi32, #tpu.memory_space<hbm>>
      %dma_start3A_808 = tpu.memref_squeeze %dma_start3A_807 : memref<1x1600xi32, #tpu.memory_space<hbm>> -> memref<1600xi32, #tpu.memory_space<hbm>>
      %dma_start3A_809 = tpu.memref_slice %arg2[%run_scoped3A_420, %mul3A_2] : memref<26x51200xi32, #tpu.memory_space<hbm>> -> memref<1x1600xi32, #tpu.memory_space<hbm>>
      %dma_start3A_810 = tpu.memref_squeeze %dma_start3A_809 : memref<1x1600xi32, #tpu.memory_space<hbm>> -> memref<1600xi32, #tpu.memory_space<hbm>>
      tpu.enqueue_dma source(%dma_start3A_810 : memref<1600xi32, #tpu.memory_space<hbm>>) target(%arg7 : memref<1600xi32, #tpu.memory_space<vmem>>) target_semaphore(%run_scoped3A_806 : memref<!tpu.dma_semaphore, #tpu.memory_space<semaphore_mem>>)
      %dma_wait3A_811 = tpu.memref_slice %arg2[%run_scoped3A_420, %mul3A_2] : memref<26x51200xi32, #tpu.memory_space<hbm>> -> memref<1x1600xi32, #tpu.memory_space<hbm>>
      %dma_wait3A_812 = tpu.memref_squeeze %dma_wait3A_811 : memref<1x1600xi32, #tpu.memory_space<hbm>> -> memref<1600xi32, #tpu.memory_space<hbm>>
      %dma_wait3A_813 = tpu.memref_slice %arg2[%run_scoped3A_420, %mul3A_2] : memref<26x51200xi32, #tpu.memory_space<hbm>> -> memref<1x1600xi32, #tpu.memory_space<hbm>>
      %dma_wait3A_814 = tpu.memref_squeeze %dma_wait3A_813 : memref<1x1600xi32, #tpu.memory_space<hbm>> -> memref<1600xi32, #tpu.memory_space<hbm>>
      tpu.wait_dma2 semaphore(%run_scoped3A_806 : memref<!tpu.dma_semaphore, #tpu.memory_space<semaphore_mem>>) src(%dma_wait3A_814 : memref<1600xi32, #tpu.memory_space<hbm>>) dst(%arg7 : memref<1600xi32, #tpu.memory_space<vmem>>)
      tpu.yield
    }) : () -> ()
    %dma_wait3A_421 = arith.constant 3 : i32
    %dma_wait3A_422 = arith.constant 0 : i32
    %dma_wait3A_423 = tpu.memref_slice %arg4[%dma_wait3A_421, %mul3A_2, %dma_wait3A_422] : memref<7x51200x128xf32, #tpu.memory_space<hbm>> -> memref<1x1600x32xf32, #tpu.memory_space<hbm>>
    %dma_wait3A_424 = tpu.memref_squeeze %dma_wait3A_423 : memref<1x1600x32xf32, #tpu.memory_space<hbm>> -> memref<1600x32xf32, #tpu.memory_space<hbm>>
    %dma_wait3A_425 = arith.constant 0 : i32
    %dma_wait3A_426 = tpu.memref_slice %arg4[%dma_wait3A_421, %mul3A_2, %dma_wait3A_425] : memref<7x51200x128xf32, #tpu.memory_space<hbm>> -> memref<1x1600x32xf32, #tpu.memory_space<hbm>>
    %dma_wait3A_427 = tpu.memref_squeeze %dma_wait3A_426 : memref<1x1600x32xf32, #tpu.memory_space<hbm>> -> memref<1600x32xf32, #tpu.memory_space<hbm>>
    tpu.wait_dma2 semaphore(%arg9 : memref<!tpu.dma_semaphore, #tpu.memory_space<semaphore_mem>>) src(%arg5 : memref<1600x32xf32, #tpu.memory_space<vmem>>) dst(%dma_wait3A_427 : memref<1600x32xf32, #tpu.memory_space<hbm>>)
    %dma_start3A_428 = arith.constant 14 : i32
    %dma_start3A_429 = arith.constant 0 : i32
    %dma_start3A_430 = arith.constant 0 : i32
    %dma_start3A_431 = tpu.memref_slice %arg3[%dma_start3A_428, %dma_start3A_429, %dma_start3A_430] : memref<26x100000x32xf32, #tpu.memory_space<hbm>> -> memref<1x100000x32xf32, #tpu.memory_space<hbm>>
    %dma_start3A_432 = tpu.memref_squeeze %dma_start3A_431 : memref<1x100000x32xf32, #tpu.memory_space<hbm>> -> memref<100000x32xf32, #tpu.memory_space<hbm>>
    %dma_start3A_433 = arith.constant 0 : i32
    %dma_start3A_434 = arith.constant 0 : i32
    %dma_start3A_435 = tpu.memref_slice %dma_start3A_432[%dma_start3A_433, %dma_start3A_434] : memref<100000x32xf32, #tpu.memory_space<hbm>> -> memref<100000x32xf32, #tpu.memory_space<hbm>>
    tpu.enqueue_indirect_dma source(%dma_start3A_435 : memref<100000x32xf32, #tpu.memory_space<hbm>>) target(%arg5 : memref<1600x32xf32, #tpu.memory_space<vmem>>) offsets(%arg7 : memref<1600xi32, #tpu.memory_space<vmem>>) semaphore(%arg8 : memref<!tpu.dma_semaphore, #tpu.memory_space<semaphore_mem>>)
    %dma_wait3A_436 = arith.constant 14 : i32
    %dma_wait3A_437 = arith.constant 0 : i32
    %dma_wait3A_438 = arith.constant 0 : i32
    %dma_wait3A_439 = tpu.memref_slice %arg3[%dma_wait3A_436, %dma_wait3A_437, %dma_wait3A_438] : memref<26x100000x32xf32, #tpu.memory_space<hbm>> -> memref<1x100000x32xf32, #tpu.memory_space<hbm>>
    %dma_wait3A_440 = tpu.memref_squeeze %dma_wait3A_439 : memref<1x100000x32xf32, #tpu.memory_space<hbm>> -> memref<100000x32xf32, #tpu.memory_space<hbm>>
    %dma_wait3A_441 = arith.constant 0 : i32
    %dma_wait3A_442 = arith.constant 0 : i32
    %dma_wait3A_443 = tpu.memref_slice %dma_wait3A_440[%dma_wait3A_441, %dma_wait3A_442] : memref<100000x32xf32, #tpu.memory_space<hbm>> -> memref<100000x32xf32, #tpu.memory_space<hbm>>
    tpu.wait_indirect_dma semaphore(%arg8 : memref<!tpu.dma_semaphore, #tpu.memory_space<semaphore_mem>>) src(%dma_wait3A_443 : memref<100000x32xf32, #tpu.memory_space<hbm>>) dst(%arg5 : memref<1600x32xf32, #tpu.memory_space<vmem>>)
    %dma_start3A_444 = arith.constant 3 : i32
    %dma_start3A_445 = arith.constant 64 : i32
    %dma_start3A_446 = tpu.memref_slice %arg4[%dma_start3A_444, %mul3A_2, %dma_start3A_445] : memref<7x51200x128xf32, #tpu.memory_space<hbm>> -> memref<1x1600x32xf32, #tpu.memory_space<hbm>>
    %dma_start3A_447 = tpu.memref_squeeze %dma_start3A_446 : memref<1x1600x32xf32, #tpu.memory_space<hbm>> -> memref<1600x32xf32, #tpu.memory_space<hbm>>
    %dma_start3A_448 = arith.constant 64 : i32
    %dma_start3A_449 = tpu.memref_slice %arg4[%dma_start3A_444, %mul3A_2, %dma_start3A_448] : memref<7x51200x128xf32, #tpu.memory_space<hbm>> -> memref<1x1600x32xf32, #tpu.memory_space<hbm>>
    %dma_start3A_450 = tpu.memref_squeeze %dma_start3A_449 : memref<1x1600x32xf32, #tpu.memory_space<hbm>> -> memref<1600x32xf32, #tpu.memory_space<hbm>>
    tpu.enqueue_dma source(%arg5 : memref<1600x32xf32, #tpu.memory_space<vmem>>) target(%dma_start3A_450 : memref<1600x32xf32, #tpu.memory_space<hbm>>) target_semaphore(%arg9 : memref<!tpu.dma_semaphore, #tpu.memory_space<semaphore_mem>>)
    %run_scoped3A_451 = arith.constant 15 : i32
    "tpu.region"() ({
      %run_scoped3A_806 = tpu.sem_alloc : memref<!tpu.dma_semaphore, #tpu.memory_space<semaphore_mem>>
      %dma_start3A_807 = tpu.memref_slice %arg2[%run_scoped3A_451, %mul3A_2] : memref<26x51200xi32, #tpu.memory_space<hbm>> -> memref<1x1600xi32, #tpu.memory_space<hbm>>
      %dma_start3A_808 = tpu.memref_squeeze %dma_start3A_807 : memref<1x1600xi32, #tpu.memory_space<hbm>> -> memref<1600xi32, #tpu.memory_space<hbm>>
      %dma_start3A_809 = tpu.memref_slice %arg2[%run_scoped3A_451, %mul3A_2] : memref<26x51200xi32, #tpu.memory_space<hbm>> -> memref<1x1600xi32, #tpu.memory_space<hbm>>
      %dma_start3A_810 = tpu.memref_squeeze %dma_start3A_809 : memref<1x1600xi32, #tpu.memory_space<hbm>> -> memref<1600xi32, #tpu.memory_space<hbm>>
      tpu.enqueue_dma source(%dma_start3A_810 : memref<1600xi32, #tpu.memory_space<hbm>>) target(%arg7 : memref<1600xi32, #tpu.memory_space<vmem>>) target_semaphore(%run_scoped3A_806 : memref<!tpu.dma_semaphore, #tpu.memory_space<semaphore_mem>>)
      %dma_wait3A_811 = tpu.memref_slice %arg2[%run_scoped3A_451, %mul3A_2] : memref<26x51200xi32, #tpu.memory_space<hbm>> -> memref<1x1600xi32, #tpu.memory_space<hbm>>
      %dma_wait3A_812 = tpu.memref_squeeze %dma_wait3A_811 : memref<1x1600xi32, #tpu.memory_space<hbm>> -> memref<1600xi32, #tpu.memory_space<hbm>>
      %dma_wait3A_813 = tpu.memref_slice %arg2[%run_scoped3A_451, %mul3A_2] : memref<26x51200xi32, #tpu.memory_space<hbm>> -> memref<1x1600xi32, #tpu.memory_space<hbm>>
      %dma_wait3A_814 = tpu.memref_squeeze %dma_wait3A_813 : memref<1x1600xi32, #tpu.memory_space<hbm>> -> memref<1600xi32, #tpu.memory_space<hbm>>
      tpu.wait_dma2 semaphore(%run_scoped3A_806 : memref<!tpu.dma_semaphore, #tpu.memory_space<semaphore_mem>>) src(%dma_wait3A_814 : memref<1600xi32, #tpu.memory_space<hbm>>) dst(%arg7 : memref<1600xi32, #tpu.memory_space<vmem>>)
      tpu.yield
    }) : () -> ()
    %dma_wait3A_452 = arith.constant 3 : i32
    %dma_wait3A_453 = arith.constant 32 : i32
    %dma_wait3A_454 = tpu.memref_slice %arg4[%dma_wait3A_452, %mul3A_2, %dma_wait3A_453] : memref<7x51200x128xf32, #tpu.memory_space<hbm>> -> memref<1x1600x32xf32, #tpu.memory_space<hbm>>
    %dma_wait3A_455 = tpu.memref_squeeze %dma_wait3A_454 : memref<1x1600x32xf32, #tpu.memory_space<hbm>> -> memref<1600x32xf32, #tpu.memory_space<hbm>>
    %dma_wait3A_456 = arith.constant 32 : i32
    %dma_wait3A_457 = tpu.memref_slice %arg4[%dma_wait3A_452, %mul3A_2, %dma_wait3A_456] : memref<7x51200x128xf32, #tpu.memory_space<hbm>> -> memref<1x1600x32xf32, #tpu.memory_space<hbm>>
    %dma_wait3A_458 = tpu.memref_squeeze %dma_wait3A_457 : memref<1x1600x32xf32, #tpu.memory_space<hbm>> -> memref<1600x32xf32, #tpu.memory_space<hbm>>
    tpu.wait_dma2 semaphore(%arg10 : memref<!tpu.dma_semaphore, #tpu.memory_space<semaphore_mem>>) src(%arg6 : memref<1600x32xf32, #tpu.memory_space<vmem>>) dst(%dma_wait3A_458 : memref<1600x32xf32, #tpu.memory_space<hbm>>)
    %dma_start3A_459 = arith.constant 15 : i32
    %dma_start3A_460 = arith.constant 0 : i32
    %dma_start3A_461 = arith.constant 0 : i32
    %dma_start3A_462 = tpu.memref_slice %arg3[%dma_start3A_459, %dma_start3A_460, %dma_start3A_461] : memref<26x100000x32xf32, #tpu.memory_space<hbm>> -> memref<1x100000x32xf32, #tpu.memory_space<hbm>>
    %dma_start3A_463 = tpu.memref_squeeze %dma_start3A_462 : memref<1x100000x32xf32, #tpu.memory_space<hbm>> -> memref<100000x32xf32, #tpu.memory_space<hbm>>
    %dma_start3A_464 = arith.constant 0 : i32
    %dma_start3A_465 = arith.constant 0 : i32
    %dma_start3A_466 = tpu.memref_slice %dma_start3A_463[%dma_start3A_464, %dma_start3A_465] : memref<100000x32xf32, #tpu.memory_space<hbm>> -> memref<100000x32xf32, #tpu.memory_space<hbm>>
    tpu.enqueue_indirect_dma source(%dma_start3A_466 : memref<100000x32xf32, #tpu.memory_space<hbm>>) target(%arg6 : memref<1600x32xf32, #tpu.memory_space<vmem>>) offsets(%arg7 : memref<1600xi32, #tpu.memory_space<vmem>>) semaphore(%arg8 : memref<!tpu.dma_semaphore, #tpu.memory_space<semaphore_mem>>)
    %dma_wait3A_467 = arith.constant 15 : i32
    %dma_wait3A_468 = arith.constant 0 : i32
    %dma_wait3A_469 = arith.constant 0 : i32
    %dma_wait3A_470 = tpu.memref_slice %arg3[%dma_wait3A_467, %dma_wait3A_468, %dma_wait3A_469] : memref<26x100000x32xf32, #tpu.memory_space<hbm>> -> memref<1x100000x32xf32, #tpu.memory_space<hbm>>
    %dma_wait3A_471 = tpu.memref_squeeze %dma_wait3A_470 : memref<1x100000x32xf32, #tpu.memory_space<hbm>> -> memref<100000x32xf32, #tpu.memory_space<hbm>>
    %dma_wait3A_472 = arith.constant 0 : i32
    %dma_wait3A_473 = arith.constant 0 : i32
    %dma_wait3A_474 = tpu.memref_slice %dma_wait3A_471[%dma_wait3A_472, %dma_wait3A_473] : memref<100000x32xf32, #tpu.memory_space<hbm>> -> memref<100000x32xf32, #tpu.memory_space<hbm>>
    tpu.wait_indirect_dma semaphore(%arg8 : memref<!tpu.dma_semaphore, #tpu.memory_space<semaphore_mem>>) src(%dma_wait3A_474 : memref<100000x32xf32, #tpu.memory_space<hbm>>) dst(%arg6 : memref<1600x32xf32, #tpu.memory_space<vmem>>)
    %dma_start3A_475 = arith.constant 3 : i32
    %dma_start3A_476 = arith.constant 96 : i32
    %dma_start3A_477 = tpu.memref_slice %arg4[%dma_start3A_475, %mul3A_2, %dma_start3A_476] : memref<7x51200x128xf32, #tpu.memory_space<hbm>> -> memref<1x1600x32xf32, #tpu.memory_space<hbm>>
    %dma_start3A_478 = tpu.memref_squeeze %dma_start3A_477 : memref<1x1600x32xf32, #tpu.memory_space<hbm>> -> memref<1600x32xf32, #tpu.memory_space<hbm>>
    %dma_start3A_479 = arith.constant 96 : i32
    %dma_start3A_480 = tpu.memref_slice %arg4[%dma_start3A_475, %mul3A_2, %dma_start3A_479] : memref<7x51200x128xf32, #tpu.memory_space<hbm>> -> memref<1x1600x32xf32, #tpu.memory_space<hbm>>
    %dma_start3A_481 = tpu.memref_squeeze %dma_start3A_480 : memref<1x1600x32xf32, #tpu.memory_space<hbm>> -> memref<1600x32xf32, #tpu.memory_space<hbm>>
    tpu.enqueue_dma source(%arg6 : memref<1600x32xf32, #tpu.memory_space<vmem>>) target(%dma_start3A_481 : memref<1600x32xf32, #tpu.memory_space<hbm>>) target_semaphore(%arg10 : memref<!tpu.dma_semaphore, #tpu.memory_space<semaphore_mem>>)
    %run_scoped3A_482 = arith.constant 16 : i32
    "tpu.region"() ({
      %run_scoped3A_806 = tpu.sem_alloc : memref<!tpu.dma_semaphore, #tpu.memory_space<semaphore_mem>>
      %dma_start3A_807 = tpu.memref_slice %arg2[%run_scoped3A_482, %mul3A_2] : memref<26x51200xi32, #tpu.memory_space<hbm>> -> memref<1x1600xi32, #tpu.memory_space<hbm>>
      %dma_start3A_808 = tpu.memref_squeeze %dma_start3A_807 : memref<1x1600xi32, #tpu.memory_space<hbm>> -> memref<1600xi32, #tpu.memory_space<hbm>>
      %dma_start3A_809 = tpu.memref_slice %arg2[%run_scoped3A_482, %mul3A_2] : memref<26x51200xi32, #tpu.memory_space<hbm>> -> memref<1x1600xi32, #tpu.memory_space<hbm>>
      %dma_start3A_810 = tpu.memref_squeeze %dma_start3A_809 : memref<1x1600xi32, #tpu.memory_space<hbm>> -> memref<1600xi32, #tpu.memory_space<hbm>>
      tpu.enqueue_dma source(%dma_start3A_810 : memref<1600xi32, #tpu.memory_space<hbm>>) target(%arg7 : memref<1600xi32, #tpu.memory_space<vmem>>) target_semaphore(%run_scoped3A_806 : memref<!tpu.dma_semaphore, #tpu.memory_space<semaphore_mem>>)
      %dma_wait3A_811 = tpu.memref_slice %arg2[%run_scoped3A_482, %mul3A_2] : memref<26x51200xi32, #tpu.memory_space<hbm>> -> memref<1x1600xi32, #tpu.memory_space<hbm>>
      %dma_wait3A_812 = tpu.memref_squeeze %dma_wait3A_811 : memref<1x1600xi32, #tpu.memory_space<hbm>> -> memref<1600xi32, #tpu.memory_space<hbm>>
      %dma_wait3A_813 = tpu.memref_slice %arg2[%run_scoped3A_482, %mul3A_2] : memref<26x51200xi32, #tpu.memory_space<hbm>> -> memref<1x1600xi32, #tpu.memory_space<hbm>>
      %dma_wait3A_814 = tpu.memref_squeeze %dma_wait3A_813 : memref<1x1600xi32, #tpu.memory_space<hbm>> -> memref<1600xi32, #tpu.memory_space<hbm>>
      tpu.wait_dma2 semaphore(%run_scoped3A_806 : memref<!tpu.dma_semaphore, #tpu.memory_space<semaphore_mem>>) src(%dma_wait3A_814 : memref<1600xi32, #tpu.memory_space<hbm>>) dst(%arg7 : memref<1600xi32, #tpu.memory_space<vmem>>)
      tpu.yield
    }) : () -> ()
    %dma_wait3A_483 = arith.constant 3 : i32
    %dma_wait3A_484 = arith.constant 64 : i32
    %dma_wait3A_485 = tpu.memref_slice %arg4[%dma_wait3A_483, %mul3A_2, %dma_wait3A_484] : memref<7x51200x128xf32, #tpu.memory_space<hbm>> -> memref<1x1600x32xf32, #tpu.memory_space<hbm>>
    %dma_wait3A_486 = tpu.memref_squeeze %dma_wait3A_485 : memref<1x1600x32xf32, #tpu.memory_space<hbm>> -> memref<1600x32xf32, #tpu.memory_space<hbm>>
    %dma_wait3A_487 = arith.constant 64 : i32
    %dma_wait3A_488 = tpu.memref_slice %arg4[%dma_wait3A_483, %mul3A_2, %dma_wait3A_487] : memref<7x51200x128xf32, #tpu.memory_space<hbm>> -> memref<1x1600x32xf32, #tpu.memory_space<hbm>>
    %dma_wait3A_489 = tpu.memref_squeeze %dma_wait3A_488 : memref<1x1600x32xf32, #tpu.memory_space<hbm>> -> memref<1600x32xf32, #tpu.memory_space<hbm>>
    tpu.wait_dma2 semaphore(%arg9 : memref<!tpu.dma_semaphore, #tpu.memory_space<semaphore_mem>>) src(%arg5 : memref<1600x32xf32, #tpu.memory_space<vmem>>) dst(%dma_wait3A_489 : memref<1600x32xf32, #tpu.memory_space<hbm>>)
    %dma_start3A_490 = arith.constant 16 : i32
    %dma_start3A_491 = arith.constant 0 : i32
    %dma_start3A_492 = arith.constant 0 : i32
    %dma_start3A_493 = tpu.memref_slice %arg3[%dma_start3A_490, %dma_start3A_491, %dma_start3A_492] : memref<26x100000x32xf32, #tpu.memory_space<hbm>> -> memref<1x100000x32xf32, #tpu.memory_space<hbm>>
    %dma_start3A_494 = tpu.memref_squeeze %dma_start3A_493 : memref<1x100000x32xf32, #tpu.memory_space<hbm>> -> memref<100000x32xf32, #tpu.memory_space<hbm>>
    %dma_start3A_495 = arith.constant 0 : i32
    %dma_start3A_496 = arith.constant 0 : i32
    %dma_start3A_497 = tpu.memref_slice %dma_start3A_494[%dma_start3A_495, %dma_start3A_496] : memref<100000x32xf32, #tpu.memory_space<hbm>> -> memref<100000x32xf32, #tpu.memory_space<hbm>>
    tpu.enqueue_indirect_dma source(%dma_start3A_497 : memref<100000x32xf32, #tpu.memory_space<hbm>>) target(%arg5 : memref<1600x32xf32, #tpu.memory_space<vmem>>) offsets(%arg7 : memref<1600xi32, #tpu.memory_space<vmem>>) semaphore(%arg8 : memref<!tpu.dma_semaphore, #tpu.memory_space<semaphore_mem>>)
    %dma_wait3A_498 = arith.constant 16 : i32
    %dma_wait3A_499 = arith.constant 0 : i32
    %dma_wait3A_500 = arith.constant 0 : i32
    %dma_wait3A_501 = tpu.memref_slice %arg3[%dma_wait3A_498, %dma_wait3A_499, %dma_wait3A_500] : memref<26x100000x32xf32, #tpu.memory_space<hbm>> -> memref<1x100000x32xf32, #tpu.memory_space<hbm>>
    %dma_wait3A_502 = tpu.memref_squeeze %dma_wait3A_501 : memref<1x100000x32xf32, #tpu.memory_space<hbm>> -> memref<100000x32xf32, #tpu.memory_space<hbm>>
    %dma_wait3A_503 = arith.constant 0 : i32
    %dma_wait3A_504 = arith.constant 0 : i32
    %dma_wait3A_505 = tpu.memref_slice %dma_wait3A_502[%dma_wait3A_503, %dma_wait3A_504] : memref<100000x32xf32, #tpu.memory_space<hbm>> -> memref<100000x32xf32, #tpu.memory_space<hbm>>
    tpu.wait_indirect_dma semaphore(%arg8 : memref<!tpu.dma_semaphore, #tpu.memory_space<semaphore_mem>>) src(%dma_wait3A_505 : memref<100000x32xf32, #tpu.memory_space<hbm>>) dst(%arg5 : memref<1600x32xf32, #tpu.memory_space<vmem>>)
    %dma_start3A_506 = arith.constant 4 : i32
    %dma_start3A_507 = arith.constant 0 : i32
    %dma_start3A_508 = tpu.memref_slice %arg4[%dma_start3A_506, %mul3A_2, %dma_start3A_507] : memref<7x51200x128xf32, #tpu.memory_space<hbm>> -> memref<1x1600x32xf32, #tpu.memory_space<hbm>>
    %dma_start3A_509 = tpu.memref_squeeze %dma_start3A_508 : memref<1x1600x32xf32, #tpu.memory_space<hbm>> -> memref<1600x32xf32, #tpu.memory_space<hbm>>
    %dma_start3A_510 = arith.constant 0 : i32
    %dma_start3A_511 = tpu.memref_slice %arg4[%dma_start3A_506, %mul3A_2, %dma_start3A_510] : memref<7x51200x128xf32, #tpu.memory_space<hbm>> -> memref<1x1600x32xf32, #tpu.memory_space<hbm>>
    %dma_start3A_512 = tpu.memref_squeeze %dma_start3A_511 : memref<1x1600x32xf32, #tpu.memory_space<hbm>> -> memref<1600x32xf32, #tpu.memory_space<hbm>>
    tpu.enqueue_dma source(%arg5 : memref<1600x32xf32, #tpu.memory_space<vmem>>) target(%dma_start3A_512 : memref<1600x32xf32, #tpu.memory_space<hbm>>) target_semaphore(%arg9 : memref<!tpu.dma_semaphore, #tpu.memory_space<semaphore_mem>>)
    %run_scoped3A_513 = arith.constant 17 : i32
    "tpu.region"() ({
      %run_scoped3A_806 = tpu.sem_alloc : memref<!tpu.dma_semaphore, #tpu.memory_space<semaphore_mem>>
      %dma_start3A_807 = tpu.memref_slice %arg2[%run_scoped3A_513, %mul3A_2] : memref<26x51200xi32, #tpu.memory_space<hbm>> -> memref<1x1600xi32, #tpu.memory_space<hbm>>
      %dma_start3A_808 = tpu.memref_squeeze %dma_start3A_807 : memref<1x1600xi32, #tpu.memory_space<hbm>> -> memref<1600xi32, #tpu.memory_space<hbm>>
      %dma_start3A_809 = tpu.memref_slice %arg2[%run_scoped3A_513, %mul3A_2] : memref<26x51200xi32, #tpu.memory_space<hbm>> -> memref<1x1600xi32, #tpu.memory_space<hbm>>
      %dma_start3A_810 = tpu.memref_squeeze %dma_start3A_809 : memref<1x1600xi32, #tpu.memory_space<hbm>> -> memref<1600xi32, #tpu.memory_space<hbm>>
      tpu.enqueue_dma source(%dma_start3A_810 : memref<1600xi32, #tpu.memory_space<hbm>>) target(%arg7 : memref<1600xi32, #tpu.memory_space<vmem>>) target_semaphore(%run_scoped3A_806 : memref<!tpu.dma_semaphore, #tpu.memory_space<semaphore_mem>>)
      %dma_wait3A_811 = tpu.memref_slice %arg2[%run_scoped3A_513, %mul3A_2] : memref<26x51200xi32, #tpu.memory_space<hbm>> -> memref<1x1600xi32, #tpu.memory_space<hbm>>
      %dma_wait3A_812 = tpu.memref_squeeze %dma_wait3A_811 : memref<1x1600xi32, #tpu.memory_space<hbm>> -> memref<1600xi32, #tpu.memory_space<hbm>>
      %dma_wait3A_813 = tpu.memref_slice %arg2[%run_scoped3A_513, %mul3A_2] : memref<26x51200xi32, #tpu.memory_space<hbm>> -> memref<1x1600xi32, #tpu.memory_space<hbm>>
      %dma_wait3A_814 = tpu.memref_squeeze %dma_wait3A_813 : memref<1x1600xi32, #tpu.memory_space<hbm>> -> memref<1600xi32, #tpu.memory_space<hbm>>
      tpu.wait_dma2 semaphore(%run_scoped3A_806 : memref<!tpu.dma_semaphore, #tpu.memory_space<semaphore_mem>>) src(%dma_wait3A_814 : memref<1600xi32, #tpu.memory_space<hbm>>) dst(%arg7 : memref<1600xi32, #tpu.memory_space<vmem>>)
      tpu.yield
    }) : () -> ()
    %dma_wait3A_514 = arith.constant 3 : i32
    %dma_wait3A_515 = arith.constant 96 : i32
    %dma_wait3A_516 = tpu.memref_slice %arg4[%dma_wait3A_514, %mul3A_2, %dma_wait3A_515] : memref<7x51200x128xf32, #tpu.memory_space<hbm>> -> memref<1x1600x32xf32, #tpu.memory_space<hbm>>
    %dma_wait3A_517 = tpu.memref_squeeze %dma_wait3A_516 : memref<1x1600x32xf32, #tpu.memory_space<hbm>> -> memref<1600x32xf32, #tpu.memory_space<hbm>>
    %dma_wait3A_518 = arith.constant 96 : i32
    %dma_wait3A_519 = tpu.memref_slice %arg4[%dma_wait3A_514, %mul3A_2, %dma_wait3A_518] : memref<7x51200x128xf32, #tpu.memory_space<hbm>> -> memref<1x1600x32xf32, #tpu.memory_space<hbm>>
    %dma_wait3A_520 = tpu.memref_squeeze %dma_wait3A_519 : memref<1x1600x32xf32, #tpu.memory_space<hbm>> -> memref<1600x32xf32, #tpu.memory_space<hbm>>
    tpu.wait_dma2 semaphore(%arg10 : memref<!tpu.dma_semaphore, #tpu.memory_space<semaphore_mem>>) src(%arg6 : memref<1600x32xf32, #tpu.memory_space<vmem>>) dst(%dma_wait3A_520 : memref<1600x32xf32, #tpu.memory_space<hbm>>)
    %dma_start3A_521 = arith.constant 17 : i32
    %dma_start3A_522 = arith.constant 0 : i32
    %dma_start3A_523 = arith.constant 0 : i32
    %dma_start3A_524 = tpu.memref_slice %arg3[%dma_start3A_521, %dma_start3A_522, %dma_start3A_523] : memref<26x100000x32xf32, #tpu.memory_space<hbm>> -> memref<1x100000x32xf32, #tpu.memory_space<hbm>>
    %dma_start3A_525 = tpu.memref_squeeze %dma_start3A_524 : memref<1x100000x32xf32, #tpu.memory_space<hbm>> -> memref<100000x32xf32, #tpu.memory_space<hbm>>
    %dma_start3A_526 = arith.constant 0 : i32
    %dma_start3A_527 = arith.constant 0 : i32
    %dma_start3A_528 = tpu.memref_slice %dma_start3A_525[%dma_start3A_526, %dma_start3A_527] : memref<100000x32xf32, #tpu.memory_space<hbm>> -> memref<100000x32xf32, #tpu.memory_space<hbm>>
    tpu.enqueue_indirect_dma source(%dma_start3A_528 : memref<100000x32xf32, #tpu.memory_space<hbm>>) target(%arg6 : memref<1600x32xf32, #tpu.memory_space<vmem>>) offsets(%arg7 : memref<1600xi32, #tpu.memory_space<vmem>>) semaphore(%arg8 : memref<!tpu.dma_semaphore, #tpu.memory_space<semaphore_mem>>)
    %dma_wait3A_529 = arith.constant 17 : i32
    %dma_wait3A_530 = arith.constant 0 : i32
    %dma_wait3A_531 = arith.constant 0 : i32
    %dma_wait3A_532 = tpu.memref_slice %arg3[%dma_wait3A_529, %dma_wait3A_530, %dma_wait3A_531] : memref<26x100000x32xf32, #tpu.memory_space<hbm>> -> memref<1x100000x32xf32, #tpu.memory_space<hbm>>
    %dma_wait3A_533 = tpu.memref_squeeze %dma_wait3A_532 : memref<1x100000x32xf32, #tpu.memory_space<hbm>> -> memref<100000x32xf32, #tpu.memory_space<hbm>>
    %dma_wait3A_534 = arith.constant 0 : i32
    %dma_wait3A_535 = arith.constant 0 : i32
    %dma_wait3A_536 = tpu.memref_slice %dma_wait3A_533[%dma_wait3A_534, %dma_wait3A_535] : memref<100000x32xf32, #tpu.memory_space<hbm>> -> memref<100000x32xf32, #tpu.memory_space<hbm>>
    tpu.wait_indirect_dma semaphore(%arg8 : memref<!tpu.dma_semaphore, #tpu.memory_space<semaphore_mem>>) src(%dma_wait3A_536 : memref<100000x32xf32, #tpu.memory_space<hbm>>) dst(%arg6 : memref<1600x32xf32, #tpu.memory_space<vmem>>)
    %dma_start3A_537 = arith.constant 4 : i32
    %dma_start3A_538 = arith.constant 32 : i32
    %dma_start3A_539 = tpu.memref_slice %arg4[%dma_start3A_537, %mul3A_2, %dma_start3A_538] : memref<7x51200x128xf32, #tpu.memory_space<hbm>> -> memref<1x1600x32xf32, #tpu.memory_space<hbm>>
    %dma_start3A_540 = tpu.memref_squeeze %dma_start3A_539 : memref<1x1600x32xf32, #tpu.memory_space<hbm>> -> memref<1600x32xf32, #tpu.memory_space<hbm>>
    %dma_start3A_541 = arith.constant 32 : i32
    %dma_start3A_542 = tpu.memref_slice %arg4[%dma_start3A_537, %mul3A_2, %dma_start3A_541] : memref<7x51200x128xf32, #tpu.memory_space<hbm>> -> memref<1x1600x32xf32, #tpu.memory_space<hbm>>
    %dma_start3A_543 = tpu.memref_squeeze %dma_start3A_542 : memref<1x1600x32xf32, #tpu.memory_space<hbm>> -> memref<1600x32xf32, #tpu.memory_space<hbm>>
    tpu.enqueue_dma source(%arg6 : memref<1600x32xf32, #tpu.memory_space<vmem>>) target(%dma_start3A_543 : memref<1600x32xf32, #tpu.memory_space<hbm>>) target_semaphore(%arg10 : memref<!tpu.dma_semaphore, #tpu.memory_space<semaphore_mem>>)
    %run_scoped3A_544 = arith.constant 18 : i32
    "tpu.region"() ({
      %run_scoped3A_806 = tpu.sem_alloc : memref<!tpu.dma_semaphore, #tpu.memory_space<semaphore_mem>>
      %dma_start3A_807 = tpu.memref_slice %arg2[%run_scoped3A_544, %mul3A_2] : memref<26x51200xi32, #tpu.memory_space<hbm>> -> memref<1x1600xi32, #tpu.memory_space<hbm>>
      %dma_start3A_808 = tpu.memref_squeeze %dma_start3A_807 : memref<1x1600xi32, #tpu.memory_space<hbm>> -> memref<1600xi32, #tpu.memory_space<hbm>>
      %dma_start3A_809 = tpu.memref_slice %arg2[%run_scoped3A_544, %mul3A_2] : memref<26x51200xi32, #tpu.memory_space<hbm>> -> memref<1x1600xi32, #tpu.memory_space<hbm>>
      %dma_start3A_810 = tpu.memref_squeeze %dma_start3A_809 : memref<1x1600xi32, #tpu.memory_space<hbm>> -> memref<1600xi32, #tpu.memory_space<hbm>>
      tpu.enqueue_dma source(%dma_start3A_810 : memref<1600xi32, #tpu.memory_space<hbm>>) target(%arg7 : memref<1600xi32, #tpu.memory_space<vmem>>) target_semaphore(%run_scoped3A_806 : memref<!tpu.dma_semaphore, #tpu.memory_space<semaphore_mem>>)
      %dma_wait3A_811 = tpu.memref_slice %arg2[%run_scoped3A_544, %mul3A_2] : memref<26x51200xi32, #tpu.memory_space<hbm>> -> memref<1x1600xi32, #tpu.memory_space<hbm>>
      %dma_wait3A_812 = tpu.memref_squeeze %dma_wait3A_811 : memref<1x1600xi32, #tpu.memory_space<hbm>> -> memref<1600xi32, #tpu.memory_space<hbm>>
      %dma_wait3A_813 = tpu.memref_slice %arg2[%run_scoped3A_544, %mul3A_2] : memref<26x51200xi32, #tpu.memory_space<hbm>> -> memref<1x1600xi32, #tpu.memory_space<hbm>>
      %dma_wait3A_814 = tpu.memref_squeeze %dma_wait3A_813 : memref<1x1600xi32, #tpu.memory_space<hbm>> -> memref<1600xi32, #tpu.memory_space<hbm>>
      tpu.wait_dma2 semaphore(%run_scoped3A_806 : memref<!tpu.dma_semaphore, #tpu.memory_space<semaphore_mem>>) src(%dma_wait3A_814 : memref<1600xi32, #tpu.memory_space<hbm>>) dst(%arg7 : memref<1600xi32, #tpu.memory_space<vmem>>)
      tpu.yield
    }) : () -> ()
    %dma_wait3A_545 = arith.constant 4 : i32
    %dma_wait3A_546 = arith.constant 0 : i32
    %dma_wait3A_547 = tpu.memref_slice %arg4[%dma_wait3A_545, %mul3A_2, %dma_wait3A_546] : memref<7x51200x128xf32, #tpu.memory_space<hbm>> -> memref<1x1600x32xf32, #tpu.memory_space<hbm>>
    %dma_wait3A_548 = tpu.memref_squeeze %dma_wait3A_547 : memref<1x1600x32xf32, #tpu.memory_space<hbm>> -> memref<1600x32xf32, #tpu.memory_space<hbm>>
    %dma_wait3A_549 = arith.constant 0 : i32
    %dma_wait3A_550 = tpu.memref_slice %arg4[%dma_wait3A_545, %mul3A_2, %dma_wait3A_549] : memref<7x51200x128xf32, #tpu.memory_space<hbm>> -> memref<1x1600x32xf32, #tpu.memory_space<hbm>>
    %dma_wait3A_551 = tpu.memref_squeeze %dma_wait3A_550 : memref<1x1600x32xf32, #tpu.memory_space<hbm>> -> memref<1600x32xf32, #tpu.memory_space<hbm>>
    tpu.wait_dma2 semaphore(%arg9 : memref<!tpu.dma_semaphore, #tpu.memory_space<semaphore_mem>>) src(%arg5 : memref<1600x32xf32, #tpu.memory_space<vmem>>) dst(%dma_wait3A_551 : memref<1600x32xf32, #tpu.memory_space<hbm>>)
    %dma_start3A_552 = arith.constant 18 : i32
    %dma_start3A_553 = arith.constant 0 : i32
    %dma_start3A_554 = arith.constant 0 : i32
    %dma_start3A_555 = tpu.memref_slice %arg3[%dma_start3A_552, %dma_start3A_553, %dma_start3A_554] : memref<26x100000x32xf32, #tpu.memory_space<hbm>> -> memref<1x100000x32xf32, #tpu.memory_space<hbm>>
    %dma_start3A_556 = tpu.memref_squeeze %dma_start3A_555 : memref<1x100000x32xf32, #tpu.memory_space<hbm>> -> memref<100000x32xf32, #tpu.memory_space<hbm>>
    %dma_start3A_557 = arith.constant 0 : i32
    %dma_start3A_558 = arith.constant 0 : i32
    %dma_start3A_559 = tpu.memref_slice %dma_start3A_556[%dma_start3A_557, %dma_start3A_558] : memref<100000x32xf32, #tpu.memory_space<hbm>> -> memref<100000x32xf32, #tpu.memory_space<hbm>>
    tpu.enqueue_indirect_dma source(%dma_start3A_559 : memref<100000x32xf32, #tpu.memory_space<hbm>>) target(%arg5 : memref<1600x32xf32, #tpu.memory_space<vmem>>) offsets(%arg7 : memref<1600xi32, #tpu.memory_space<vmem>>) semaphore(%arg8 : memref<!tpu.dma_semaphore, #tpu.memory_space<semaphore_mem>>)
    %dma_wait3A_560 = arith.constant 18 : i32
    %dma_wait3A_561 = arith.constant 0 : i32
    %dma_wait3A_562 = arith.constant 0 : i32
    %dma_wait3A_563 = tpu.memref_slice %arg3[%dma_wait3A_560, %dma_wait3A_561, %dma_wait3A_562] : memref<26x100000x32xf32, #tpu.memory_space<hbm>> -> memref<1x100000x32xf32, #tpu.memory_space<hbm>>
    %dma_wait3A_564 = tpu.memref_squeeze %dma_wait3A_563 : memref<1x100000x32xf32, #tpu.memory_space<hbm>> -> memref<100000x32xf32, #tpu.memory_space<hbm>>
    %dma_wait3A_565 = arith.constant 0 : i32
    %dma_wait3A_566 = arith.constant 0 : i32
    %dma_wait3A_567 = tpu.memref_slice %dma_wait3A_564[%dma_wait3A_565, %dma_wait3A_566] : memref<100000x32xf32, #tpu.memory_space<hbm>> -> memref<100000x32xf32, #tpu.memory_space<hbm>>
    tpu.wait_indirect_dma semaphore(%arg8 : memref<!tpu.dma_semaphore, #tpu.memory_space<semaphore_mem>>) src(%dma_wait3A_567 : memref<100000x32xf32, #tpu.memory_space<hbm>>) dst(%arg5 : memref<1600x32xf32, #tpu.memory_space<vmem>>)
    %dma_start3A_568 = arith.constant 4 : i32
    %dma_start3A_569 = arith.constant 64 : i32
    %dma_start3A_570 = tpu.memref_slice %arg4[%dma_start3A_568, %mul3A_2, %dma_start3A_569] : memref<7x51200x128xf32, #tpu.memory_space<hbm>> -> memref<1x1600x32xf32, #tpu.memory_space<hbm>>
    %dma_start3A_571 = tpu.memref_squeeze %dma_start3A_570 : memref<1x1600x32xf32, #tpu.memory_space<hbm>> -> memref<1600x32xf32, #tpu.memory_space<hbm>>
    %dma_start3A_572 = arith.constant 64 : i32
    %dma_start3A_573 = tpu.memref_slice %arg4[%dma_start3A_568, %mul3A_2, %dma_start3A_572] : memref<7x51200x128xf32, #tpu.memory_space<hbm>> -> memref<1x1600x32xf32, #tpu.memory_space<hbm>>
    %dma_start3A_574 = tpu.memref_squeeze %dma_start3A_573 : memref<1x1600x32xf32, #tpu.memory_space<hbm>> -> memref<1600x32xf32, #tpu.memory_space<hbm>>
    tpu.enqueue_dma source(%arg5 : memref<1600x32xf32, #tpu.memory_space<vmem>>) target(%dma_start3A_574 : memref<1600x32xf32, #tpu.memory_space<hbm>>) target_semaphore(%arg9 : memref<!tpu.dma_semaphore, #tpu.memory_space<semaphore_mem>>)
    %run_scoped3A_575 = arith.constant 19 : i32
    "tpu.region"() ({
      %run_scoped3A_806 = tpu.sem_alloc : memref<!tpu.dma_semaphore, #tpu.memory_space<semaphore_mem>>
      %dma_start3A_807 = tpu.memref_slice %arg2[%run_scoped3A_575, %mul3A_2] : memref<26x51200xi32, #tpu.memory_space<hbm>> -> memref<1x1600xi32, #tpu.memory_space<hbm>>
      %dma_start3A_808 = tpu.memref_squeeze %dma_start3A_807 : memref<1x1600xi32, #tpu.memory_space<hbm>> -> memref<1600xi32, #tpu.memory_space<hbm>>
      %dma_start3A_809 = tpu.memref_slice %arg2[%run_scoped3A_575, %mul3A_2] : memref<26x51200xi32, #tpu.memory_space<hbm>> -> memref<1x1600xi32, #tpu.memory_space<hbm>>
      %dma_start3A_810 = tpu.memref_squeeze %dma_start3A_809 : memref<1x1600xi32, #tpu.memory_space<hbm>> -> memref<1600xi32, #tpu.memory_space<hbm>>
      tpu.enqueue_dma source(%dma_start3A_810 : memref<1600xi32, #tpu.memory_space<hbm>>) target(%arg7 : memref<1600xi32, #tpu.memory_space<vmem>>) target_semaphore(%run_scoped3A_806 : memref<!tpu.dma_semaphore, #tpu.memory_space<semaphore_mem>>)
      %dma_wait3A_811 = tpu.memref_slice %arg2[%run_scoped3A_575, %mul3A_2] : memref<26x51200xi32, #tpu.memory_space<hbm>> -> memref<1x1600xi32, #tpu.memory_space<hbm>>
      %dma_wait3A_812 = tpu.memref_squeeze %dma_wait3A_811 : memref<1x1600xi32, #tpu.memory_space<hbm>> -> memref<1600xi32, #tpu.memory_space<hbm>>
      %dma_wait3A_813 = tpu.memref_slice %arg2[%run_scoped3A_575, %mul3A_2] : memref<26x51200xi32, #tpu.memory_space<hbm>> -> memref<1x1600xi32, #tpu.memory_space<hbm>>
      %dma_wait3A_814 = tpu.memref_squeeze %dma_wait3A_813 : memref<1x1600xi32, #tpu.memory_space<hbm>> -> memref<1600xi32, #tpu.memory_space<hbm>>
      tpu.wait_dma2 semaphore(%run_scoped3A_806 : memref<!tpu.dma_semaphore, #tpu.memory_space<semaphore_mem>>) src(%dma_wait3A_814 : memref<1600xi32, #tpu.memory_space<hbm>>) dst(%arg7 : memref<1600xi32, #tpu.memory_space<vmem>>)
      tpu.yield
    }) : () -> ()
    %dma_wait3A_576 = arith.constant 4 : i32
    %dma_wait3A_577 = arith.constant 32 : i32
    %dma_wait3A_578 = tpu.memref_slice %arg4[%dma_wait3A_576, %mul3A_2, %dma_wait3A_577] : memref<7x51200x128xf32, #tpu.memory_space<hbm>> -> memref<1x1600x32xf32, #tpu.memory_space<hbm>>
    %dma_wait3A_579 = tpu.memref_squeeze %dma_wait3A_578 : memref<1x1600x32xf32, #tpu.memory_space<hbm>> -> memref<1600x32xf32, #tpu.memory_space<hbm>>
    %dma_wait3A_580 = arith.constant 32 : i32
    %dma_wait3A_581 = tpu.memref_slice %arg4[%dma_wait3A_576, %mul3A_2, %dma_wait3A_580] : memref<7x51200x128xf32, #tpu.memory_space<hbm>> -> memref<1x1600x32xf32, #tpu.memory_space<hbm>>
    %dma_wait3A_582 = tpu.memref_squeeze %dma_wait3A_581 : memref<1x1600x32xf32, #tpu.memory_space<hbm>> -> memref<1600x32xf32, #tpu.memory_space<hbm>>
    tpu.wait_dma2 semaphore(%arg10 : memref<!tpu.dma_semaphore, #tpu.memory_space<semaphore_mem>>) src(%arg6 : memref<1600x32xf32, #tpu.memory_space<vmem>>) dst(%dma_wait3A_582 : memref<1600x32xf32, #tpu.memory_space<hbm>>)
    %dma_start3A_583 = arith.constant 19 : i32
    %dma_start3A_584 = arith.constant 0 : i32
    %dma_start3A_585 = arith.constant 0 : i32
    %dma_start3A_586 = tpu.memref_slice %arg3[%dma_start3A_583, %dma_start3A_584, %dma_start3A_585] : memref<26x100000x32xf32, #tpu.memory_space<hbm>> -> memref<1x100000x32xf32, #tpu.memory_space<hbm>>
    %dma_start3A_587 = tpu.memref_squeeze %dma_start3A_586 : memref<1x100000x32xf32, #tpu.memory_space<hbm>> -> memref<100000x32xf32, #tpu.memory_space<hbm>>
    %dma_start3A_588 = arith.constant 0 : i32
    %dma_start3A_589 = arith.constant 0 : i32
    %dma_start3A_590 = tpu.memref_slice %dma_start3A_587[%dma_start3A_588, %dma_start3A_589] : memref<100000x32xf32, #tpu.memory_space<hbm>> -> memref<100000x32xf32, #tpu.memory_space<hbm>>
    tpu.enqueue_indirect_dma source(%dma_start3A_590 : memref<100000x32xf32, #tpu.memory_space<hbm>>) target(%arg6 : memref<1600x32xf32, #tpu.memory_space<vmem>>) offsets(%arg7 : memref<1600xi32, #tpu.memory_space<vmem>>) semaphore(%arg8 : memref<!tpu.dma_semaphore, #tpu.memory_space<semaphore_mem>>)
    %dma_wait3A_591 = arith.constant 19 : i32
    %dma_wait3A_592 = arith.constant 0 : i32
    %dma_wait3A_593 = arith.constant 0 : i32
    %dma_wait3A_594 = tpu.memref_slice %arg3[%dma_wait3A_591, %dma_wait3A_592, %dma_wait3A_593] : memref<26x100000x32xf32, #tpu.memory_space<hbm>> -> memref<1x100000x32xf32, #tpu.memory_space<hbm>>
    %dma_wait3A_595 = tpu.memref_squeeze %dma_wait3A_594 : memref<1x100000x32xf32, #tpu.memory_space<hbm>> -> memref<100000x32xf32, #tpu.memory_space<hbm>>
    %dma_wait3A_596 = arith.constant 0 : i32
    %dma_wait3A_597 = arith.constant 0 : i32
    %dma_wait3A_598 = tpu.memref_slice %dma_wait3A_595[%dma_wait3A_596, %dma_wait3A_597] : memref<100000x32xf32, #tpu.memory_space<hbm>> -> memref<100000x32xf32, #tpu.memory_space<hbm>>
    tpu.wait_indirect_dma semaphore(%arg8 : memref<!tpu.dma_semaphore, #tpu.memory_space<semaphore_mem>>) src(%dma_wait3A_598 : memref<100000x32xf32, #tpu.memory_space<hbm>>) dst(%arg6 : memref<1600x32xf32, #tpu.memory_space<vmem>>)
    %dma_start3A_599 = arith.constant 4 : i32
    %dma_start3A_600 = arith.constant 96 : i32
    %dma_start3A_601 = tpu.memref_slice %arg4[%dma_start3A_599, %mul3A_2, %dma_start3A_600] : memref<7x51200x128xf32, #tpu.memory_space<hbm>> -> memref<1x1600x32xf32, #tpu.memory_space<hbm>>
    %dma_start3A_602 = tpu.memref_squeeze %dma_start3A_601 : memref<1x1600x32xf32, #tpu.memory_space<hbm>> -> memref<1600x32xf32, #tpu.memory_space<hbm>>
    %dma_start3A_603 = arith.constant 96 : i32
    %dma_start3A_604 = tpu.memref_slice %arg4[%dma_start3A_599, %mul3A_2, %dma_start3A_603] : memref<7x51200x128xf32, #tpu.memory_space<hbm>> -> memref<1x1600x32xf32, #tpu.memory_space<hbm>>
    %dma_start3A_605 = tpu.memref_squeeze %dma_start3A_604 : memref<1x1600x32xf32, #tpu.memory_space<hbm>> -> memref<1600x32xf32, #tpu.memory_space<hbm>>
    tpu.enqueue_dma source(%arg6 : memref<1600x32xf32, #tpu.memory_space<vmem>>) target(%dma_start3A_605 : memref<1600x32xf32, #tpu.memory_space<hbm>>) target_semaphore(%arg10 : memref<!tpu.dma_semaphore, #tpu.memory_space<semaphore_mem>>)
    %run_scoped3A_606 = arith.constant 20 : i32
    "tpu.region"() ({
      %run_scoped3A_806 = tpu.sem_alloc : memref<!tpu.dma_semaphore, #tpu.memory_space<semaphore_mem>>
      %dma_start3A_807 = tpu.memref_slice %arg2[%run_scoped3A_606, %mul3A_2] : memref<26x51200xi32, #tpu.memory_space<hbm>> -> memref<1x1600xi32, #tpu.memory_space<hbm>>
      %dma_start3A_808 = tpu.memref_squeeze %dma_start3A_807 : memref<1x1600xi32, #tpu.memory_space<hbm>> -> memref<1600xi32, #tpu.memory_space<hbm>>
      %dma_start3A_809 = tpu.memref_slice %arg2[%run_scoped3A_606, %mul3A_2] : memref<26x51200xi32, #tpu.memory_space<hbm>> -> memref<1x1600xi32, #tpu.memory_space<hbm>>
      %dma_start3A_810 = tpu.memref_squeeze %dma_start3A_809 : memref<1x1600xi32, #tpu.memory_space<hbm>> -> memref<1600xi32, #tpu.memory_space<hbm>>
      tpu.enqueue_dma source(%dma_start3A_810 : memref<1600xi32, #tpu.memory_space<hbm>>) target(%arg7 : memref<1600xi32, #tpu.memory_space<vmem>>) target_semaphore(%run_scoped3A_806 : memref<!tpu.dma_semaphore, #tpu.memory_space<semaphore_mem>>)
      %dma_wait3A_811 = tpu.memref_slice %arg2[%run_scoped3A_606, %mul3A_2] : memref<26x51200xi32, #tpu.memory_space<hbm>> -> memref<1x1600xi32, #tpu.memory_space<hbm>>
      %dma_wait3A_812 = tpu.memref_squeeze %dma_wait3A_811 : memref<1x1600xi32, #tpu.memory_space<hbm>> -> memref<1600xi32, #tpu.memory_space<hbm>>
      %dma_wait3A_813 = tpu.memref_slice %arg2[%run_scoped3A_606, %mul3A_2] : memref<26x51200xi32, #tpu.memory_space<hbm>> -> memref<1x1600xi32, #tpu.memory_space<hbm>>
      %dma_wait3A_814 = tpu.memref_squeeze %dma_wait3A_813 : memref<1x1600xi32, #tpu.memory_space<hbm>> -> memref<1600xi32, #tpu.memory_space<hbm>>
      tpu.wait_dma2 semaphore(%run_scoped3A_806 : memref<!tpu.dma_semaphore, #tpu.memory_space<semaphore_mem>>) src(%dma_wait3A_814 : memref<1600xi32, #tpu.memory_space<hbm>>) dst(%arg7 : memref<1600xi32, #tpu.memory_space<vmem>>)
      tpu.yield
    }) : () -> ()
    %dma_wait3A_607 = arith.constant 4 : i32
    %dma_wait3A_608 = arith.constant 64 : i32
    %dma_wait3A_609 = tpu.memref_slice %arg4[%dma_wait3A_607, %mul3A_2, %dma_wait3A_608] : memref<7x51200x128xf32, #tpu.memory_space<hbm>> -> memref<1x1600x32xf32, #tpu.memory_space<hbm>>
    %dma_wait3A_610 = tpu.memref_squeeze %dma_wait3A_609 : memref<1x1600x32xf32, #tpu.memory_space<hbm>> -> memref<1600x32xf32, #tpu.memory_space<hbm>>
    %dma_wait3A_611 = arith.constant 64 : i32
    %dma_wait3A_612 = tpu.memref_slice %arg4[%dma_wait3A_607, %mul3A_2, %dma_wait3A_611] : memref<7x51200x128xf32, #tpu.memory_space<hbm>> -> memref<1x1600x32xf32, #tpu.memory_space<hbm>>
    %dma_wait3A_613 = tpu.memref_squeeze %dma_wait3A_612 : memref<1x1600x32xf32, #tpu.memory_space<hbm>> -> memref<1600x32xf32, #tpu.memory_space<hbm>>
    tpu.wait_dma2 semaphore(%arg9 : memref<!tpu.dma_semaphore, #tpu.memory_space<semaphore_mem>>) src(%arg5 : memref<1600x32xf32, #tpu.memory_space<vmem>>) dst(%dma_wait3A_613 : memref<1600x32xf32, #tpu.memory_space<hbm>>)
    %dma_start3A_614 = arith.constant 20 : i32
    %dma_start3A_615 = arith.constant 0 : i32
    %dma_start3A_616 = arith.constant 0 : i32
    %dma_start3A_617 = tpu.memref_slice %arg3[%dma_start3A_614, %dma_start3A_615, %dma_start3A_616] : memref<26x100000x32xf32, #tpu.memory_space<hbm>> -> memref<1x100000x32xf32, #tpu.memory_space<hbm>>
    %dma_start3A_618 = tpu.memref_squeeze %dma_start3A_617 : memref<1x100000x32xf32, #tpu.memory_space<hbm>> -> memref<100000x32xf32, #tpu.memory_space<hbm>>
    %dma_start3A_619 = arith.constant 0 : i32
    %dma_start3A_620 = arith.constant 0 : i32
    %dma_start3A_621 = tpu.memref_slice %dma_start3A_618[%dma_start3A_619, %dma_start3A_620] : memref<100000x32xf32, #tpu.memory_space<hbm>> -> memref<100000x32xf32, #tpu.memory_space<hbm>>
    tpu.enqueue_indirect_dma source(%dma_start3A_621 : memref<100000x32xf32, #tpu.memory_space<hbm>>) target(%arg5 : memref<1600x32xf32, #tpu.memory_space<vmem>>) offsets(%arg7 : memref<1600xi32, #tpu.memory_space<vmem>>) semaphore(%arg8 : memref<!tpu.dma_semaphore, #tpu.memory_space<semaphore_mem>>)
    %dma_wait3A_622 = arith.constant 20 : i32
    %dma_wait3A_623 = arith.constant 0 : i32
    %dma_wait3A_624 = arith.constant 0 : i32
    %dma_wait3A_625 = tpu.memref_slice %arg3[%dma_wait3A_622, %dma_wait3A_623, %dma_wait3A_624] : memref<26x100000x32xf32, #tpu.memory_space<hbm>> -> memref<1x100000x32xf32, #tpu.memory_space<hbm>>
    %dma_wait3A_626 = tpu.memref_squeeze %dma_wait3A_625 : memref<1x100000x32xf32, #tpu.memory_space<hbm>> -> memref<100000x32xf32, #tpu.memory_space<hbm>>
    %dma_wait3A_627 = arith.constant 0 : i32
    %dma_wait3A_628 = arith.constant 0 : i32
    %dma_wait3A_629 = tpu.memref_slice %dma_wait3A_626[%dma_wait3A_627, %dma_wait3A_628] : memref<100000x32xf32, #tpu.memory_space<hbm>> -> memref<100000x32xf32, #tpu.memory_space<hbm>>
    tpu.wait_indirect_dma semaphore(%arg8 : memref<!tpu.dma_semaphore, #tpu.memory_space<semaphore_mem>>) src(%dma_wait3A_629 : memref<100000x32xf32, #tpu.memory_space<hbm>>) dst(%arg5 : memref<1600x32xf32, #tpu.memory_space<vmem>>)
    %dma_start3A_630 = arith.constant 5 : i32
    %dma_start3A_631 = arith.constant 0 : i32
    %dma_start3A_632 = tpu.memref_slice %arg4[%dma_start3A_630, %mul3A_2, %dma_start3A_631] : memref<7x51200x128xf32, #tpu.memory_space<hbm>> -> memref<1x1600x32xf32, #tpu.memory_space<hbm>>
    %dma_start3A_633 = tpu.memref_squeeze %dma_start3A_632 : memref<1x1600x32xf32, #tpu.memory_space<hbm>> -> memref<1600x32xf32, #tpu.memory_space<hbm>>
    %dma_start3A_634 = arith.constant 0 : i32
    %dma_start3A_635 = tpu.memref_slice %arg4[%dma_start3A_630, %mul3A_2, %dma_start3A_634] : memref<7x51200x128xf32, #tpu.memory_space<hbm>> -> memref<1x1600x32xf32, #tpu.memory_space<hbm>>
    %dma_start3A_636 = tpu.memref_squeeze %dma_start3A_635 : memref<1x1600x32xf32, #tpu.memory_space<hbm>> -> memref<1600x32xf32, #tpu.memory_space<hbm>>
    tpu.enqueue_dma source(%arg5 : memref<1600x32xf32, #tpu.memory_space<vmem>>) target(%dma_start3A_636 : memref<1600x32xf32, #tpu.memory_space<hbm>>) target_semaphore(%arg9 : memref<!tpu.dma_semaphore, #tpu.memory_space<semaphore_mem>>)
    %run_scoped3A_637 = arith.constant 21 : i32
    "tpu.region"() ({
      %run_scoped3A_806 = tpu.sem_alloc : memref<!tpu.dma_semaphore, #tpu.memory_space<semaphore_mem>>
      %dma_start3A_807 = tpu.memref_slice %arg2[%run_scoped3A_637, %mul3A_2] : memref<26x51200xi32, #tpu.memory_space<hbm>> -> memref<1x1600xi32, #tpu.memory_space<hbm>>
      %dma_start3A_808 = tpu.memref_squeeze %dma_start3A_807 : memref<1x1600xi32, #tpu.memory_space<hbm>> -> memref<1600xi32, #tpu.memory_space<hbm>>
      %dma_start3A_809 = tpu.memref_slice %arg2[%run_scoped3A_637, %mul3A_2] : memref<26x51200xi32, #tpu.memory_space<hbm>> -> memref<1x1600xi32, #tpu.memory_space<hbm>>
      %dma_start3A_810 = tpu.memref_squeeze %dma_start3A_809 : memref<1x1600xi32, #tpu.memory_space<hbm>> -> memref<1600xi32, #tpu.memory_space<hbm>>
      tpu.enqueue_dma source(%dma_start3A_810 : memref<1600xi32, #tpu.memory_space<hbm>>) target(%arg7 : memref<1600xi32, #tpu.memory_space<vmem>>) target_semaphore(%run_scoped3A_806 : memref<!tpu.dma_semaphore, #tpu.memory_space<semaphore_mem>>)
      %dma_wait3A_811 = tpu.memref_slice %arg2[%run_scoped3A_637, %mul3A_2] : memref<26x51200xi32, #tpu.memory_space<hbm>> -> memref<1x1600xi32, #tpu.memory_space<hbm>>
      %dma_wait3A_812 = tpu.memref_squeeze %dma_wait3A_811 : memref<1x1600xi32, #tpu.memory_space<hbm>> -> memref<1600xi32, #tpu.memory_space<hbm>>
      %dma_wait3A_813 = tpu.memref_slice %arg2[%run_scoped3A_637, %mul3A_2] : memref<26x51200xi32, #tpu.memory_space<hbm>> -> memref<1x1600xi32, #tpu.memory_space<hbm>>
      %dma_wait3A_814 = tpu.memref_squeeze %dma_wait3A_813 : memref<1x1600xi32, #tpu.memory_space<hbm>> -> memref<1600xi32, #tpu.memory_space<hbm>>
      tpu.wait_dma2 semaphore(%run_scoped3A_806 : memref<!tpu.dma_semaphore, #tpu.memory_space<semaphore_mem>>) src(%dma_wait3A_814 : memref<1600xi32, #tpu.memory_space<hbm>>) dst(%arg7 : memref<1600xi32, #tpu.memory_space<vmem>>)
      tpu.yield
    }) : () -> ()
    %dma_wait3A_638 = arith.constant 4 : i32
    %dma_wait3A_639 = arith.constant 96 : i32
    %dma_wait3A_640 = tpu.memref_slice %arg4[%dma_wait3A_638, %mul3A_2, %dma_wait3A_639] : memref<7x51200x128xf32, #tpu.memory_space<hbm>> -> memref<1x1600x32xf32, #tpu.memory_space<hbm>>
    %dma_wait3A_641 = tpu.memref_squeeze %dma_wait3A_640 : memref<1x1600x32xf32, #tpu.memory_space<hbm>> -> memref<1600x32xf32, #tpu.memory_space<hbm>>
    %dma_wait3A_642 = arith.constant 96 : i32
    %dma_wait3A_643 = tpu.memref_slice %arg4[%dma_wait3A_638, %mul3A_2, %dma_wait3A_642] : memref<7x51200x128xf32, #tpu.memory_space<hbm>> -> memref<1x1600x32xf32, #tpu.memory_space<hbm>>
    %dma_wait3A_644 = tpu.memref_squeeze %dma_wait3A_643 : memref<1x1600x32xf32, #tpu.memory_space<hbm>> -> memref<1600x32xf32, #tpu.memory_space<hbm>>
    tpu.wait_dma2 semaphore(%arg10 : memref<!tpu.dma_semaphore, #tpu.memory_space<semaphore_mem>>) src(%arg6 : memref<1600x32xf32, #tpu.memory_space<vmem>>) dst(%dma_wait3A_644 : memref<1600x32xf32, #tpu.memory_space<hbm>>)
    %dma_start3A_645 = arith.constant 21 : i32
    %dma_start3A_646 = arith.constant 0 : i32
    %dma_start3A_647 = arith.constant 0 : i32
    %dma_start3A_648 = tpu.memref_slice %arg3[%dma_start3A_645, %dma_start3A_646, %dma_start3A_647] : memref<26x100000x32xf32, #tpu.memory_space<hbm>> -> memref<1x100000x32xf32, #tpu.memory_space<hbm>>
    %dma_start3A_649 = tpu.memref_squeeze %dma_start3A_648 : memref<1x100000x32xf32, #tpu.memory_space<hbm>> -> memref<100000x32xf32, #tpu.memory_space<hbm>>
    %dma_start3A_650 = arith.constant 0 : i32
    %dma_start3A_651 = arith.constant 0 : i32
    %dma_start3A_652 = tpu.memref_slice %dma_start3A_649[%dma_start3A_650, %dma_start3A_651] : memref<100000x32xf32, #tpu.memory_space<hbm>> -> memref<100000x32xf32, #tpu.memory_space<hbm>>
    tpu.enqueue_indirect_dma source(%dma_start3A_652 : memref<100000x32xf32, #tpu.memory_space<hbm>>) target(%arg6 : memref<1600x32xf32, #tpu.memory_space<vmem>>) offsets(%arg7 : memref<1600xi32, #tpu.memory_space<vmem>>) semaphore(%arg8 : memref<!tpu.dma_semaphore, #tpu.memory_space<semaphore_mem>>)
    %dma_wait3A_653 = arith.constant 21 : i32
    %dma_wait3A_654 = arith.constant 0 : i32
    %dma_wait3A_655 = arith.constant 0 : i32
    %dma_wait3A_656 = tpu.memref_slice %arg3[%dma_wait3A_653, %dma_wait3A_654, %dma_wait3A_655] : memref<26x100000x32xf32, #tpu.memory_space<hbm>> -> memref<1x100000x32xf32, #tpu.memory_space<hbm>>
    %dma_wait3A_657 = tpu.memref_squeeze %dma_wait3A_656 : memref<1x100000x32xf32, #tpu.memory_space<hbm>> -> memref<100000x32xf32, #tpu.memory_space<hbm>>
    %dma_wait3A_658 = arith.constant 0 : i32
    %dma_wait3A_659 = arith.constant 0 : i32
    %dma_wait3A_660 = tpu.memref_slice %dma_wait3A_657[%dma_wait3A_658, %dma_wait3A_659] : memref<100000x32xf32, #tpu.memory_space<hbm>> -> memref<100000x32xf32, #tpu.memory_space<hbm>>
    tpu.wait_indirect_dma semaphore(%arg8 : memref<!tpu.dma_semaphore, #tpu.memory_space<semaphore_mem>>) src(%dma_wait3A_660 : memref<100000x32xf32, #tpu.memory_space<hbm>>) dst(%arg6 : memref<1600x32xf32, #tpu.memory_space<vmem>>)
    %dma_start3A_661 = arith.constant 5 : i32
    %dma_start3A_662 = arith.constant 32 : i32
    %dma_start3A_663 = tpu.memref_slice %arg4[%dma_start3A_661, %mul3A_2, %dma_start3A_662] : memref<7x51200x128xf32, #tpu.memory_space<hbm>> -> memref<1x1600x32xf32, #tpu.memory_space<hbm>>
    %dma_start3A_664 = tpu.memref_squeeze %dma_start3A_663 : memref<1x1600x32xf32, #tpu.memory_space<hbm>> -> memref<1600x32xf32, #tpu.memory_space<hbm>>
    %dma_start3A_665 = arith.constant 32 : i32
    %dma_start3A_666 = tpu.memref_slice %arg4[%dma_start3A_661, %mul3A_2, %dma_start3A_665] : memref<7x51200x128xf32, #tpu.memory_space<hbm>> -> memref<1x1600x32xf32, #tpu.memory_space<hbm>>
    %dma_start3A_667 = tpu.memref_squeeze %dma_start3A_666 : memref<1x1600x32xf32, #tpu.memory_space<hbm>> -> memref<1600x32xf32, #tpu.memory_space<hbm>>
    tpu.enqueue_dma source(%arg6 : memref<1600x32xf32, #tpu.memory_space<vmem>>) target(%dma_start3A_667 : memref<1600x32xf32, #tpu.memory_space<hbm>>) target_semaphore(%arg10 : memref<!tpu.dma_semaphore, #tpu.memory_space<semaphore_mem>>)
    %run_scoped3A_668 = arith.constant 22 : i32
    "tpu.region"() ({
      %run_scoped3A_806 = tpu.sem_alloc : memref<!tpu.dma_semaphore, #tpu.memory_space<semaphore_mem>>
      %dma_start3A_807 = tpu.memref_slice %arg2[%run_scoped3A_668, %mul3A_2] : memref<26x51200xi32, #tpu.memory_space<hbm>> -> memref<1x1600xi32, #tpu.memory_space<hbm>>
      %dma_start3A_808 = tpu.memref_squeeze %dma_start3A_807 : memref<1x1600xi32, #tpu.memory_space<hbm>> -> memref<1600xi32, #tpu.memory_space<hbm>>
      %dma_start3A_809 = tpu.memref_slice %arg2[%run_scoped3A_668, %mul3A_2] : memref<26x51200xi32, #tpu.memory_space<hbm>> -> memref<1x1600xi32, #tpu.memory_space<hbm>>
      %dma_start3A_810 = tpu.memref_squeeze %dma_start3A_809 : memref<1x1600xi32, #tpu.memory_space<hbm>> -> memref<1600xi32, #tpu.memory_space<hbm>>
      tpu.enqueue_dma source(%dma_start3A_810 : memref<1600xi32, #tpu.memory_space<hbm>>) target(%arg7 : memref<1600xi32, #tpu.memory_space<vmem>>) target_semaphore(%run_scoped3A_806 : memref<!tpu.dma_semaphore, #tpu.memory_space<semaphore_mem>>)
      %dma_wait3A_811 = tpu.memref_slice %arg2[%run_scoped3A_668, %mul3A_2] : memref<26x51200xi32, #tpu.memory_space<hbm>> -> memref<1x1600xi32, #tpu.memory_space<hbm>>
      %dma_wait3A_812 = tpu.memref_squeeze %dma_wait3A_811 : memref<1x1600xi32, #tpu.memory_space<hbm>> -> memref<1600xi32, #tpu.memory_space<hbm>>
      %dma_wait3A_813 = tpu.memref_slice %arg2[%run_scoped3A_668, %mul3A_2] : memref<26x51200xi32, #tpu.memory_space<hbm>> -> memref<1x1600xi32, #tpu.memory_space<hbm>>
      %dma_wait3A_814 = tpu.memref_squeeze %dma_wait3A_813 : memref<1x1600xi32, #tpu.memory_space<hbm>> -> memref<1600xi32, #tpu.memory_space<hbm>>
      tpu.wait_dma2 semaphore(%run_scoped3A_806 : memref<!tpu.dma_semaphore, #tpu.memory_space<semaphore_mem>>) src(%dma_wait3A_814 : memref<1600xi32, #tpu.memory_space<hbm>>) dst(%arg7 : memref<1600xi32, #tpu.memory_space<vmem>>)
      tpu.yield
    }) : () -> ()
    %dma_wait3A_669 = arith.constant 5 : i32
    %dma_wait3A_670 = arith.constant 0 : i32
    %dma_wait3A_671 = tpu.memref_slice %arg4[%dma_wait3A_669, %mul3A_2, %dma_wait3A_670] : memref<7x51200x128xf32, #tpu.memory_space<hbm>> -> memref<1x1600x32xf32, #tpu.memory_space<hbm>>
    %dma_wait3A_672 = tpu.memref_squeeze %dma_wait3A_671 : memref<1x1600x32xf32, #tpu.memory_space<hbm>> -> memref<1600x32xf32, #tpu.memory_space<hbm>>
    %dma_wait3A_673 = arith.constant 0 : i32
    %dma_wait3A_674 = tpu.memref_slice %arg4[%dma_wait3A_669, %mul3A_2, %dma_wait3A_673] : memref<7x51200x128xf32, #tpu.memory_space<hbm>> -> memref<1x1600x32xf32, #tpu.memory_space<hbm>>
    %dma_wait3A_675 = tpu.memref_squeeze %dma_wait3A_674 : memref<1x1600x32xf32, #tpu.memory_space<hbm>> -> memref<1600x32xf32, #tpu.memory_space<hbm>>
    tpu.wait_dma2 semaphore(%arg9 : memref<!tpu.dma_semaphore, #tpu.memory_space<semaphore_mem>>) src(%arg5 : memref<1600x32xf32, #tpu.memory_space<vmem>>) dst(%dma_wait3A_675 : memref<1600x32xf32, #tpu.memory_space<hbm>>)
    %dma_start3A_676 = arith.constant 22 : i32
    %dma_start3A_677 = arith.constant 0 : i32
    %dma_start3A_678 = arith.constant 0 : i32
    %dma_start3A_679 = tpu.memref_slice %arg3[%dma_start3A_676, %dma_start3A_677, %dma_start3A_678] : memref<26x100000x32xf32, #tpu.memory_space<hbm>> -> memref<1x100000x32xf32, #tpu.memory_space<hbm>>
    %dma_start3A_680 = tpu.memref_squeeze %dma_start3A_679 : memref<1x100000x32xf32, #tpu.memory_space<hbm>> -> memref<100000x32xf32, #tpu.memory_space<hbm>>
    %dma_start3A_681 = arith.constant 0 : i32
    %dma_start3A_682 = arith.constant 0 : i32
    %dma_start3A_683 = tpu.memref_slice %dma_start3A_680[%dma_start3A_681, %dma_start3A_682] : memref<100000x32xf32, #tpu.memory_space<hbm>> -> memref<100000x32xf32, #tpu.memory_space<hbm>>
    tpu.enqueue_indirect_dma source(%dma_start3A_683 : memref<100000x32xf32, #tpu.memory_space<hbm>>) target(%arg5 : memref<1600x32xf32, #tpu.memory_space<vmem>>) offsets(%arg7 : memref<1600xi32, #tpu.memory_space<vmem>>) semaphore(%arg8 : memref<!tpu.dma_semaphore, #tpu.memory_space<semaphore_mem>>)
    %dma_wait3A_684 = arith.constant 22 : i32
    %dma_wait3A_685 = arith.constant 0 : i32
    %dma_wait3A_686 = arith.constant 0 : i32
    %dma_wait3A_687 = tpu.memref_slice %arg3[%dma_wait3A_684, %dma_wait3A_685, %dma_wait3A_686] : memref<26x100000x32xf32, #tpu.memory_space<hbm>> -> memref<1x100000x32xf32, #tpu.memory_space<hbm>>
    %dma_wait3A_688 = tpu.memref_squeeze %dma_wait3A_687 : memref<1x100000x32xf32, #tpu.memory_space<hbm>> -> memref<100000x32xf32, #tpu.memory_space<hbm>>
    %dma_wait3A_689 = arith.constant 0 : i32
    %dma_wait3A_690 = arith.constant 0 : i32
    %dma_wait3A_691 = tpu.memref_slice %dma_wait3A_688[%dma_wait3A_689, %dma_wait3A_690] : memref<100000x32xf32, #tpu.memory_space<hbm>> -> memref<100000x32xf32, #tpu.memory_space<hbm>>
    tpu.wait_indirect_dma semaphore(%arg8 : memref<!tpu.dma_semaphore, #tpu.memory_space<semaphore_mem>>) src(%dma_wait3A_691 : memref<100000x32xf32, #tpu.memory_space<hbm>>) dst(%arg5 : memref<1600x32xf32, #tpu.memory_space<vmem>>)
    %dma_start3A_692 = arith.constant 5 : i32
    %dma_start3A_693 = arith.constant 64 : i32
    %dma_start3A_694 = tpu.memref_slice %arg4[%dma_start3A_692, %mul3A_2, %dma_start3A_693] : memref<7x51200x128xf32, #tpu.memory_space<hbm>> -> memref<1x1600x32xf32, #tpu.memory_space<hbm>>
    %dma_start3A_695 = tpu.memref_squeeze %dma_start3A_694 : memref<1x1600x32xf32, #tpu.memory_space<hbm>> -> memref<1600x32xf32, #tpu.memory_space<hbm>>
    %dma_start3A_696 = arith.constant 64 : i32
    %dma_start3A_697 = tpu.memref_slice %arg4[%dma_start3A_692, %mul3A_2, %dma_start3A_696] : memref<7x51200x128xf32, #tpu.memory_space<hbm>> -> memref<1x1600x32xf32, #tpu.memory_space<hbm>>
    %dma_start3A_698 = tpu.memref_squeeze %dma_start3A_697 : memref<1x1600x32xf32, #tpu.memory_space<hbm>> -> memref<1600x32xf32, #tpu.memory_space<hbm>>
    tpu.enqueue_dma source(%arg5 : memref<1600x32xf32, #tpu.memory_space<vmem>>) target(%dma_start3A_698 : memref<1600x32xf32, #tpu.memory_space<hbm>>) target_semaphore(%arg9 : memref<!tpu.dma_semaphore, #tpu.memory_space<semaphore_mem>>)
    %run_scoped3A_699 = arith.constant 23 : i32
    "tpu.region"() ({
      %run_scoped3A_806 = tpu.sem_alloc : memref<!tpu.dma_semaphore, #tpu.memory_space<semaphore_mem>>
      %dma_start3A_807 = tpu.memref_slice %arg2[%run_scoped3A_699, %mul3A_2] : memref<26x51200xi32, #tpu.memory_space<hbm>> -> memref<1x1600xi32, #tpu.memory_space<hbm>>
      %dma_start3A_808 = tpu.memref_squeeze %dma_start3A_807 : memref<1x1600xi32, #tpu.memory_space<hbm>> -> memref<1600xi32, #tpu.memory_space<hbm>>
      %dma_start3A_809 = tpu.memref_slice %arg2[%run_scoped3A_699, %mul3A_2] : memref<26x51200xi32, #tpu.memory_space<hbm>> -> memref<1x1600xi32, #tpu.memory_space<hbm>>
      %dma_start3A_810 = tpu.memref_squeeze %dma_start3A_809 : memref<1x1600xi32, #tpu.memory_space<hbm>> -> memref<1600xi32, #tpu.memory_space<hbm>>
      tpu.enqueue_dma source(%dma_start3A_810 : memref<1600xi32, #tpu.memory_space<hbm>>) target(%arg7 : memref<1600xi32, #tpu.memory_space<vmem>>) target_semaphore(%run_scoped3A_806 : memref<!tpu.dma_semaphore, #tpu.memory_space<semaphore_mem>>)
      %dma_wait3A_811 = tpu.memref_slice %arg2[%run_scoped3A_699, %mul3A_2] : memref<26x51200xi32, #tpu.memory_space<hbm>> -> memref<1x1600xi32, #tpu.memory_space<hbm>>
      %dma_wait3A_812 = tpu.memref_squeeze %dma_wait3A_811 : memref<1x1600xi32, #tpu.memory_space<hbm>> -> memref<1600xi32, #tpu.memory_space<hbm>>
      %dma_wait3A_813 = tpu.memref_slice %arg2[%run_scoped3A_699, %mul3A_2] : memref<26x51200xi32, #tpu.memory_space<hbm>> -> memref<1x1600xi32, #tpu.memory_space<hbm>>
      %dma_wait3A_814 = tpu.memref_squeeze %dma_wait3A_813 : memref<1x1600xi32, #tpu.memory_space<hbm>> -> memref<1600xi32, #tpu.memory_space<hbm>>
      tpu.wait_dma2 semaphore(%run_scoped3A_806 : memref<!tpu.dma_semaphore, #tpu.memory_space<semaphore_mem>>) src(%dma_wait3A_814 : memref<1600xi32, #tpu.memory_space<hbm>>) dst(%arg7 : memref<1600xi32, #tpu.memory_space<vmem>>)
      tpu.yield
    }) : () -> ()
    %dma_wait3A_700 = arith.constant 5 : i32
    %dma_wait3A_701 = arith.constant 32 : i32
    %dma_wait3A_702 = tpu.memref_slice %arg4[%dma_wait3A_700, %mul3A_2, %dma_wait3A_701] : memref<7x51200x128xf32, #tpu.memory_space<hbm>> -> memref<1x1600x32xf32, #tpu.memory_space<hbm>>
    %dma_wait3A_703 = tpu.memref_squeeze %dma_wait3A_702 : memref<1x1600x32xf32, #tpu.memory_space<hbm>> -> memref<1600x32xf32, #tpu.memory_space<hbm>>
    %dma_wait3A_704 = arith.constant 32 : i32
    %dma_wait3A_705 = tpu.memref_slice %arg4[%dma_wait3A_700, %mul3A_2, %dma_wait3A_704] : memref<7x51200x128xf32, #tpu.memory_space<hbm>> -> memref<1x1600x32xf32, #tpu.memory_space<hbm>>
    %dma_wait3A_706 = tpu.memref_squeeze %dma_wait3A_705 : memref<1x1600x32xf32, #tpu.memory_space<hbm>> -> memref<1600x32xf32, #tpu.memory_space<hbm>>
    tpu.wait_dma2 semaphore(%arg10 : memref<!tpu.dma_semaphore, #tpu.memory_space<semaphore_mem>>) src(%arg6 : memref<1600x32xf32, #tpu.memory_space<vmem>>) dst(%dma_wait3A_706 : memref<1600x32xf32, #tpu.memory_space<hbm>>)
    %dma_start3A_707 = arith.constant 23 : i32
    %dma_start3A_708 = arith.constant 0 : i32
    %dma_start3A_709 = arith.constant 0 : i32
    %dma_start3A_710 = tpu.memref_slice %arg3[%dma_start3A_707, %dma_start3A_708, %dma_start3A_709] : memref<26x100000x32xf32, #tpu.memory_space<hbm>> -> memref<1x100000x32xf32, #tpu.memory_space<hbm>>
    %dma_start3A_711 = tpu.memref_squeeze %dma_start3A_710 : memref<1x100000x32xf32, #tpu.memory_space<hbm>> -> memref<100000x32xf32, #tpu.memory_space<hbm>>
    %dma_start3A_712 = arith.constant 0 : i32
    %dma_start3A_713 = arith.constant 0 : i32
    %dma_start3A_714 = tpu.memref_slice %dma_start3A_711[%dma_start3A_712, %dma_start3A_713] : memref<100000x32xf32, #tpu.memory_space<hbm>> -> memref<100000x32xf32, #tpu.memory_space<hbm>>
    tpu.enqueue_indirect_dma source(%dma_start3A_714 : memref<100000x32xf32, #tpu.memory_space<hbm>>) target(%arg6 : memref<1600x32xf32, #tpu.memory_space<vmem>>) offsets(%arg7 : memref<1600xi32, #tpu.memory_space<vmem>>) semaphore(%arg8 : memref<!tpu.dma_semaphore, #tpu.memory_space<semaphore_mem>>)
    %dma_wait3A_715 = arith.constant 23 : i32
    %dma_wait3A_716 = arith.constant 0 : i32
    %dma_wait3A_717 = arith.constant 0 : i32
    %dma_wait3A_718 = tpu.memref_slice %arg3[%dma_wait3A_715, %dma_wait3A_716, %dma_wait3A_717] : memref<26x100000x32xf32, #tpu.memory_space<hbm>> -> memref<1x100000x32xf32, #tpu.memory_space<hbm>>
    %dma_wait3A_719 = tpu.memref_squeeze %dma_wait3A_718 : memref<1x100000x32xf32, #tpu.memory_space<hbm>> -> memref<100000x32xf32, #tpu.memory_space<hbm>>
    %dma_wait3A_720 = arith.constant 0 : i32
    %dma_wait3A_721 = arith.constant 0 : i32
    %dma_wait3A_722 = tpu.memref_slice %dma_wait3A_719[%dma_wait3A_720, %dma_wait3A_721] : memref<100000x32xf32, #tpu.memory_space<hbm>> -> memref<100000x32xf32, #tpu.memory_space<hbm>>
    tpu.wait_indirect_dma semaphore(%arg8 : memref<!tpu.dma_semaphore, #tpu.memory_space<semaphore_mem>>) src(%dma_wait3A_722 : memref<100000x32xf32, #tpu.memory_space<hbm>>) dst(%arg6 : memref<1600x32xf32, #tpu.memory_space<vmem>>)
    %dma_start3A_723 = arith.constant 5 : i32
    %dma_start3A_724 = arith.constant 96 : i32
    %dma_start3A_725 = tpu.memref_slice %arg4[%dma_start3A_723, %mul3A_2, %dma_start3A_724] : memref<7x51200x128xf32, #tpu.memory_space<hbm>> -> memref<1x1600x32xf32, #tpu.memory_space<hbm>>
    %dma_start3A_726 = tpu.memref_squeeze %dma_start3A_725 : memref<1x1600x32xf32, #tpu.memory_space<hbm>> -> memref<1600x32xf32, #tpu.memory_space<hbm>>
    %dma_start3A_727 = arith.constant 96 : i32
    %dma_start3A_728 = tpu.memref_slice %arg4[%dma_start3A_723, %mul3A_2, %dma_start3A_727] : memref<7x51200x128xf32, #tpu.memory_space<hbm>> -> memref<1x1600x32xf32, #tpu.memory_space<hbm>>
    %dma_start3A_729 = tpu.memref_squeeze %dma_start3A_728 : memref<1x1600x32xf32, #tpu.memory_space<hbm>> -> memref<1600x32xf32, #tpu.memory_space<hbm>>
    tpu.enqueue_dma source(%arg6 : memref<1600x32xf32, #tpu.memory_space<vmem>>) target(%dma_start3A_729 : memref<1600x32xf32, #tpu.memory_space<hbm>>) target_semaphore(%arg10 : memref<!tpu.dma_semaphore, #tpu.memory_space<semaphore_mem>>)
    %run_scoped3A_730 = arith.constant 24 : i32
    "tpu.region"() ({
      %run_scoped3A_806 = tpu.sem_alloc : memref<!tpu.dma_semaphore, #tpu.memory_space<semaphore_mem>>
      %dma_start3A_807 = tpu.memref_slice %arg2[%run_scoped3A_730, %mul3A_2] : memref<26x51200xi32, #tpu.memory_space<hbm>> -> memref<1x1600xi32, #tpu.memory_space<hbm>>
      %dma_start3A_808 = tpu.memref_squeeze %dma_start3A_807 : memref<1x1600xi32, #tpu.memory_space<hbm>> -> memref<1600xi32, #tpu.memory_space<hbm>>
      %dma_start3A_809 = tpu.memref_slice %arg2[%run_scoped3A_730, %mul3A_2] : memref<26x51200xi32, #tpu.memory_space<hbm>> -> memref<1x1600xi32, #tpu.memory_space<hbm>>
      %dma_start3A_810 = tpu.memref_squeeze %dma_start3A_809 : memref<1x1600xi32, #tpu.memory_space<hbm>> -> memref<1600xi32, #tpu.memory_space<hbm>>
      tpu.enqueue_dma source(%dma_start3A_810 : memref<1600xi32, #tpu.memory_space<hbm>>) target(%arg7 : memref<1600xi32, #tpu.memory_space<vmem>>) target_semaphore(%run_scoped3A_806 : memref<!tpu.dma_semaphore, #tpu.memory_space<semaphore_mem>>)
      %dma_wait3A_811 = tpu.memref_slice %arg2[%run_scoped3A_730, %mul3A_2] : memref<26x51200xi32, #tpu.memory_space<hbm>> -> memref<1x1600xi32, #tpu.memory_space<hbm>>
      %dma_wait3A_812 = tpu.memref_squeeze %dma_wait3A_811 : memref<1x1600xi32, #tpu.memory_space<hbm>> -> memref<1600xi32, #tpu.memory_space<hbm>>
      %dma_wait3A_813 = tpu.memref_slice %arg2[%run_scoped3A_730, %mul3A_2] : memref<26x51200xi32, #tpu.memory_space<hbm>> -> memref<1x1600xi32, #tpu.memory_space<hbm>>
      %dma_wait3A_814 = tpu.memref_squeeze %dma_wait3A_813 : memref<1x1600xi32, #tpu.memory_space<hbm>> -> memref<1600xi32, #tpu.memory_space<hbm>>
      tpu.wait_dma2 semaphore(%run_scoped3A_806 : memref<!tpu.dma_semaphore, #tpu.memory_space<semaphore_mem>>) src(%dma_wait3A_814 : memref<1600xi32, #tpu.memory_space<hbm>>) dst(%arg7 : memref<1600xi32, #tpu.memory_space<vmem>>)
      tpu.yield
    }) : () -> ()
    %dma_wait3A_731 = arith.constant 5 : i32
    %dma_wait3A_732 = arith.constant 64 : i32
    %dma_wait3A_733 = tpu.memref_slice %arg4[%dma_wait3A_731, %mul3A_2, %dma_wait3A_732] : memref<7x51200x128xf32, #tpu.memory_space<hbm>> -> memref<1x1600x32xf32, #tpu.memory_space<hbm>>
    %dma_wait3A_734 = tpu.memref_squeeze %dma_wait3A_733 : memref<1x1600x32xf32, #tpu.memory_space<hbm>> -> memref<1600x32xf32, #tpu.memory_space<hbm>>
    %dma_wait3A_735 = arith.constant 64 : i32
    %dma_wait3A_736 = tpu.memref_slice %arg4[%dma_wait3A_731, %mul3A_2, %dma_wait3A_735] : memref<7x51200x128xf32, #tpu.memory_space<hbm>> -> memref<1x1600x32xf32, #tpu.memory_space<hbm>>
    %dma_wait3A_737 = tpu.memref_squeeze %dma_wait3A_736 : memref<1x1600x32xf32, #tpu.memory_space<hbm>> -> memref<1600x32xf32, #tpu.memory_space<hbm>>
    tpu.wait_dma2 semaphore(%arg9 : memref<!tpu.dma_semaphore, #tpu.memory_space<semaphore_mem>>) src(%arg5 : memref<1600x32xf32, #tpu.memory_space<vmem>>) dst(%dma_wait3A_737 : memref<1600x32xf32, #tpu.memory_space<hbm>>)
    %dma_start3A_738 = arith.constant 24 : i32
    %dma_start3A_739 = arith.constant 0 : i32
    %dma_start3A_740 = arith.constant 0 : i32
    %dma_start3A_741 = tpu.memref_slice %arg3[%dma_start3A_738, %dma_start3A_739, %dma_start3A_740] : memref<26x100000x32xf32, #tpu.memory_space<hbm>> -> memref<1x100000x32xf32, #tpu.memory_space<hbm>>
    %dma_start3A_742 = tpu.memref_squeeze %dma_start3A_741 : memref<1x100000x32xf32, #tpu.memory_space<hbm>> -> memref<100000x32xf32, #tpu.memory_space<hbm>>
    %dma_start3A_743 = arith.constant 0 : i32
    %dma_start3A_744 = arith.constant 0 : i32
    %dma_start3A_745 = tpu.memref_slice %dma_start3A_742[%dma_start3A_743, %dma_start3A_744] : memref<100000x32xf32, #tpu.memory_space<hbm>> -> memref<100000x32xf32, #tpu.memory_space<hbm>>
    tpu.enqueue_indirect_dma source(%dma_start3A_745 : memref<100000x32xf32, #tpu.memory_space<hbm>>) target(%arg5 : memref<1600x32xf32, #tpu.memory_space<vmem>>) offsets(%arg7 : memref<1600xi32, #tpu.memory_space<vmem>>) semaphore(%arg8 : memref<!tpu.dma_semaphore, #tpu.memory_space<semaphore_mem>>)
    %dma_wait3A_746 = arith.constant 24 : i32
    %dma_wait3A_747 = arith.constant 0 : i32
    %dma_wait3A_748 = arith.constant 0 : i32
    %dma_wait3A_749 = tpu.memref_slice %arg3[%dma_wait3A_746, %dma_wait3A_747, %dma_wait3A_748] : memref<26x100000x32xf32, #tpu.memory_space<hbm>> -> memref<1x100000x32xf32, #tpu.memory_space<hbm>>
    %dma_wait3A_750 = tpu.memref_squeeze %dma_wait3A_749 : memref<1x100000x32xf32, #tpu.memory_space<hbm>> -> memref<100000x32xf32, #tpu.memory_space<hbm>>
    %dma_wait3A_751 = arith.constant 0 : i32
    %dma_wait3A_752 = arith.constant 0 : i32
    %dma_wait3A_753 = tpu.memref_slice %dma_wait3A_750[%dma_wait3A_751, %dma_wait3A_752] : memref<100000x32xf32, #tpu.memory_space<hbm>> -> memref<100000x32xf32, #tpu.memory_space<hbm>>
    tpu.wait_indirect_dma semaphore(%arg8 : memref<!tpu.dma_semaphore, #tpu.memory_space<semaphore_mem>>) src(%dma_wait3A_753 : memref<100000x32xf32, #tpu.memory_space<hbm>>) dst(%arg5 : memref<1600x32xf32, #tpu.memory_space<vmem>>)
    %dma_start3A_754 = arith.constant 6 : i32
    %dma_start3A_755 = arith.constant 0 : i32
    %dma_start3A_756 = tpu.memref_slice %arg4[%dma_start3A_754, %mul3A_2, %dma_start3A_755] : memref<7x51200x128xf32, #tpu.memory_space<hbm>> -> memref<1x1600x32xf32, #tpu.memory_space<hbm>>
    %dma_start3A_757 = tpu.memref_squeeze %dma_start3A_756 : memref<1x1600x32xf32, #tpu.memory_space<hbm>> -> memref<1600x32xf32, #tpu.memory_space<hbm>>
    %dma_start3A_758 = arith.constant 0 : i32
    %dma_start3A_759 = tpu.memref_slice %arg4[%dma_start3A_754, %mul3A_2, %dma_start3A_758] : memref<7x51200x128xf32, #tpu.memory_space<hbm>> -> memref<1x1600x32xf32, #tpu.memory_space<hbm>>
    %dma_start3A_760 = tpu.memref_squeeze %dma_start3A_759 : memref<1x1600x32xf32, #tpu.memory_space<hbm>> -> memref<1600x32xf32, #tpu.memory_space<hbm>>
    tpu.enqueue_dma source(%arg5 : memref<1600x32xf32, #tpu.memory_space<vmem>>) target(%dma_start3A_760 : memref<1600x32xf32, #tpu.memory_space<hbm>>) target_semaphore(%arg9 : memref<!tpu.dma_semaphore, #tpu.memory_space<semaphore_mem>>)
    %run_scoped3A_761 = arith.constant 25 : i32
    "tpu.region"() ({
      %run_scoped3A_806 = tpu.sem_alloc : memref<!tpu.dma_semaphore, #tpu.memory_space<semaphore_mem>>
      %dma_start3A_807 = tpu.memref_slice %arg2[%run_scoped3A_761, %mul3A_2] : memref<26x51200xi32, #tpu.memory_space<hbm>> -> memref<1x1600xi32, #tpu.memory_space<hbm>>
      %dma_start3A_808 = tpu.memref_squeeze %dma_start3A_807 : memref<1x1600xi32, #tpu.memory_space<hbm>> -> memref<1600xi32, #tpu.memory_space<hbm>>
      %dma_start3A_809 = tpu.memref_slice %arg2[%run_scoped3A_761, %mul3A_2] : memref<26x51200xi32, #tpu.memory_space<hbm>> -> memref<1x1600xi32, #tpu.memory_space<hbm>>
      %dma_start3A_810 = tpu.memref_squeeze %dma_start3A_809 : memref<1x1600xi32, #tpu.memory_space<hbm>> -> memref<1600xi32, #tpu.memory_space<hbm>>
      tpu.enqueue_dma source(%dma_start3A_810 : memref<1600xi32, #tpu.memory_space<hbm>>) target(%arg7 : memref<1600xi32, #tpu.memory_space<vmem>>) target_semaphore(%run_scoped3A_806 : memref<!tpu.dma_semaphore, #tpu.memory_space<semaphore_mem>>)
      %dma_wait3A_811 = tpu.memref_slice %arg2[%run_scoped3A_761, %mul3A_2] : memref<26x51200xi32, #tpu.memory_space<hbm>> -> memref<1x1600xi32, #tpu.memory_space<hbm>>
      %dma_wait3A_812 = tpu.memref_squeeze %dma_wait3A_811 : memref<1x1600xi32, #tpu.memory_space<hbm>> -> memref<1600xi32, #tpu.memory_space<hbm>>
      %dma_wait3A_813 = tpu.memref_slice %arg2[%run_scoped3A_761, %mul3A_2] : memref<26x51200xi32, #tpu.memory_space<hbm>> -> memref<1x1600xi32, #tpu.memory_space<hbm>>
      %dma_wait3A_814 = tpu.memref_squeeze %dma_wait3A_813 : memref<1x1600xi32, #tpu.memory_space<hbm>> -> memref<1600xi32, #tpu.memory_space<hbm>>
      tpu.wait_dma2 semaphore(%run_scoped3A_806 : memref<!tpu.dma_semaphore, #tpu.memory_space<semaphore_mem>>) src(%dma_wait3A_814 : memref<1600xi32, #tpu.memory_space<hbm>>) dst(%arg7 : memref<1600xi32, #tpu.memory_space<vmem>>)
      tpu.yield
    }) : () -> ()
    %dma_wait3A_762 = arith.constant 5 : i32
    %dma_wait3A_763 = arith.constant 96 : i32
    %dma_wait3A_764 = tpu.memref_slice %arg4[%dma_wait3A_762, %mul3A_2, %dma_wait3A_763] : memref<7x51200x128xf32, #tpu.memory_space<hbm>> -> memref<1x1600x32xf32, #tpu.memory_space<hbm>>
    %dma_wait3A_765 = tpu.memref_squeeze %dma_wait3A_764 : memref<1x1600x32xf32, #tpu.memory_space<hbm>> -> memref<1600x32xf32, #tpu.memory_space<hbm>>
    %dma_wait3A_766 = arith.constant 96 : i32
    %dma_wait3A_767 = tpu.memref_slice %arg4[%dma_wait3A_762, %mul3A_2, %dma_wait3A_766] : memref<7x51200x128xf32, #tpu.memory_space<hbm>> -> memref<1x1600x32xf32, #tpu.memory_space<hbm>>
    %dma_wait3A_768 = tpu.memref_squeeze %dma_wait3A_767 : memref<1x1600x32xf32, #tpu.memory_space<hbm>> -> memref<1600x32xf32, #tpu.memory_space<hbm>>
    tpu.wait_dma2 semaphore(%arg10 : memref<!tpu.dma_semaphore, #tpu.memory_space<semaphore_mem>>) src(%arg6 : memref<1600x32xf32, #tpu.memory_space<vmem>>) dst(%dma_wait3A_768 : memref<1600x32xf32, #tpu.memory_space<hbm>>)
    %dma_start3A_769 = arith.constant 25 : i32
    %dma_start3A_770 = arith.constant 0 : i32
    %dma_start3A_771 = arith.constant 0 : i32
    %dma_start3A_772 = tpu.memref_slice %arg3[%dma_start3A_769, %dma_start3A_770, %dma_start3A_771] : memref<26x100000x32xf32, #tpu.memory_space<hbm>> -> memref<1x100000x32xf32, #tpu.memory_space<hbm>>
    %dma_start3A_773 = tpu.memref_squeeze %dma_start3A_772 : memref<1x100000x32xf32, #tpu.memory_space<hbm>> -> memref<100000x32xf32, #tpu.memory_space<hbm>>
    %dma_start3A_774 = arith.constant 0 : i32
    %dma_start3A_775 = arith.constant 0 : i32
    %dma_start3A_776 = tpu.memref_slice %dma_start3A_773[%dma_start3A_774, %dma_start3A_775] : memref<100000x32xf32, #tpu.memory_space<hbm>> -> memref<100000x32xf32, #tpu.memory_space<hbm>>
    tpu.enqueue_indirect_dma source(%dma_start3A_776 : memref<100000x32xf32, #tpu.memory_space<hbm>>) target(%arg6 : memref<1600x32xf32, #tpu.memory_space<vmem>>) offsets(%arg7 : memref<1600xi32, #tpu.memory_space<vmem>>) semaphore(%arg8 : memref<!tpu.dma_semaphore, #tpu.memory_space<semaphore_mem>>)
    %dma_wait3A_777 = arith.constant 25 : i32
    %dma_wait3A_778 = arith.constant 0 : i32
    %dma_wait3A_779 = arith.constant 0 : i32
    %dma_wait3A_780 = tpu.memref_slice %arg3[%dma_wait3A_777, %dma_wait3A_778, %dma_wait3A_779] : memref<26x100000x32xf32, #tpu.memory_space<hbm>> -> memref<1x100000x32xf32, #tpu.memory_space<hbm>>
    %dma_wait3A_781 = tpu.memref_squeeze %dma_wait3A_780 : memref<1x100000x32xf32, #tpu.memory_space<hbm>> -> memref<100000x32xf32, #tpu.memory_space<hbm>>
    %dma_wait3A_782 = arith.constant 0 : i32
    %dma_wait3A_783 = arith.constant 0 : i32
    %dma_wait3A_784 = tpu.memref_slice %dma_wait3A_781[%dma_wait3A_782, %dma_wait3A_783] : memref<100000x32xf32, #tpu.memory_space<hbm>> -> memref<100000x32xf32, #tpu.memory_space<hbm>>
    tpu.wait_indirect_dma semaphore(%arg8 : memref<!tpu.dma_semaphore, #tpu.memory_space<semaphore_mem>>) src(%dma_wait3A_784 : memref<100000x32xf32, #tpu.memory_space<hbm>>) dst(%arg6 : memref<1600x32xf32, #tpu.memory_space<vmem>>)
    %dma_start3A_785 = arith.constant 6 : i32
    %dma_start3A_786 = arith.constant 32 : i32
    %dma_start3A_787 = tpu.memref_slice %arg4[%dma_start3A_785, %mul3A_2, %dma_start3A_786] : memref<7x51200x128xf32, #tpu.memory_space<hbm>> -> memref<1x1600x32xf32, #tpu.memory_space<hbm>>
    %dma_start3A_788 = tpu.memref_squeeze %dma_start3A_787 : memref<1x1600x32xf32, #tpu.memory_space<hbm>> -> memref<1600x32xf32, #tpu.memory_space<hbm>>
    %dma_start3A_789 = arith.constant 32 : i32
    %dma_start3A_790 = tpu.memref_slice %arg4[%dma_start3A_785, %mul3A_2, %dma_start3A_789] : memref<7x51200x128xf32, #tpu.memory_space<hbm>> -> memref<1x1600x32xf32, #tpu.memory_space<hbm>>
    %dma_start3A_791 = tpu.memref_squeeze %dma_start3A_790 : memref<1x1600x32xf32, #tpu.memory_space<hbm>> -> memref<1600x32xf32, #tpu.memory_space<hbm>>
    tpu.enqueue_dma source(%arg6 : memref<1600x32xf32, #tpu.memory_space<vmem>>) target(%dma_start3A_791 : memref<1600x32xf32, #tpu.memory_space<hbm>>) target_semaphore(%arg10 : memref<!tpu.dma_semaphore, #tpu.memory_space<semaphore_mem>>)
    %dma_wait3A_792 = arith.constant 6 : i32
    %dma_wait3A_793 = arith.constant 0 : i32
    %dma_wait3A_794 = tpu.memref_slice %arg4[%dma_wait3A_792, %mul3A_2, %dma_wait3A_793] : memref<7x51200x128xf32, #tpu.memory_space<hbm>> -> memref<1x1600x32xf32, #tpu.memory_space<hbm>>
    %dma_wait3A_795 = tpu.memref_squeeze %dma_wait3A_794 : memref<1x1600x32xf32, #tpu.memory_space<hbm>> -> memref<1600x32xf32, #tpu.memory_space<hbm>>
    %dma_wait3A_796 = arith.constant 0 : i32
    %dma_wait3A_797 = tpu.memref_slice %arg4[%dma_wait3A_792, %mul3A_2, %dma_wait3A_796] : memref<7x51200x128xf32, #tpu.memory_space<hbm>> -> memref<1x1600x32xf32, #tpu.memory_space<hbm>>
    %dma_wait3A_798 = tpu.memref_squeeze %dma_wait3A_797 : memref<1x1600x32xf32, #tpu.memory_space<hbm>> -> memref<1600x32xf32, #tpu.memory_space<hbm>>
    tpu.wait_dma2 semaphore(%arg9 : memref<!tpu.dma_semaphore, #tpu.memory_space<semaphore_mem>>) src(%arg5 : memref<1600x32xf32, #tpu.memory_space<vmem>>) dst(%dma_wait3A_798 : memref<1600x32xf32, #tpu.memory_space<hbm>>)
    %dma_wait3A_799 = arith.constant 6 : i32
    %dma_wait3A_800 = arith.constant 32 : i32
    %dma_wait3A_801 = tpu.memref_slice %arg4[%dma_wait3A_799, %mul3A_2, %dma_wait3A_800] : memref<7x51200x128xf32, #tpu.memory_space<hbm>> -> memref<1x1600x32xf32, #tpu.memory_space<hbm>>
    %dma_wait3A_802 = tpu.memref_squeeze %dma_wait3A_801 : memref<1x1600x32xf32, #tpu.memory_space<hbm>> -> memref<1600x32xf32, #tpu.memory_space<hbm>>
    %dma_wait3A_803 = arith.constant 32 : i32
    %dma_wait3A_804 = tpu.memref_slice %arg4[%dma_wait3A_799, %mul3A_2, %dma_wait3A_803] : memref<7x51200x128xf32, #tpu.memory_space<hbm>> -> memref<1x1600x32xf32, #tpu.memory_space<hbm>>
    %dma_wait3A_805 = tpu.memref_squeeze %dma_wait3A_804 : memref<1x1600x32xf32, #tpu.memory_space<hbm>> -> memref<1600x32xf32, #tpu.memory_space<hbm>>
    tpu.wait_dma2 semaphore(%arg10 : memref<!tpu.dma_semaphore, #tpu.memory_space<semaphore_mem>>) src(%arg6 : memref<1600x32xf32, #tpu.memory_space<vmem>>) dst(%dma_wait3A_805 : memref<1600x32xf32, #tpu.memory_space<hbm>>)
    return
  }
}

module attributes {stable_mosaic.version = 14 : i64} {
  func.func @_stats_kernel(%arg0: i32, %arg1: memref<1024x13xf32, #tpu.memory_space<vmem>>, %arg2: memref<2x13xf32, #tpu.memory_space<vmem>>, %arg3: memref<1x13xf32, #tpu.memory_space<vmem>>, %arg4: memref<1x13xf32, #tpu.memory_space<vmem>>) attributes {dimension_semantics = [#tpu.dimension_semantics<arbitrary>], iteration_bounds = array<i64: 50>, scalar_prefetch = 0 : i64, scratch_operands = 2 : i64, tpu.core_type = #tpu.core_type<tc>, window_params = [{transform_indices = @transform_0, window_bounds = array<i64: 1024, 13>}, {pipeline_mode = #tpu.pipeline_mode<synchronous>, transform_indices = @transform_1, window_bounds = array<i64: 2, 13>}]} {
    %get3A = arith.constant 0 : index
    %get3A_0 = arith.constant 0 : index
    %get3A_1 = vector.load %arg1[%get3A, %get3A_0] : memref<1024x13xf32, #tpu.memory_space<vmem>>, vector<1024x13xf32>
    %reduce_sum3A = arith.constant dense<0.000000e+00> : vector<13xf32>
    %reduce_sum3A_2 = vector.multi_reduction <add>, %get3A_1, %reduce_sum3A [0] : vector<1024x13xf32> to vector<13xf32>
    %broadcast_in_dim3A = vector.shape_cast %reduce_sum3A_2 : vector<13xf32> to vector<1x13xf32>
    %mul3A = arith.mulf %get3A_1, %get3A_1 : vector<1024x13xf32>
    %reduce_sum3A_3 = arith.constant dense<0.000000e+00> : vector<13xf32>
    %reduce_sum3A_4 = vector.multi_reduction <add>, %mul3A, %reduce_sum3A_3 [0] : vector<1024x13xf32> to vector<13xf32>
    %broadcast_in_dim3A_5 = vector.shape_cast %reduce_sum3A_4 : vector<13xf32> to vector<1x13xf32>
    %eq3A = arith.constant 0 : i32
    %eq3A_6 = arith.cmpi eq, %arg0, %eq3A : i32
    %convert_element_type3A = arith.extui %eq3A_6 : i1 to i32
    %cond3A = arith.constant 0 : i32
    %cond3A_7 = arith.cmpi ne, %convert_element_type3A, %cond3A : i32
    scf.if %cond3A_7 {
      %swap3A = arith.constant 0 : index
      %swap3A_17 = arith.constant 0 : index
      %swap3A_18 = vector.load %arg3[%swap3A, %swap3A_17] : memref<1x13xf32, #tpu.memory_space<vmem>>, vector<1x13xf32>
      tpu.vector_store %arg3[%swap3A, %swap3A_17], %broadcast_in_dim3A {strides = array<i32>} : memref<1x13xf32, #tpu.memory_space<vmem>>, vector<1x13xf32>,
      %swap3A_19 = arith.constant 0 : index
      %swap3A_20 = arith.constant 0 : index
      %swap3A_21 = vector.load %arg4[%swap3A_19, %swap3A_20] : memref<1x13xf32, #tpu.memory_space<vmem>>, vector<1x13xf32>
      tpu.vector_store %arg4[%swap3A_19, %swap3A_20], %broadcast_in_dim3A_5 {strides = array<i32>} : memref<1x13xf32, #tpu.memory_space<vmem>>, vector<1x13xf32>,
    } else {
    }
    %gt3A = arith.constant 0 : i32
    %gt3A_8 = arith.cmpi sgt, %arg0, %gt3A : i32
    %convert_element_type3A_9 = arith.extui %gt3A_8 : i1 to i32
    %cond3A_10 = arith.constant 0 : i32
    %cond3A_11 = arith.cmpi ne, %convert_element_type3A_9, %cond3A_10 : i32
    scf.if %cond3A_11 {
      %get3A_17 = arith.constant 0 : index
      %get3A_18 = arith.constant 0 : index
      %get3A_19 = vector.load %arg3[%get3A_17, %get3A_18] : memref<1x13xf32, #tpu.memory_space<vmem>>, vector<1x13xf32>
      %add3A = arith.addf %get3A_19, %broadcast_in_dim3A : vector<1x13xf32>
      %swap3A = arith.constant 0 : index
      %swap3A_20 = arith.constant 0 : index
      %swap3A_21 = vector.load %arg3[%swap3A, %swap3A_20] : memref<1x13xf32, #tpu.memory_space<vmem>>, vector<1x13xf32>
      tpu.vector_store %arg3[%swap3A, %swap3A_20], %add3A {strides = array<i32>} : memref<1x13xf32, #tpu.memory_space<vmem>>, vector<1x13xf32>,
      %get3A_22 = arith.constant 0 : index
      %get3A_23 = arith.constant 0 : index
      %get3A_24 = vector.load %arg4[%get3A_22, %get3A_23] : memref<1x13xf32, #tpu.memory_space<vmem>>, vector<1x13xf32>
      %add3A_25 = arith.addf %get3A_24, %broadcast_in_dim3A_5 : vector<1x13xf32>
      %swap3A_26 = arith.constant 0 : index
      %swap3A_27 = arith.constant 0 : index
      %swap3A_28 = vector.load %arg4[%swap3A_26, %swap3A_27] : memref<1x13xf32, #tpu.memory_space<vmem>>, vector<1x13xf32>
      tpu.vector_store %arg4[%swap3A_26, %swap3A_27], %add3A_25 {strides = array<i32>} : memref<1x13xf32, #tpu.memory_space<vmem>>, vector<1x13xf32>,
    } else {
    }
    %eq3A_12 = arith.constant 49 : i32
    %eq3A_13 = arith.cmpi eq, %arg0, %eq3A_12 : i32
    %convert_element_type3A_14 = arith.extui %eq3A_13 : i1 to i32
    %cond3A_15 = arith.constant 0 : i32
    %cond3A_16 = arith.cmpi ne, %convert_element_type3A_14, %cond3A_15 : i32
    scf.if %cond3A_16 {
      %get3A_17 = arith.constant 0 : index
      %get3A_18 = arith.constant 0 : index
      %get3A_19 = vector.load %arg3[%get3A_17, %get3A_18] : memref<1x13xf32, #tpu.memory_space<vmem>>, vector<1x13xf32>
      %mul3A_20 = arith.constant 1.95312496E-5 : f32
      %mul3A_21 = vector.broadcast %mul3A_20 : f32 to vector<1x13xf32>
      %mul3A_22 = arith.mulf %get3A_19, %mul3A_21 : vector<1x13xf32>
      %get3A_23 = arith.constant 0 : index
      %get3A_24 = arith.constant 0 : index
      %get3A_25 = vector.load %arg4[%get3A_23, %get3A_24] : memref<1x13xf32, #tpu.memory_space<vmem>>, vector<1x13xf32>
      %mul3A_26 = arith.constant 1.95312496E-5 : f32
      %mul3A_27 = vector.broadcast %mul3A_26 : f32 to vector<1x13xf32>
      %mul3A_28 = arith.mulf %get3A_25, %mul3A_27 : vector<1x13xf32>
      %mul3A_29 = arith.mulf %mul3A_22, %mul3A_22 : vector<1x13xf32>
      %sub3A = arith.subf %mul3A_28, %mul3A_29 : vector<1x13xf32>
      %swap3A = arith.constant 0 : index
      %swap3A_30 = arith.constant 0 : index
      %swap3A_31 = vector.load %arg2[%swap3A, %swap3A_30] : memref<2x13xf32, #tpu.memory_space<vmem>>, vector<1x13xf32>
      tpu.vector_store %arg2[%swap3A, %swap3A_30], %mul3A_22 {strides = array<i32>} : memref<2x13xf32, #tpu.memory_space<vmem>>, vector<1x13xf32>,
      %add3A = arith.constant 9.99999974E-6 : f32
      %add3A_32 = vector.broadcast %add3A : f32 to vector<1x13xf32>
      %add3A_33 = arith.addf %sub3A, %add3A_32 : vector<1x13xf32>
      %rsqrt3A = math.rsqrt %add3A_33 : vector<1x13xf32>
      %swap3A_34 = arith.constant 1 : index
      %swap3A_35 = arith.constant 0 : index
      %swap3A_36 = vector.load %arg2[%swap3A_34, %swap3A_35] : memref<2x13xf32, #tpu.memory_space<vmem>>, vector<1x13xf32>
      tpu.vector_store %arg2[%swap3A_34, %swap3A_35], %rsqrt3A {strides = array<i32>} : memref<2x13xf32, #tpu.memory_space<vmem>>, vector<1x13xf32>,
    } else {
    }
    return
  }
  func.func @transform_0(%arg0: i32) -> (i32, i32) {
    %c0_i32 = arith.constant 0 : i32
    %c0_i32_0 = arith.constant 0 : i32
    return %arg0, %c0_i32 : i32, i32
  }
  func.func @transform_1(%arg0: i32) -> (i32, i32) {
    %c0_i32 = arith.constant 0 : i32
    %c0_i32_0 = arith.constant 0 : i32
    %c0_i32_1 = arith.constant 0 : i32
    return %c0_i32, %c0_i32_0 : i32, i32
  }
}

module attributes {stable_mosaic.version = 14 : i64} {
  func.func @_fuse_kernel(%arg0: i32, %arg1: memref<2x13xf32, #tpu.memory_space<vmem>>, %arg2: memref<1024x13xf32, #tpu.memory_space<vmem>>, %arg3: memref<7x1024x128xf32, #tpu.memory_space<vmem>>, %arg4: memref<1x13xf32, #tpu.memory_space<vmem>>, %arg5: memref<1x13xf32, #tpu.memory_space<vmem>>, %arg6: memref<13x32xf32, #tpu.memory_space<vmem>>, %arg7: memref<1x32xf32, #tpu.memory_space<vmem>>, %arg8: memref<7x128x128xf32, #tpu.memory_space<vmem>>, %arg9: memref<32x128xf32, #tpu.memory_space<vmem>>, %arg10: memref<1x128xf32, #tpu.memory_space<vmem>>, %arg11: memref<1024x128xf32, #tpu.memory_space<vmem>>) attributes {dimension_semantics = [#tpu.dimension_semantics<arbitrary>], iteration_bounds = array<i64: 50>, scalar_prefetch = 0 : i64, scratch_operands = 0 : i64, tpu.core_type = #tpu.core_type<tc>, window_params = [{pipeline_mode = #tpu.pipeline_mode<synchronous>, transform_indices = @transform_0, window_bounds = array<i64: 2, 13>}, {transform_indices = @transform_1, window_bounds = array<i64: 1024, 13>}, {transform_indices = @transform_2, window_bounds = array<i64: 7, 1024, 128>}, {pipeline_mode = #tpu.pipeline_mode<synchronous>, transform_indices = @transform_3, window_bounds = array<i64: 1, 13>}, {pipeline_mode = #tpu.pipeline_mode<synchronous>, transform_indices = @transform_4, window_bounds = array<i64: 1, 13>}, {pipeline_mode = #tpu.pipeline_mode<synchronous>, transform_indices = @transform_5, window_bounds = array<i64: 13, 32>}, {pipeline_mode = #tpu.pipeline_mode<synchronous>, transform_indices = @transform_6, window_bounds = array<i64: 1, 32>}, {pipeline_mode = #tpu.pipeline_mode<synchronous>, transform_indices = @transform_7, window_bounds = array<i64: 7, 128, 128>}, {pipeline_mode = #tpu.pipeline_mode<synchronous>, transform_indices = @transform_8, window_bounds = array<i64: 32, 128>}, {pipeline_mode = #tpu.pipeline_mode<synchronous>, transform_indices = @transform_9, window_bounds = array<i64: 1, 128>}, {transform_indices = @transform_10, window_bounds = array<i64: 1024, 128>}]} {
    %get3A = arith.constant 0 : index
    %get3A_0 = arith.constant 0 : index
    %get3A_1 = vector.load %arg1[%get3A, %get3A_0] : memref<2x13xf32, #tpu.memory_space<vmem>>, vector<1x13xf32>
    %get3A_2 = arith.constant 1 : index
    %get3A_3 = arith.constant 0 : index
    %get3A_4 = vector.load %arg1[%get3A_2, %get3A_3] : memref<2x13xf32, #tpu.memory_space<vmem>>, vector<1x13xf32>
    %get3A_5 = arith.constant 0 : index
    %get3A_6 = arith.constant 0 : index
    %get3A_7 = vector.load %arg2[%get3A_5, %get3A_6] : memref<1024x13xf32, #tpu.memory_space<vmem>>, vector<1024x13xf32>
    %sub3A = vector.broadcast %get3A_1 : vector<1x13xf32> to vector<1024x13xf32>
    %sub3A_8 = arith.subf %get3A_7, %sub3A : vector<1024x13xf32>
    %mul3A = vector.broadcast %get3A_4 : vector<1x13xf32> to vector<1024x13xf32>
    %mul3A_9 = arith.mulf %sub3A_8, %mul3A : vector<1024x13xf32>
    %get3A_10 = arith.constant 0 : index
    %get3A_11 = arith.constant 0 : index
    %get3A_12 = vector.load %arg4[%get3A_10, %get3A_11] : memref<1x13xf32, #tpu.memory_space<vmem>>, vector<1x13xf32>
    %mul3A_13 = vector.broadcast %get3A_12 : vector<1x13xf32> to vector<1024x13xf32>
    %mul3A_14 = arith.mulf %mul3A_9, %mul3A_13 : vector<1024x13xf32>
    %get3A_15 = arith.constant 0 : index
    %get3A_16 = arith.constant 0 : index
    %get3A_17 = vector.load %arg5[%get3A_15, %get3A_16] : memref<1x13xf32, #tpu.memory_space<vmem>>, vector<1x13xf32>
    %add3A = vector.broadcast %get3A_17 : vector<1x13xf32> to vector<1024x13xf32>
    %add3A_18 = arith.addf %mul3A_14, %add3A : vector<1024x13xf32>
    %get3A_19 = arith.constant 0 : index
    %get3A_20 = arith.constant 0 : index
    %get3A_21 = vector.load %arg6[%get3A_19, %get3A_20] : memref<13x32xf32, #tpu.memory_space<vmem>>, vector<13x32xf32>
    %dot_general3A = arith.constant dense<0.000000e+00> : vector<1024x32xf32>
    %dot_general3A_22 = tpu.matmul %add3A_18, %get3A_21, %dot_general3A {dimension_numbers = #tpu.dot_dimension_numbers<[1], [0], [0], [1], [0, 0, 1, 1], [], []>, transpose_lhs_hint = false} : vector<1024x13xf32>, vector<13x32xf32>, vector<1024x32xf32> -> vector<1024x32xf32>
    %get3A_23 = arith.constant 0 : index
    %get3A_24 = arith.constant 0 : index
    %get3A_25 = vector.load %arg7[%get3A_23, %get3A_24] : memref<1x32xf32, #tpu.memory_space<vmem>>, vector<1x32xf32>
    %add3A_26 = vector.broadcast %get3A_25 : vector<1x32xf32> to vector<1024x32xf32>
    %add3A_27 = arith.addf %dot_general3A_22, %add3A_26 : vector<1024x32xf32>
    %get3A_28 = arith.constant 0 : index
    %get3A_29 = arith.constant 0 : index
    %get3A_30 = arith.constant 0 : index
    %get3A_31 = vector.load %arg3[%get3A_28, %get3A_29, %get3A_30] : memref<7x1024x128xf32, #tpu.memory_space<vmem>>, vector<7x1024x128xf32>
    %iota3A = tpu.iota {dimensions = array<i32: 2>} : vector<7x1x128xi32>
    %iota3A_32 = tpu.iota {dimensions = array<i32: 0>} : vector<7x1x128xi32>
    %mul3A_33 = arith.constant 128 : i32
    %mul3A_34 = vector.broadcast %mul3A_33 : i32 to vector<7x1x128xi32>
    %mul3A_35 = arith.muli %iota3A_32, %mul3A_34 : vector<7x1x128xi32>
    %add3A_36 = arith.addi %mul3A_35, %iota3A : vector<7x1x128xi32>
    %lt3A = arith.constant 832 : i32
    %lt3A_37 = vector.broadcast %lt3A : i32 to vector<7x1x128xi32>
    %lt3A_38 = arith.cmpi slt, %add3A_36, %lt3A_37 : vector<7x1x128xi32>
    %jit3A = arith.constant 0.000000e+00 : f32
    %broadcast_in_dim3A = vector.shape_cast %lt3A_38 : vector<7x1x128xi1> to vector<7x1x128xi1>
    %broadcast_in_dim3A_39 = vector.broadcast %broadcast_in_dim3A : vector<7x1x128xi1> to vector<7x1024x128xi1>
    %broadcast_in_dim3A_40 = vector.broadcast %jit3A : f32 to vector<7x1024x128xf32>
    %select_n3A = arith.select %broadcast_in_dim3A_39, %get3A_31, %broadcast_in_dim3A_40 : vector<7x1024x128xi1>, vector<7x1024x128xf32>
    %slice3A = vector.extract_strided_slice %select_n3A {offsets = [0, 0, 0], sizes = [1, 1024, 128], strides = [1, 1, 1]} : vector<7x1024x128xf32> to vector<1x1024x128xf32>
    %squeeze3A = vector.shape_cast %slice3A : vector<1x1024x128xf32> to vector<1024x128xf32>
    %get3A_41 = arith.constant 0 : index
    %get3A_42 = arith.constant 0 : index
    %get3A_43 = arith.constant 0 : index
    %get3A_44 = vector.load %arg8[%get3A_41, %get3A_42, %get3A_43] : memref<7x128x128xf32, #tpu.memory_space<vmem>>, vector<1x128x128xf32>
    %get3A_45 = vector.shape_cast %get3A_44 : vector<1x128x128xf32> to vector<128x128xf32>
    %dot_general3A_46 = arith.constant dense<0.000000e+00> : vector<1024x128xf32>
    %dot_general3A_47 = tpu.matmul %squeeze3A, %get3A_45, %dot_general3A_46 {dimension_numbers = #tpu.dot_dimension_numbers<[1], [0], [0], [1], [0, 0, 1, 1], [], []>, transpose_lhs_hint = false} : vector<1024x128xf32>, vector<128x128xf32>, vector<1024x128xf32> -> vector<1024x128xf32>
    %slice3A_48 = vector.extract_strided_slice %select_n3A {offsets = [1, 0, 0], sizes = [1, 1024, 128], strides = [1, 1, 1]} : vector<7x1024x128xf32> to vector<1x1024x128xf32>
    %squeeze3A_49 = vector.shape_cast %slice3A_48 : vector<1x1024x128xf32> to vector<1024x128xf32>
    %get3A_50 = arith.constant 1 : index
    %get3A_51 = arith.constant 0 : index
    %get3A_52 = arith.constant 0 : index
    %get3A_53 = vector.load %arg8[%get3A_50, %get3A_51, %get3A_52] : memref<7x128x128xf32, #tpu.memory_space<vmem>>, vector<1x128x128xf32>
    %get3A_54 = vector.shape_cast %get3A_53 : vector<1x128x128xf32> to vector<128x128xf32>
    %dot_general3A_55 = arith.constant dense<0.000000e+00> : vector<1024x128xf32>
    %dot_general3A_56 = tpu.matmul %squeeze3A_49, %get3A_54, %dot_general3A_55 {dimension_numbers = #tpu.dot_dimension_numbers<[1], [0], [0], [1], [0, 0, 1, 1], [], []>, transpose_lhs_hint = false} : vector<1024x128xf32>, vector<128x128xf32>, vector<1024x128xf32> -> vector<1024x128xf32>
    %add3A_57 = arith.addf %dot_general3A_47, %dot_general3A_56 : vector<1024x128xf32>
    %slice3A_58 = vector.extract_strided_slice %select_n3A {offsets = [2, 0, 0], sizes = [1, 1024, 128], strides = [1, 1, 1]} : vector<7x1024x128xf32> to vector<1x1024x128xf32>
    %squeeze3A_59 = vector.shape_cast %slice3A_58 : vector<1x1024x128xf32> to vector<1024x128xf32>
    %get3A_60 = arith.constant 2 : index
    %get3A_61 = arith.constant 0 : index
    %get3A_62 = arith.constant 0 : index
    %get3A_63 = vector.load %arg8[%get3A_60, %get3A_61, %get3A_62] : memref<7x128x128xf32, #tpu.memory_space<vmem>>, vector<1x128x128xf32>
    %get3A_64 = vector.shape_cast %get3A_63 : vector<1x128x128xf32> to vector<128x128xf32>
    %dot_general3A_65 = arith.constant dense<0.000000e+00> : vector<1024x128xf32>
    %dot_general3A_66 = tpu.matmul %squeeze3A_59, %get3A_64, %dot_general3A_65 {dimension_numbers = #tpu.dot_dimension_numbers<[1], [0], [0], [1], [0, 0, 1, 1], [], []>, transpose_lhs_hint = false} : vector<1024x128xf32>, vector<128x128xf32>, vector<1024x128xf32> -> vector<1024x128xf32>
    %add3A_67 = arith.addf %add3A_57, %dot_general3A_66 : vector<1024x128xf32>
    %slice3A_68 = vector.extract_strided_slice %select_n3A {offsets = [3, 0, 0], sizes = [1, 1024, 128], strides = [1, 1, 1]} : vector<7x1024x128xf32> to vector<1x1024x128xf32>
    %squeeze3A_69 = vector.shape_cast %slice3A_68 : vector<1x1024x128xf32> to vector<1024x128xf32>
    %get3A_70 = arith.constant 3 : index
    %get3A_71 = arith.constant 0 : index
    %get3A_72 = arith.constant 0 : index
    %get3A_73 = vector.load %arg8[%get3A_70, %get3A_71, %get3A_72] : memref<7x128x128xf32, #tpu.memory_space<vmem>>, vector<1x128x128xf32>
    %get3A_74 = vector.shape_cast %get3A_73 : vector<1x128x128xf32> to vector<128x128xf32>
    %dot_general3A_75 = arith.constant dense<0.000000e+00> : vector<1024x128xf32>
    %dot_general3A_76 = tpu.matmul %squeeze3A_69, %get3A_74, %dot_general3A_75 {dimension_numbers = #tpu.dot_dimension_numbers<[1], [0], [0], [1], [0, 0, 1, 1], [], []>, transpose_lhs_hint = false} : vector<1024x128xf32>, vector<128x128xf32>, vector<1024x128xf32> -> vector<1024x128xf32>
    %add3A_77 = arith.addf %add3A_67, %dot_general3A_76 : vector<1024x128xf32>
    %slice3A_78 = vector.extract_strided_slice %select_n3A {offsets = [4, 0, 0], sizes = [1, 1024, 128], strides = [1, 1, 1]} : vector<7x1024x128xf32> to vector<1x1024x128xf32>
    %squeeze3A_79 = vector.shape_cast %slice3A_78 : vector<1x1024x128xf32> to vector<1024x128xf32>
    %get3A_80 = arith.constant 4 : index
    %get3A_81 = arith.constant 0 : index
    %get3A_82 = arith.constant 0 : index
    %get3A_83 = vector.load %arg8[%get3A_80, %get3A_81, %get3A_82] : memref<7x128x128xf32, #tpu.memory_space<vmem>>, vector<1x128x128xf32>
    %get3A_84 = vector.shape_cast %get3A_83 : vector<1x128x128xf32> to vector<128x128xf32>
    %dot_general3A_85 = arith.constant dense<0.000000e+00> : vector<1024x128xf32>
    %dot_general3A_86 = tpu.matmul %squeeze3A_79, %get3A_84, %dot_general3A_85 {dimension_numbers = #tpu.dot_dimension_numbers<[1], [0], [0], [1], [0, 0, 1, 1], [], []>, transpose_lhs_hint = false} : vector<1024x128xf32>, vector<128x128xf32>, vector<1024x128xf32> -> vector<1024x128xf32>
    %add3A_87 = arith.addf %add3A_77, %dot_general3A_86 : vector<1024x128xf32>
    %slice3A_88 = vector.extract_strided_slice %select_n3A {offsets = [5, 0, 0], sizes = [1, 1024, 128], strides = [1, 1, 1]} : vector<7x1024x128xf32> to vector<1x1024x128xf32>
    %squeeze3A_89 = vector.shape_cast %slice3A_88 : vector<1x1024x128xf32> to vector<1024x128xf32>
    %get3A_90 = arith.constant 5 : index
    %get3A_91 = arith.constant 0 : index
    %get3A_92 = arith.constant 0 : index
    %get3A_93 = vector.load %arg8[%get3A_90, %get3A_91, %get3A_92] : memref<7x128x128xf32, #tpu.memory_space<vmem>>, vector<1x128x128xf32>
    %get3A_94 = vector.shape_cast %get3A_93 : vector<1x128x128xf32> to vector<128x128xf32>
    %dot_general3A_95 = arith.constant dense<0.000000e+00> : vector<1024x128xf32>
    %dot_general3A_96 = tpu.matmul %squeeze3A_89, %get3A_94, %dot_general3A_95 {dimension_numbers = #tpu.dot_dimension_numbers<[1], [0], [0], [1], [0, 0, 1, 1], [], []>, transpose_lhs_hint = false} : vector<1024x128xf32>, vector<128x128xf32>, vector<1024x128xf32> -> vector<1024x128xf32>
    %add3A_97 = arith.addf %add3A_87, %dot_general3A_96 : vector<1024x128xf32>
    %slice3A_98 = vector.extract_strided_slice %select_n3A {offsets = [6, 0, 0], sizes = [1, 1024, 128], strides = [1, 1, 1]} : vector<7x1024x128xf32> to vector<1x1024x128xf32>
    %squeeze3A_99 = vector.shape_cast %slice3A_98 : vector<1x1024x128xf32> to vector<1024x128xf32>
    %get3A_100 = arith.constant 6 : index
    %get3A_101 = arith.constant 0 : index
    %get3A_102 = arith.constant 0 : index
    %get3A_103 = vector.load %arg8[%get3A_100, %get3A_101, %get3A_102] : memref<7x128x128xf32, #tpu.memory_space<vmem>>, vector<1x128x128xf32>
    %get3A_104 = vector.shape_cast %get3A_103 : vector<1x128x128xf32> to vector<128x128xf32>
    %dot_general3A_105 = arith.constant dense<0.000000e+00> : vector<1024x128xf32>
    %dot_general3A_106 = tpu.matmul %squeeze3A_99, %get3A_104, %dot_general3A_105 {dimension_numbers = #tpu.dot_dimension_numbers<[1], [0], [0], [1], [0, 0, 1, 1], [], []>, transpose_lhs_hint = false} : vector<1024x128xf32>, vector<128x128xf32>, vector<1024x128xf32> -> vector<1024x128xf32>
    %add3A_107 = arith.addf %add3A_97, %dot_general3A_106 : vector<1024x128xf32>
    %get3A_108 = arith.constant 0 : index
    %get3A_109 = arith.constant 0 : index
    %get3A_110 = vector.load %arg9[%get3A_108, %get3A_109] : memref<32x128xf32, #tpu.memory_space<vmem>>, vector<32x128xf32>
    %dot_general3A_111 = arith.constant dense<0.000000e+00> : vector<1024x128xf32>
    %dot_general3A_112 = tpu.matmul %add3A_27, %get3A_110, %dot_general3A_111 {dimension_numbers = #tpu.dot_dimension_numbers<[1], [0], [0], [1], [0, 0, 1, 1], [], []>, transpose_lhs_hint = false} : vector<1024x32xf32>, vector<32x128xf32>, vector<1024x128xf32> -> vector<1024x128xf32>
    %add3A_113 = arith.addf %add3A_107, %dot_general3A_112 : vector<1024x128xf32>
    %get3A_114 = arith.constant 0 : index
    %get3A_115 = arith.constant 0 : index
    %get3A_116 = vector.load %arg10[%get3A_114, %get3A_115] : memref<1x128xf32, #tpu.memory_space<vmem>>, vector<1x128xf32>
    %add3A_117 = vector.broadcast %get3A_116 : vector<1x128xf32> to vector<1024x128xf32>
    %add3A_118 = arith.addf %add3A_113, %add3A_117 : vector<1024x128xf32>
    %swap3A = arith.constant 0 : index
    %swap3A_119 = arith.constant 0 : index
    %swap3A_120 = vector.load %arg11[%swap3A, %swap3A_119] : memref<1024x128xf32, #tpu.memory_space<vmem>>, vector<1024x128xf32>
    tpu.vector_store %arg11[%swap3A, %swap3A_119], %add3A_118 {strides = array<i32>} : memref<1024x128xf32, #tpu.memory_space<vmem>>, vector<1024x128xf32>,
    return
  }
  func.func @transform_0(%arg0: i32) -> (i32, i32) {
    %c0_i32 = arith.constant 0 : i32
    %c0_i32_0 = arith.constant 0 : i32
    %c0_i32_1 = arith.constant 0 : i32
    return %c0_i32, %c0_i32_0 : i32, i32
  }
  func.func @transform_1(%arg0: i32) -> (i32, i32) {
    %c0_i32 = arith.constant 0 : i32
    %c0_i32_0 = arith.constant 0 : i32
    return %arg0, %c0_i32 : i32, i32
  }
  func.func @transform_2(%arg0: i32) -> (i32, i32, i32) {
    %c0_i32 = arith.constant 0 : i32
    %c0_i32_0 = arith.constant 0 : i32
    %c0_i32_1 = arith.constant 0 : i32
    return %c0_i32, %arg0, %c0_i32_0 : i32, i32, i32
  }
  func.func @transform_3(%arg0: i32) -> (i32, i32) {
    %c0_i32 = arith.constant 0 : i32
    %c0_i32_0 = arith.constant 0 : i32
    %c0_i32_1 = arith.constant 0 : i32
    return %c0_i32, %c0_i32_0 : i32, i32
  }
  func.func @transform_4(%arg0: i32) -> (i32, i32) {
    %c0_i32 = arith.constant 0 : i32
    %c0_i32_0 = arith.constant 0 : i32
    %c0_i32_1 = arith.constant 0 : i32
    return %c0_i32, %c0_i32_0 : i32, i32
  }
  func.func @transform_5(%arg0: i32) -> (i32, i32) {
    %c0_i32 = arith.constant 0 : i32
    %c0_i32_0 = arith.constant 0 : i32
    %c0_i32_1 = arith.constant 0 : i32
    return %c0_i32, %c0_i32_0 : i32, i32
  }
  func.func @transform_6(%arg0: i32) -> (i32, i32) {
    %c0_i32 = arith.constant 0 : i32
    %c0_i32_0 = arith.constant 0 : i32
    %c0_i32_1 = arith.constant 0 : i32
    return %c0_i32, %c0_i32_0 : i32, i32
  }
  func.func @transform_7(%arg0: i32) -> (i32, i32, i32) {
    %c0_i32 = arith.constant 0 : i32
    %c0_i32_0 = arith.constant 0 : i32
    %c0_i32_1 = arith.constant 0 : i32
    %c0_i32_2 = arith.constant 0 : i32
    return %c0_i32, %c0_i32_0, %c0_i32_1 : i32, i32, i32
  }
  func.func @transform_8(%arg0: i32) -> (i32, i32) {
    %c0_i32 = arith.constant 0 : i32
    %c0_i32_0 = arith.constant 0 : i32
    %c0_i32_1 = arith.constant 0 : i32
    return %c0_i32, %c0_i32_0 : i32, i32
  }
  func.func @transform_9(%arg0: i32) -> (i32, i32) {
    %c0_i32 = arith.constant 0 : i32
    %c0_i32_0 = arith.constant 0 : i32
    %c0_i32_1 = arith.constant 0 : i32
    return %c0_i32, %c0_i32_0 : i32, i32
  }
  func.func @transform_10(%arg0: i32) -> (i32, i32) {
    %c0_i32 = arith.constant 0 : i32
    %c0_i32_0 = arith.constant 0 : i32
    return %arg0, %c0_i32 : i32, i32
  }
}

</mosaic_0001>

<sc_bundles>
// kernel: kernel.5.cloned.1.call-start
scs
__scs_entry_jumppad:
0x0: {  	(pc) =	sbr.rel $0x88, $3  }
0x1: {  	(tag) =	ssettag $0x0;
	lr =	simm.s32 $0x1  }
0x2: {  	[smem:$0x3F98] =	sst lr;
	_ =	strace $0xD0000000  }
0x3: {  	_ = 	snop  }
0x4: {  	_ = 	snop  }
0x5: {  	_ = 	snop  }
0x6: {  	_ = 	snop  }
0x7: {  	_ = 	snop  }
__scs_overlays_trampoline_lowered:
0x8: {  	[smem:$0x3FA7] =	sst s0  }
0x9: {  	[smem:$0x3FA8] =	sst s1  }
0xa: {  	[smem:$0x3FA9] =	sst s2  }
0xb: {  	[smem:$0x3FAA] =	sst s3  }
0xc: {  	[smem:$0x3FAB] =	sst s4  }
0xd: {  	[smem:$0x3FAC] =	sst s5  }
0xe: {  	[smem:$0x3FAD] =	sst s6  }
0xf: {  	[smem:$0x3FAE] =	sst s7  }
0x10: {  	[smem:$0x3FAF] =	sst s8  }
0x11: {  	[smem:$0x3FB0] =	sst s9;
	s0 =	simm.s32 @!p0 $0x0  }
0x12: {  	s1 =	sld [smem:$0x3F96];
	s0 =	simm.s32 @p0 $0x1  }
0x13: {  	[smem:$0x3FB1] =	sst s0;
	s0 =	simm.s32 @!p1 $0x0  }
0x14: {  	s2 =	sld [smem:$0x3F95];
	s0 =	simm.s32 @p1 $0x1  }
0x15: {  	[smem:$0x3FB2] =	sst s0;
	s0 =	simm.s32 @!p2 $0x0  }
0x16: {  	s3 =	sld [smem:$0x3FDB];
	s0 =	simm.s32 @p2 $0x1  }
0x17: {  	s4 =	simm.s32 $0x1BF5;
	[smem:$0x3FB4] =	sst s0  }
0x18: {  	s0 =	sld [smem:$0x3F97];
	_ =	swait.ge [sflag:s4], $0x0  }
0x19: {  	s7 =	sld [smem:$0x3F98]  }
0x1a: {  	s8 =	sadd.s32 $0xFFFFE003, lr  }
0x1b: {  	s9 =	sadd.s32 $0xFFFFFEF7, lr;
	s5 =	simm.s32 $0xFFFFFFFF;
	p2 =	slt.u32 s8, $0xFFFFF086  }
0x1c: {  	p1 =	slt.u32 s9, $0xF7A;
	s5 =	simm.s32 @!p2 $0x0  }
0x1d: {  	s5 =	simm.s32 @p1 $0x1;
	p0 =	seq.s32 s7, s2  }
0x1e: {  	s7 =	smul.u32 @!p0 $0xF7A, s2;
	p2 =	seq.s32 @!p0 s5, $0x0  }
0x1f: {  	s9 =	smul.u32 $0xF7A, s1;
	s8 =	simm.s32 @!p0 $0x1BF5;
	p2 =	por !p2, p0  }
0x20: {  	[sflag:s8] =	ssyncset.s32 @!p0 $0xFFFFF086;
	s6 =	sadd.s32 @!p0 s3, s7;
	s7 =	simm.s32 @!p0 $0x108  }
0x21: {  	s3 =	sadd.s32 s3, s9;
	s6 =	sadd.s32 @!p0 $0x88, s6;
	s7 =	simm.s32 @p2 $0x1082  }
0x22: {  	[simem:s7], [sflag:s8] =	dma.local @!p0 [hbm:s6], $0xF7A  }
0x23: {  	s9 =	sor.u32 $0xD0000000, s2;
	s6 =	simm.s32 $0x108;
	_ =	swait.ge @!p0 [sflag:s8], $0x0  }
0x24: {  	s3 =	sadd.s32 $0x88, s3;
	s6 =	simm.s32 @!p1 $0x1082;
	[sflag:s4] =	ssyncset.s32 $0xFFFFF086  }
0x25: {  	[simem:s6], [sflag:s4] =	dma.local [hbm:s3], $0xF7A  }
0x26: {  	[smem:$0x3F98] =	sst s1;
	(tag) =	ssettag s2;
	_ =	strace s9  }
0x27: {  	s1 =	sld [smem:$0x3FA8]  }
0x28: {  	s2 =	sld [smem:$0x3FA9]  }
0x29: {  	s4 =	sld [smem:$0x3FAB]  }
0x2a: {  	p0 =	seq.s32 s5, $0x0;
	s5 =	sld [smem:$0x3FAC]  }
0x2b: {  	s6 =	sld [smem:$0x3FAD]  }
0x2c: {  	s7 =	sld [smem:$0x3FAE]  }
0x2d: {  	s3 =	simm.s32 $0x108;
	s8 =	sld [smem:$0x3FAF]  }
0x2e: {  	s3 =	simm.s32 @!p0 $0x1082;
	s9 =	sld [smem:$0x3FB0]  }
0x2f: {  	lr =	sadd.s32 s0, s3;
	s0 =	sld [smem:$0x3FA7]  }
0x30: {  	s3 =	sld [smem:$0x3FAA]  }
0x31: {  	[smem:$0x3FB3] =	sst s10  }
0x32: {  	s10 =	sld [smem:$0x3FB1];
	_ =	sdelay $0x3  }
0x33: {  	p0 =	seq.s32 s10, $0x1;
	s10 =	sld [smem:$0x3FB3];
	_ =	sdelay $0x3  }
0x34: {  	[smem:$0x3FB3] =	sst s10  }
0x35: {  	s10 =	sld [smem:$0x3FB2];
	_ =	sdelay $0x3  }
0x36: {  	p1 =	seq.s32 s10, $0x1;
	s10 =	sld [smem:$0x3FB3];
	_ =	sdelay $0x3  }
0x37: {  	[smem:$0x3FB3] =	sst s10  }
0x38: {  	s10 =	sld [smem:$0x3FB4]  }
0x39: {  	_ = 	snop;
	(pc) =	sbr.ind lr, $3  }
0x3a: {  	_ = 	snop  }
0x3b: {  	_ = 	snop  }
0x3c: {  	p2 =	seq.s32 s10, $0x1;
	s10 =	sld [smem:$0x3FB3]  }
0x3d: {  	_ =	shalt  }
0x3e: {  	_ =	shalt  }
0x3f: {  	_ =	shalt  }
0x40: {  	_ =	shalt  }
0x41: {  	_ =	shalt  }
0x42: {  	_ =	shalt  }
0x43: {  	_ =	shalt  }
0x44: {  	_ =	shalt  }
0x45: {  	_ =	shalt  }
0x46: {  	_ =	shalt  }
0x47: {  	_ =	shalt  }
0x48: {  	_ =	shalt  }
0x49: {  	_ =	shalt  }
0x4a: {  	_ =	shalt  }
0x4b: {  	_ =	shalt  }
0x4c: {  	_ =	shalt  }
0x4d: {  	_ =	shalt  }
0x4e: {  	_ =	shalt  }
0x4f: {  	_ =	shalt  }
0x50: {  	_ =	shalt  }
0x51: {  	_ =	shalt  }
0x52: {  	_ =	shalt  }
0x53: {  	_ =	shalt  }
0x54: {  	_ =	shalt  }
0x55: {  	_ =	shalt  }
0x56: {  	_ =	shalt  }
0x57: {  	_ =	shalt  }
0x58: {  	_ =	shalt  }
0x59: {  	_ =	shalt  }
0x5a: {  	_ =	shalt  }
0x5b: {  	_ =	shalt  }
0x5c: {  	_ =	shalt  }
0x5d: {  	_ =	shalt  }
0x5e: {  	_ =	shalt  }
0x5f: {  	_ =	shalt  }
0x60: {  	_ =	shalt  }
0x61: {  	_ =	shalt  }
0x62: {  	_ =	shalt  }
0x63: {  	_ =	shalt  }
0x64: {  	_ =	shalt  }
0x65: {  	_ =	shalt  }
0x66: {  	_ =	shalt  }
0x67: {  	_ =	shalt  }
0x68: {  	_ =	shalt  }
0x69: {  	_ =	shalt  }
0x6a: {  	_ =	shalt  }
0x6b: {  	_ =	shalt  }
0x6c: {  	_ =	shalt  }
0x6d: {  	_ =	shalt  }
0x6e: {  	_ =	shalt  }
0x6f: {  	_ =	shalt  }
0x70: {  	_ =	shalt  }
0x71: {  	_ =	shalt  }
0x72: {  	_ =	shalt  }
0x73: {  	_ =	shalt  }
0x74: {  	_ =	shalt  }
0x75: {  	_ =	shalt  }
0x76: {  	_ =	shalt  }
0x77: {  	_ =	shalt  }
0x78: {  	_ =	shalt  }
0x79: {  	_ =	shalt  }
0x7a: {  	_ =	shalt  }
0x7b: {  	_ =	shalt  }
0x7c: {  	_ =	shalt  }
0x7d: {  	_ =	shalt  }
0x7e: {  	_ =	shalt  }
0x7f: {  	_ =	shalt  }
0x80: {  	_ =	shalt  }
0x81: {  	_ =	shalt  }
0x82: {  	_ =	shalt  }
0x83: {  	_ =	shalt  }
0x84: {  	_ =	shalt  }
0x85: {  	_ =	shalt  }
0x86: {  	_ =	shalt  }
0x87: {  	_ =	shalt  }
.Lfunc_end0:
.L_simem_size_0:
called_computation_lowered:
.L_overlay_start_0:
0x88: {  	s2 =	sld [smem:$0x3FD9]  }
0x89: {  	s3 =	sld [smem:$0x3FFE];
	_ =	sdelay $0x1  }
0x8a: {  	s1 =	srdreg.scid  }
0x8b: {  	s0 =	sand.u32 $0x1, s1  }
0x8c: {  	s16 =	sshll.u32 s0, $0xA;
	s2 =	sadd.s32 s3, s2  }
0x8d: {  	s2 =	sadd.s32 s2, s16  }
0x8e: {  	[smem:$0x3FBF] =	sst s2  }
0x8f: {  	_ = 	snop  }
0x90: {  	(tm) =	ssettm $0x1  }
0x91: {  	s17 =	sld [smem:$0x3FFB];
	_ =	sdelay $0x3  }
0x92: {  	_ =	strace s17  }
0x93: {  	s2 =	sld [smem:$0x3FFC];
	_ =	sdelay $0x3  }
0x94: {  	_ =	strace s2  }
0x95: {  	s2 =	sld [smem:$0x3FFD];
	_ =	sdelay $0x3  }
0x96: {  	_ =	strace s2  }
0x97: {  	_ =	strace $0x8FFFFFFF  }
0x98: {  	s18 =	sld [smem:$0x3FDB];
	_ =	sdelay $0x1  }
0x99: {  	s19 =	simm.s32 $_scs_section_size  }
0x9a: {  	s4 =	simm.s32 $_size__tile_overlayer_lowered;
	s5 =	simm.s32 $_tile_overlayer_lowered  }
0x9b: {  	s22 =	simm.s32 $0x1BFF;
	s21 =	sshll.u32 s5, $0x1;
	s2 =	sadd.s32 s19, s18  }
0x9c: {  	s6 =	simm.s32 $0x0;
	s20 =	sshll.u32 s4, $0x1;
	s4 =	sadd.s32 s21, s2  }
0x9d: {  	[timem:s6], [sflag:s22] =	dma.local [hbm:s4], s20  }
0x9e: {  	_ =	swait.ge [sflag:s22], s20  }
0x9f: {  	s3 =	ssub.s32 $0x0, s20;
	[sflag:s22] =	ssyncset.done $0x0  }
0xa0: {  	[sflag:s22] =	ssyncadd.s32 s3;
	_ =	sdelay $0x1  }
0xa1: {  	s23 =	simm.s32 $0x1B8B  }
0xa2: {  	_ =	swait.ge [sflag:s23], $0x1  }
0xa3: {  	[sflag:s23] =	ssyncset.done $0x0  }
0xa4: {  	s25 =	simm.s32 $0x1B8E;
	s24 =	sld [smem:$0x3FFE];
	[sflag:s23] =	ssyncadd.s32 $0xFFFFFFFF  }
0xa5: {  	s26 =	simm.s32 $execute0_lowered;
	[smem:$0x3FD2] =	sst s25  }
0xa6: {  	s4 =	sshll.u32 s26, $0x1;
	_ =	strace $0x80000046;
	[dreg:$0x1] =	wrdreg $0xFFFFFFFF  }
0xa7: {  	s28 =	simm.s32 $_size_execute0_lowered;
	s2 =	sadd.s32 s2, s4;
	[dreg:$0x0] =	wrdreg $0x0  }
0xa8: {  	s4 =	sshll.u32 s28, $0x1;
	[dreg:$0x2] =	wrdreg s2  }
0xa9: {  	[dreg:$0x3] =	wrdreg s4  }
0xaa: {  	[dreg:$0x4] =	wrdreg $0xC0  }
0xab: {  	_ =	task [dreg:s6], $0x5FFFF  }
0xac: {  	[dreg:$0x1] =	wrdreg $0xFFFFFFFF  }
0xad: {  	[dreg:$0x0] =	wrdreg $0x60  }
0xae: {  	[dreg:$0x2] =	wrdreg s24  }
0xaf: {  	[dreg:$0x3] =	wrdreg $0x9  }
0xb0: {  	_ =	task.clear_ibuf [dreg:s6], $0x4FFFF;
	_ =	strace $0x90000046  }
0xb1: {  	s29 =	simm.s32 $0x9;
	_ =	strace $0x80000048  }
0xb2: {  	_ =	swait.ge [sflag:s29], $0x1  }
0xb3: {  	[sflag:s29] =	ssyncadd.s32 $0xFFFFFFFF  }
0xb4: {  	_ =	strace $0x90000048  }
0xb5: {  	_ =	sfence  }
0xb6: {  	s30 =	sld [smem:$0x0];
	_ =	sdelay $0x2  }
0xb7: {  	s31 =	sshll.u32 s1, $0xD;
	s1 =	sshrl.u32 s1, $0x2  }
0xb8: {  	s3 =	sand.u32 $0x4000, s31;
	s1 =	sadd.s32 s1, s30  }
0xb9: {  	s0 =	sor.u32 s3, s0;
	s1 =	sshll.u32 s1, $0x11  }
0xba: {  	s0 =	sor.u32 s1, s0  }
0xbb: {  	s0 =	sadd.s32 $0x8F2B, s0  }
0xbc: {  	[sflag:s0] =	ssyncadd.remote.s32 $0x1  }
0xbd: {  	_ =	sfence.sel $0xFFFF  }
0xbe: {  	[dreg:$0x0] =	wrdreg $0xFFFFFFFF;
	(pc) =	sbr.abs _section_cstart, $3  }
0xbf: {  	[dreg:$0x1] =	wrdreg $0xFFFFFFFF  }
0xc0: {  	_ =	task.clear_ibuf [dreg:s6], $0x2FFFF;
	_ =	strace $0x9FFFFFFF  }
0xc1: {  	(tm) =	ssettm $0x7FFFFFFF  }
tec
execute0_lowered:
.L_overlay_start_1:
0x0: {  	(tag) =	ssettag $0x1  }
0x1: {  	s1 =	stileid.u32  }
0x2: {  	s2 =	simm.s32 $0x0;
	s22 =	sshll.u32 s1, $0x1;
	s1 =	rddreg [dreg:$0x0]  }
0x3: {  	[smem:$0x7FF] =	sst s2;
	s5 =	sadd.s32 $0x27ADC00, s1  }
0x4: {  	_ =	strace $0x80000047;
	s26 =	sadd.s32 $0x280F680, s1;
	[dreg:$0x2] =	wrdreg s5  }
0x5: {  	s8 =	sadd.s32 $0x2871100, s1;
	[dreg:$0x6] =	wrdreg s26  }
0x6: {  	s11 =	sadd.s32 $0x28D2B80, s1;
	[dreg:$0x9] =	wrdreg s8  }
0x7: {  	s14 =	sadd.s32 $0x2934600, s1;
	[dreg:$0xc] =	wrdreg s11  }
0x8: {  	s17 =	sadd.s32 $0x2996080, s1;
	[dreg:$0xf] =	wrdreg s14  }
0x9: {  	s20 =	sadd.s32 $0x29F7B00, s1;
	[dreg:$0x12] =	wrdreg s17  }
0xa: {  	[dreg:$0x15] =	wrdreg s20;
	s26 =	sadd.s32 $0x2ABB000, s1  }
0xb: {  	s0 =	srdreg.scid;
	s11 =	sadd.s32 $0x2B7E500, s1;
	[dreg:$0x1b] =	wrdreg s26  }
0xc: {  	s4 =	sand.u32 $0x1, s0;
	s14 =	sadd.s32 $0x2BDFF80, s1;
	[smem:$0x7E2] =	sst s11  }
0xd: {  	s0 =	sor.u32 s4, s22;
	s17 =	sadd.s32 $0x2C41A00, s1;
	[smem:$0x7E5] =	sst s14  }
0xe: {  	s3 =	smul.u32 $0x640, s0;
	s20 =	sadd.s32 $0x2CA3480, s1;
	[smem:$0x7E8] =	sst s17  }
0xf: {  	s0 =	smul.u32 $0x32000, s0;
	s8 =	sadd.s32 $0x2B1CA80, s1;
	[smem:$0x7EB] =	sst s20  }
0x10: {  	[dreg:$0x1e] =	wrdreg s8;
	s26 =	sadd.s32 $0x2D66980, s1;
	s8 =	sadd.s32 $0x2DC8400, s1  }
0x11: {  	s11 =	sadd.s32 $0x2E29E80, s1;
	s3 =	sshrl.u32 s3, $0x3;
	[smem:$0x7F1] =	sst s26  }
0x12: {  	s0 =	sshrl.u32 s0, $0x3;
	[smem:$0x7F4] =	sst s8;
	s3 =	sadd.s32 s3, s1  }
0x13: {  	[smem:$0x7F7] =	sst s11;
	s5 =	sadd.s32 s0, s1;
	s23 =	sadd.s32 $0x1800, s3  }
0x14: {  	s24 =	sadd.s32 $0x2A200, s5;
	[dreg:$0x3] =	wrdreg s23  }
0x15: {  	s25 =	sadd.s32 $0x3100, s3;
	[dreg:$0x4] =	wrdreg s24  }
0x16: {  	s6 =	sadd.s32 $0x2A204, s5;
	[dreg:$0x5] =	wrdreg s25  }
0x17: {  	s7 =	sadd.s32 $0x4A00, s3;
	[dreg:$0x7] =	wrdreg s6  }
0x18: {  	s9 =	sadd.s32 $0x2A208, s5;
	[dreg:$0x8] =	wrdreg s7  }
0x19: {  	s10 =	sadd.s32 $0x6300, s3;
	[dreg:$0xa] =	wrdreg s9  }
0x1a: {  	s12 =	sadd.s32 $0x2A20C, s5;
	[dreg:$0xb] =	wrdreg s10  }
0x1b: {  	s13 =	sadd.s32 $0x7C00, s3;
	[dreg:$0xd] =	wrdreg s12  }
0x1c: {  	s15 =	sadd.s32 $0xF2200, s5;
	[dreg:$0xe] =	wrdreg s13  }
0x1d: {  	s16 =	sadd.s32 $0x9500, s3;
	[dreg:$0x10] =	wrdreg s15  }
0x1e: {  	s18 =	sadd.s32 $0xF2204, s5;
	[dreg:$0x11] =	wrdreg s16  }
0x1f: {  	s19 =	sadd.s32 $0xAE00, s3;
	[dreg:$0x13] =	wrdreg s18  }
0x20: {  	s21 =	sadd.s32 $0xF2208, s5;
	[dreg:$0x14] =	wrdreg s19  }
0x21: {  	s22 =	sadd.s32 $0xC700, s3;
	[dreg:$0x16] =	wrdreg s21  }
0x22: {  	s14 =	sadd.s32 $0x1DA00, s3;
	[dreg:$0x17] =	wrdreg s22  }
0x23: {  	s8 =	sadd.s32 $0x1F300, s3;
	[smem:$0x7F9] =	sst s14  }
0x24: {  	s23 =	sadd.s32 $0x2A59580, s1;
	[smem:$0x7FC] =	sst s8  }
0x25: {  	s24 =	sadd.s32 $0xF220C, s5;
	[dreg:$0x18] =	wrdreg s23  }
0x26: {  	s25 =	sadd.s32 $0xE000, s3;
	[dreg:$0x19] =	wrdreg s24  }
0x27: {  	s6 =	sadd.s32 $0x1BA200, s5;
	[dreg:$0x1a] =	wrdreg s25  }
0x28: {  	s7 =	sadd.s32 $0xF900, s3;
	[dreg:$0x1c] =	wrdreg s6  }
0x29: {  	s29 =	sadd.s32 $0x2F4EE00, s1;
	s9 =	sadd.s32 $0x1BA204, s5;
	[dreg:$0x1d] =	wrdreg s7  }
0x2a: {  	s30 =	sadd.s32 $0x34A20C, s5;
	s10 =	sadd.s32 $0x11200, s3;
	[dreg:$0x1f] =	wrdreg s9  }
0x2b: {  	s12 =	sadd.s32 $0x1BA208, s5;
	[smem:$0x7E1] =	sst s10  }
0x2c: {  	s26 =	sadd.s32 $0x412200, s5;
	s13 =	sadd.s32 $0x12B00, s3;
	[smem:$0x7E3] =	sst s12  }
0x2d: {  	p0 =	por $0x0, $0x0;
	s15 =	sadd.s32 $0x1BA20C, s5;
	[smem:$0x7E4] =	sst s13  }
0x2e: {  	s20 =	sadd.s32 $0x412208, s5;
	s16 =	sadd.s32 $0x14400, s3;
	[smem:$0x7E6] =	sst s15  }
0x2f: {  	s4 =	ssub.s32 $0x2, s4;
	s18 =	sadd.s32 $0x282200, s5;
	[smem:$0x7E7] =	sst s16  }
0x30: {  	s17 =	sadd.s32 $0x41220C, s5;
	s19 =	sadd.s32 $0x15D00, s3;
	[smem:$0x7E9] =	sst s18  }
0x31: {  	s11 =	simm.s32 $0x20;
	s21 =	sadd.s32 $0x282204, s5;
	[smem:$0x7EA] =	sst s19  }
0x32: {  	s22 =	sadd.s32 $0x17600, s3;
	s14 =	sadd.s32 $0x30D5800, s1;
	[smem:$0x7EC] =	sst s21  }
0x33: {  	s31 =	sadd.s32 $0x20C00, s3;
	[smem:$0x7ED] =	sst s22;
	s23 =	sadd.s32 $0x2D04F00, s1  }
0x34: {  	s24 =	sadd.s32 $0x282208, s5;
	s6 =	sadd.s32 $0x28220C, s5;
	s0 =	rddreg [dreg:$0x3]  }
0x35: {  	s28 =	sadd.s32 $0x22500, s3;
	s9 =	sadd.s32 $0x34A200, s5;
	[smem:$0x7EE] =	sst s23  }
0x36: {  	s25 =	sadd.s32 $0x18F00, s3;
	s12 =	sadd.s32 $0x34A204, s5;
	[smem:$0x7EF] =	sst s24  }
0x37: {  	s8 =	simm.s32 $0x640;
	s13 =	sadd.s32 $0x2E8B900, s1;
	[smem:$0x7F0] =	sst s25  }
0x38: {  	s7 =	sadd.s32 $0x1A800, s3;
	s15 =	sadd.s32 $0x2EED380, s1;
	[smem:$0x7F2] =	sst s6  }
0x39: {  	s10 =	sadd.s32 $0x1C100, s3;
	s22 =	sadd.s32 $0x3012300, s1;
	[smem:$0x7F3] =	sst s7  }
0x3a: {  	s21 =	sadd.s32 $0x25700, s3;
	s18 =	sadd.s32 $0x3073D80, s1;
	[smem:$0x7F5] =	sst s9  }
0x3b: {  	s19 =	sadd.s32 $0x27000, s3;
	[smem:$0x7F6] =	sst s10;
	s6 =	sshrl.u32 s4, $0x1  }
0x3c: {  	[smem:$0x7F8] =	sst s12;
	s7 =	sadd.s32 $0x34A208, s5;
	s6 =	ssub.s32 s4, s6  }
0x3d: {  	[smem:$0x7FA] =	sst s13;
	s25 =	sadd.s32 $0x2FB0880, s1;
	s16 =	smax.u32 s6, $0x1  }
0x3e: {  	s23 =	sadd.s32 $0x412204, s5;
	s24 =	sadd.s32 $0x23E00, s3;
	p1 =	sne.s32 s16, $0x1  }
.Ltmp0:
0x3f: {  	[smem:$0x7FD] =	sst s15;
	s9 =	sadd.s32 $0x28900, s3;
	(pc) =	sbr.rel @!p1 .LBB2_3-.Ltmp0, $4  }
0x40: {  	s3 =	sadd.s32 $0x4DA204, s5;
	s15 =	simm.s32 $0x4;
	s10 =	simm.s32 $0x1  }
0x41: {  	s13 =	simm.s32 $0x80;
	[smem:$0x7FB] =	sst s7;
	s7 =	sadd.s32 $0x4DA200, s5  }
0x42: {  	s12 =	simm.s32 $0x2;
	s4 =	sadd.s32 $0x3137280, s1;
	s5 =	simm.s32 $0x19000  }
0x43: {  	s6 =	simm.s32 $0x3;
	s1 =	sadd.s32 $0xFFFFFFFF, s16;
	s16 =	simm.s32 $0xC800  }
0x44: {  	[tilespmem:s5], [sflag:$0x4] =	stream.linear.gather [hbm4b:s0+s2], $0x640, $0x38;
	[tilespmem:$0x19640] =	vst v63  }
0x45: {  	_ =	swait.ge [sflag:s15], $0x640  }
0x46: {  	[sflag:s15] =	ssyncset.done $0x0  }
0x47: {  	s0 =	rddreg [dreg:$0x2];
	[sflag:s15] =	ssyncadd.s32 $0xFFFFF9C0  }
0x48: {  	[tilespmem:s2], [sflag:$0x1] =	stream.indirect.gather [hbm4b:s0+s8], $0x20, s5, s8, $0xb8;
	[tilespmem:$0x19640] =	vst v63  }
0x49: {  	_ =	swait.ge [sflag:s10], $0xC800  }
0x4a: {  	s0 =	rddreg [dreg:$0x4];
	[sflag:s10] =	ssyncset.done $0x0  }
0x4b: {  	[smem:$0x7DF] =	sst s1;
	[sflag:s10] =	ssyncadd.s32 $0xFFFF3800  }
0x4c: {  	[hbm4b:s0+s11] =	stream.strided.scatter [tilespmem:s2], [sflag:$0x2], $0xC800, s13, s11, $0x38;
	[tilespmem:$0x19640] =	vst v63  }
0x4d: {  	s1 =	rddreg [dreg:$0x5]  }
0x4e: {  	[tilespmem:s5], [sflag:$0x4] =	stream.linear.gather [hbm4b:s1+s2], $0x640, $0x38;
	[tilespmem:$0x19640] =	vst v63  }
0x4f: {  	_ =	swait.ge [sflag:s15], $0x640  }
0x50: {  	[sflag:s15] =	ssyncset.done $0x0  }
0x51: {  	s1 =	rddreg [dreg:$0x6];
	[sflag:s15] =	ssyncadd.s32 $0xFFFFF9C0  }
0x52: {  	[tilespmem:s16], [sflag:$0x1] =	stream.indirect.gather [hbm4b:s1+s8], $0x20, s5, s8, $0xb8;
	[tilespmem:$0x19640] =	vst v63  }
0x53: {  	_ =	swait.ge [sflag:s10], $0xC800  }
0x54: {  	[sflag:s10] =	ssyncset.done $0x0  }
0x55: {  	s0 =	rddreg [dreg:$0x7];
	[sflag:s10] =	ssyncadd.s32 $0xFFFF3800  }
0x56: {  	[hbm4b:s0+s11] =	stream.strided.scatter [tilespmem:s16], [sflag:$0x3], $0xC800, s13, s11, $0x38;
	[tilespmem:$0x19640] =	vst v63  }
0x57: {  	s1 =	rddreg [dreg:$0x8]  }
0x58: {  	[tilespmem:s5], [sflag:$0x4] =	stream.linear.gather [hbm4b:s1+s2], $0x640, $0x38;
	[tilespmem:$0x19640] =	vst v63  }
0x59: {  	_ =	swait.ge [sflag:s15], $0x640  }
0x5a: {  	[sflag:s15] =	ssyncset.done $0x0  }
0x5b: {  	[sflag:s15] =	ssyncadd.s32 $0xFFFFF9C0  }
0x5c: {  	_ =	swait.ge [sflag:s12], $0xC800  }
0x5d: {  	[sflag:s12] =	ssyncset.done $0x0  }
0x5e: {  	s1 =	rddreg [dreg:$0x9];
	[sflag:s12] =	ssyncadd.s32 $0xFFFF3800  }
0x5f: {  	[tilespmem:s2], [sflag:$0x1] =	stream.indirect.gather [hbm4b:s1+s8], $0x20, s5, s8, $0xb8;
	[tilespmem:$0x19640] =	vst v63  }
0x60: {  	_ =	swait.ge [sflag:s10], $0xC800  }
0x61: {  	[sflag:s10] =	ssyncset.done $0x0  }
0x62: {  	s0 =	rddreg [dreg:$0xa];
	[sflag:s10] =	ssyncadd.s32 $0xFFFF3800  }
0x63: {  	[hbm4b:s0+s11] =	stream.strided.scatter [tilespmem:s2], [sflag:$0x2], $0xC800, s13, s11, $0x38;
	[tilespmem:$0x19640] =	vst v63  }
0x64: {  	s1 =	rddreg [dreg:$0xb]  }
0x65: {  	[tilespmem:s5], [sflag:$0x4] =	stream.linear.gather [hbm4b:s1+s2], $0x640, $0x38;
	[tilespmem:$0x19640] =	vst v63  }
0x66: {  	_ =	swait.ge [sflag:s15], $0x640  }
0x67: {  	[sflag:s15] =	ssyncset.done $0x0  }
0x68: {  	[sflag:s15] =	ssyncadd.s32 $0xFFFFF9C0  }
0x69: {  	_ =	swait.ge [sflag:s6], $0xC800  }
0x6a: {  	[sflag:s6] =	ssyncset.done $0x0  }
0x6b: {  	s1 =	rddreg [dreg:$0xc];
	[sflag:s6] =	ssyncadd.s32 $0xFFFF3800  }
0x6c: {  	[tilespmem:s16], [sflag:$0x1] =	stream.indirect.gather [hbm4b:s1+s8], $0x20, s5, s8, $0xb8;
	[tilespmem:$0x19640] =	vst v63  }
0x6d: {  	_ =	swait.ge [sflag:s10], $0xC800  }
0x6e: {  	[sflag:s10] =	ssyncset.done $0x0  }
0x6f: {  	s0 =	rddreg [dreg:$0xd];
	[sflag:s10] =	ssyncadd.s32 $0xFFFF3800  }
0x70: {  	[hbm4b:s0+s11] =	stream.strided.scatter [tilespmem:s16], [sflag:$0x3], $0xC800, s13, s11, $0x38;
	[tilespmem:$0x19640] =	vst v63  }
0x71: {  	s1 =	rddreg [dreg:$0xe]  }
0x72: {  	[tilespmem:s5], [sflag:$0x4] =	stream.linear.gather [hbm4b:s1+s2], $0x640, $0x38;
	[tilespmem:$0x19640] =	vst v63  }
0x73: {  	_ =	swait.ge [sflag:s15], $0x640  }
0x74: {  	[sflag:s15] =	ssyncset.done $0x0  }
0x75: {  	[sflag:s15] =	ssyncadd.s32 $0xFFFFF9C0  }
0x76: {  	_ =	swait.ge [sflag:s12], $0xC800  }
0x77: {  	[sflag:s12] =	ssyncset.done $0x0  }
0x78: {  	s1 =	rddreg [dreg:$0xf];
	[sflag:s12] =	ssyncadd.s32 $0xFFFF3800  }
0x79: {  	[tilespmem:s2], [sflag:$0x1] =	stream.indirect.gather [hbm4b:s1+s8], $0x20, s5, s8, $0xb8;
	[tilespmem:$0x19640] =	vst v63  }
0x7a: {  	_ =	swait.ge [sflag:s10], $0xC800  }
0x7b: {  	[sflag:s10] =	ssyncset.done $0x0  }
0x7c: {  	s0 =	rddreg [dreg:$0x10];
	[sflag:s10] =	ssyncadd.s32 $0xFFFF3800  }
0x7d: {  	[hbm4b:s0+s11] =	stream.strided.scatter [tilespmem:s2], [sflag:$0x2], $0xC800, s13, s11, $0x38;
	[tilespmem:$0x19640] =	vst v63  }
0x7e: {  	s1 =	rddreg [dreg:$0x11]  }
0x7f: {  	[tilespmem:s5], [sflag:$0x4] =	stream.linear.gather [hbm4b:s1+s2], $0x640, $0x38;
	[tilespmem:$0x19640] =	vst v63  }
0x80: {  	_ =	swait.ge [sflag:s15], $0x640  }
0x81: {  	[sflag:s15] =	ssyncset.done $0x0  }
0x82: {  	[sflag:s15] =	ssyncadd.s32 $0xFFFFF9C0  }
0x83: {  	_ =	swait.ge [sflag:s6], $0xC800  }
0x84: {  	[sflag:s6] =	ssyncset.done $0x0  }
0x85: {  	s1 =	rddreg [dreg:$0x12];
	[sflag:s6] =	ssyncadd.s32 $0xFFFF3800  }
0x86: {  	[tilespmem:s16], [sflag:$0x1] =	stream.indirect.gather [hbm4b:s1+s8], $0x20, s5, s8, $0xb8;
	[tilespmem:$0x19640] =	vst v63  }
0x87: {  	_ =	swait.ge [sflag:s10], $0xC800  }
0x88: {  	[sflag:s10] =	ssyncset.done $0x0  }
0x89: {  	s0 =	rddreg [dreg:$0x13];
	[sflag:s10] =	ssyncadd.s32 $0xFFFF3800  }
0x8a: {  	[hbm4b:s0+s11] =	stream.strided.scatter [tilespmem:s16], [sflag:$0x3], $0xC800, s13, s11, $0x38;
	[tilespmem:$0x19640] =	vst v63  }
0x8b: {  	s1 =	rddreg [dreg:$0x14]  }
0x8c: {  	[tilespmem:s5], [sflag:$0x4] =	stream.linear.gather [hbm4b:s1+s2], $0x640, $0x38;
	[tilespmem:$0x19640] =	vst v63  }
0x8d: {  	_ =	swait.ge [sflag:s15], $0x640  }
0x8e: {  	[sflag:s15] =	ssyncset.done $0x0  }
0x8f: {  	[sflag:s15] =	ssyncadd.s32 $0xFFFFF9C0  }
0x90: {  	_ =	swait.ge [sflag:s12], $0xC800  }
0x91: {  	[sflag:s12] =	ssyncset.done $0x0  }
0x92: {  	s1 =	rddreg [dreg:$0x15];
	[sflag:s12] =	ssyncadd.s32 $0xFFFF3800  }
0x93: {  	[tilespmem:s2], [sflag:$0x1] =	stream.indirect.gather [hbm4b:s1+s8], $0x20, s5, s8, $0xb8;
	[tilespmem:$0x19640] =	vst v63  }
0x94: {  	_ =	swait.ge [sflag:s10], $0xC800  }
0x95: {  	[sflag:s10] =	ssyncset.done $0x0  }
0x96: {  	s0 =	rddreg [dreg:$0x16];
	[sflag:s10] =	ssyncadd.s32 $0xFFFF3800  }
0x97: {  	[hbm4b:s0+s11] =	stream.strided.scatter [tilespmem:s2], [sflag:$0x2], $0xC800, s13, s11, $0x38;
	[tilespmem:$0x19640] =	vst v63  }
0x98: {  	s1 =	rddreg [dreg:$0x17]  }
0x99: {  	[tilespmem:s5], [sflag:$0x4] =	stream.linear.gather [hbm4b:s1+s2], $0x640, $0x38;
	[tilespmem:$0x19640] =	vst v63  }
0x9a: {  	_ =	swait.ge [sflag:s15], $0x640  }
0x9b: {  	[sflag:s15] =	ssyncset.done $0x0  }
0x9c: {  	[sflag:s15] =	ssyncadd.s32 $0xFFFFF9C0  }
0x9d: {  	_ =	swait.ge [sflag:s6], $0xC800  }
0x9e: {  	[sflag:s6] =	ssyncset.done $0x0  }
0x9f: {  	s1 =	rddreg [dreg:$0x18];
	[sflag:s6] =	ssyncadd.s32 $0xFFFF3800  }
0xa0: {  	[tilespmem:s16], [sflag:$0x1] =	stream.indirect.gather [hbm4b:s1+s8], $0x20, s5, s8, $0xb8;
	[tilespmem:$0x19640] =	vst v63  }
0xa1: {  	_ =	swait.ge [sflag:s10], $0xC800  }
0xa2: {  	[sflag:s10] =	ssyncset.done $0x0  }
0xa3: {  	s0 =	rddreg [dreg:$0x19];
	[sflag:s10] =	ssyncadd.s32 $0xFFFF3800  }
0xa4: {  	[hbm4b:s0+s11] =	stream.strided.scatter [tilespmem:s16], [sflag:$0x3], $0xC800, s13, s11, $0x38;
	[tilespmem:$0x19640] =	vst v63  }
0xa5: {  	s1 =	rddreg [dreg:$0x1a]  }
0xa6: {  	[tilespmem:s5], [sflag:$0x4] =	stream.linear.gather [hbm4b:s1+s2], $0x640, $0x38;
	[tilespmem:$0x19640] =	vst v63  }
0xa7: {  	_ =	swait.ge [sflag:s15], $0x640  }
0xa8: {  	[sflag:s15] =	ssyncset.done $0x0  }
0xa9: {  	[sflag:s15] =	ssyncadd.s32 $0xFFFFF9C0  }
0xaa: {  	_ =	swait.ge [sflag:s12], $0xC800  }
0xab: {  	[sflag:s12] =	ssyncset.done $0x0  }
0xac: {  	s1 =	rddreg [dreg:$0x1b];
	[sflag:s12] =	ssyncadd.s32 $0xFFFF3800  }
0xad: {  	[tilespmem:s2], [sflag:$0x1] =	stream.indirect.gather [hbm4b:s1+s8], $0x20, s5, s8, $0xb8;
	[tilespmem:$0x19640] =	vst v63  }
0xae: {  	_ =	swait.ge [sflag:s10], $0xC800  }
0xaf: {  	[sflag:s10] =	ssyncset.done $0x0  }
0xb0: {  	s0 =	rddreg [dreg:$0x1c];
	[sflag:s10] =	ssyncadd.s32 $0xFFFF3800  }
0xb1: {  	[hbm4b:s0+s11] =	stream.strided.scatter [tilespmem:s2], [sflag:$0x2], $0xC800, s13, s11, $0x38;
	[tilespmem:$0x19640] =	vst v63  }
0xb2: {  	s1 =	rddreg [dreg:$0x1d]  }
0xb3: {  	[tilespmem:s5], [sflag:$0x4] =	stream.linear.gather [hbm4b:s1+s2], $0x640, $0x38;
	[tilespmem:$0x19640] =	vst v63  }
0xb4: {  	_ =	swait.ge [sflag:s15], $0x640  }
0xb5: {  	[sflag:s15] =	ssyncset.done $0x0  }
0xb6: {  	[sflag:s15] =	ssyncadd.s32 $0xFFFFF9C0  }
0xb7: {  	_ =	swait.ge [sflag:s6], $0xC800  }
0xb8: {  	[sflag:s6] =	ssyncset.done $0x0  }
0xb9: {  	s1 =	rddreg [dreg:$0x1e];
	[sflag:s6] =	ssyncadd.s32 $0xFFFF3800  }
0xba: {  	[tilespmem:s16], [sflag:$0x1] =	stream.indirect.gather [hbm4b:s1+s8], $0x20, s5, s8, $0xb8;
	[tilespmem:$0x19640] =	vst v63  }
0xbb: {  	_ =	swait.ge [sflag:s10], $0xC800  }
0xbc: {  	s0 =	rddreg [dreg:$0x1f];
	[sflag:s10] =	ssyncset.done $0x0  }
0xbd: {  	s1 =	sld [smem:$0x7E1];
	[sflag:s10] =	ssyncadd.s32 $0xFFFF3800  }
0xbe: {  	[hbm4b:s0+s11] =	stream.strided.scatter [tilespmem:s16], [sflag:$0x3], $0xC800, s13, s11, $0x38;
	[tilespmem:$0x19640] =	vst v63  }
0xbf: {  	_ = 	snop  }
0xc0: {  	[tilespmem:s5], [sflag:$0x4] =	stream.linear.gather [hbm4b:s1+s2], $0x640, $0x38;
	[tilespmem:$0x19640] =	vst v63  }
0xc1: {  	_ =	swait.ge [sflag:s15], $0x640  }
0xc2: {  	[sflag:s15] =	ssyncset.done $0x0  }
0xc3: {  	[sflag:s15] =	ssyncadd.s32 $0xFFFFF9C0  }
0xc4: {  	_ =	swait.ge [sflag:s12], $0xC800  }
0xc5: {  	s1 =	sld [smem:$0x7E2]  }
0xc6: {  	[sflag:s12] =	ssyncset.done $0x0  }
0xc7: {  	[sflag:s12] =	ssyncadd.s32 $0xFFFF3800  }
0xc8: {  	[tilespmem:s2], [sflag:$0x1] =	stream.indirect.gather [hbm4b:s1+s8], $0x20, s5, s8, $0xb8;
	[tilespmem:$0x19640] =	vst v63  }
0xc9: {  	_ =	swait.ge [sflag:s10], $0xC800  }
0xca: {  	s0 =	sld [smem:$0x7E3]  }
0xcb: {  	[sflag:s10] =	ssyncset.done $0x0  }
0xcc: {  	s1 =	sld [smem:$0x7E4];
	[sflag:s10] =	ssyncadd.s32 $0xFFFF3800  }
0xcd: {  	[hbm4b:s0+s11] =	stream.strided.scatter [tilespmem:s2], [sflag:$0x2], $0xC800, s13, s11, $0x38;
	[tilespmem:$0x19640] =	vst v63  }
0xce: {  	_ = 	snop  }
0xcf: {  	[tilespmem:s5], [sflag:$0x4] =	stream.linear.gather [hbm4b:s1+s2], $0x640, $0x38;
	[tilespmem:$0x19640] =	vst v63  }
0xd0: {  	_ =	swait.ge [sflag:s15], $0x640  }
0xd1: {  	[sflag:s15] =	ssyncset.done $0x0  }
0xd2: {  	[sflag:s15] =	ssyncadd.s32 $0xFFFFF9C0  }
0xd3: {  	_ =	swait.ge [sflag:s6], $0xC800  }
0xd4: {  	s1 =	sld [smem:$0x7E5]  }
0xd5: {  	[sflag:s6] =	ssyncset.done $0x0  }
0xd6: {  	[sflag:s6] =	ssyncadd.s32 $0xFFFF3800  }
0xd7: {  	[tilespmem:s16], [sflag:$0x1] =	stream.indirect.gather [hbm4b:s1+s8], $0x20, s5, s8, $0xb8;
	[tilespmem:$0x19640] =	vst v63  }
0xd8: {  	_ =	swait.ge [sflag:s10], $0xC800  }
0xd9: {  	s0 =	sld [smem:$0x7E6]  }
0xda: {  	[sflag:s10] =	ssyncset.done $0x0  }
0xdb: {  	s1 =	sld [smem:$0x7E7];
	[sflag:s10] =	ssyncadd.s32 $0xFFFF3800  }
0xdc: {  	[hbm4b:s0+s11] =	stream.strided.scatter [tilespmem:s16], [sflag:$0x3], $0xC800, s13, s11, $0x38;
	[tilespmem:$0x19640] =	vst v63  }
0xdd: {  	_ = 	snop  }
0xde: {  	[tilespmem:s5], [sflag:$0x4] =	stream.linear.gather [hbm4b:s1+s2], $0x640, $0x38;
	[tilespmem:$0x19640] =	vst v63  }
0xdf: {  	_ =	swait.ge [sflag:s15], $0x640  }
0xe0: {  	[sflag:s15] =	ssyncset.done $0x0  }
0xe1: {  	[sflag:s15] =	ssyncadd.s32 $0xFFFFF9C0  }
0xe2: {  	_ =	swait.ge [sflag:s12], $0xC800  }
0xe3: {  	s1 =	sld [smem:$0x7E8]  }
0xe4: {  	[sflag:s12] =	ssyncset.done $0x0  }
0xe5: {  	[sflag:s12] =	ssyncadd.s32 $0xFFFF3800  }
0xe6: {  	[tilespmem:s2], [sflag:$0x1] =	stream.indirect.gather [hbm4b:s1+s8], $0x20, s5, s8, $0xb8;
	[tilespmem:$0x19640] =	vst v63  }
0xe7: {  	_ =	swait.ge [sflag:s10], $0xC800  }
0xe8: {  	s0 =	sld [smem:$0x7E9]  }
0xe9: {  	[sflag:s10] =	ssyncset.done $0x0  }
0xea: {  	s1 =	sld [smem:$0x7EA];
	[sflag:s10] =	ssyncadd.s32 $0xFFFF3800  }
0xeb: {  	[hbm4b:s0+s11] =	stream.strided.scatter [tilespmem:s2], [sflag:$0x2], $0xC800, s13, s11, $0x38;
	[tilespmem:$0x19640] =	vst v63  }
0xec: {  	_ = 	snop  }
0xed: {  	[tilespmem:s5], [sflag:$0x4] =	stream.linear.gather [hbm4b:s1+s2], $0x640, $0x38;
	[tilespmem:$0x19640] =	vst v63  }
0xee: {  	_ =	swait.ge [sflag:s15], $0x640  }
0xef: {  	[sflag:s15] =	ssyncset.done $0x0  }
0xf0: {  	[sflag:s15] =	ssyncadd.s32 $0xFFFFF9C0  }
0xf1: {  	_ =	swait.ge [sflag:s6], $0xC800  }
0xf2: {  	s1 =	sld [smem:$0x7EB]  }
0xf3: {  	[sflag:s6] =	ssyncset.done $0x0  }
0xf4: {  	[sflag:s6] =	ssyncadd.s32 $0xFFFF3800  }
0xf5: {  	[tilespmem:s16], [sflag:$0x1] =	stream.indirect.gather [hbm4b:s1+s8], $0x20, s5, s8, $0xb8;
	[tilespmem:$0x19640] =	vst v63  }
0xf6: {  	_ =	swait.ge [sflag:s10], $0xC800  }
0xf7: {  	s0 =	sld [smem:$0x7EC]  }
0xf8: {  	[sflag:s10] =	ssyncset.done $0x0  }
0xf9: {  	s1 =	sld [smem:$0x7ED];
	[sflag:s10] =	ssyncadd.s32 $0xFFFF3800  }
0xfa: {  	[hbm4b:s0+s11] =	stream.strided.scatter [tilespmem:s16], [sflag:$0x3], $0xC800, s13, s11, $0x38;
	[tilespmem:$0x19640] =	vst v63  }
0xfb: {  	_ = 	snop  }
0xfc: {  	[tilespmem:s5], [sflag:$0x4] =	stream.linear.gather [hbm4b:s1+s2], $0x640, $0x38;
	[tilespmem:$0x19640] =	vst v63  }
0xfd: {  	_ =	swait.ge [sflag:s15], $0x640  }
0xfe: {  	[sflag:s15] =	ssyncset.done $0x0  }
0xff: {  	[sflag:s15] =	ssyncadd.s32 $0xFFFFF9C0  }
0x100: {  	_ =	swait.ge [sflag:s12], $0xC800  }
0x101: {  	s1 =	sld [smem:$0x7EE]  }
0x102: {  	[sflag:s12] =	ssyncset.done $0x0  }
0x103: {  	[sflag:s12] =	ssyncadd.s32 $0xFFFF3800  }
0x104: {  	[tilespmem:s2], [sflag:$0x1] =	stream.indirect.gather [hbm4b:s1+s8], $0x20, s5, s8, $0xb8;
	[tilespmem:$0x19640] =	vst v63  }
0x105: {  	_ =	swait.ge [sflag:s10], $0xC800  }
0x106: {  	s0 =	sld [smem:$0x7EF]  }
0x107: {  	[sflag:s10] =	ssyncset.done $0x0  }
0x108: {  	s1 =	sld [smem:$0x7F0];
	[sflag:s10] =	ssyncadd.s32 $0xFFFF3800  }
0x109: {  	[hbm4b:s0+s11] =	stream.strided.scatter [tilespmem:s2], [sflag:$0x2], $0xC800, s13, s11, $0x38;
	[tilespmem:$0x19640] =	vst v63  }
0x10a: {  	_ = 	snop  }
0x10b: {  	[tilespmem:s5], [sflag:$0x4] =	stream.linear.gather [hbm4b:s1+s2], $0x640, $0x38;
	[tilespmem:$0x19640] =	vst v63  }
0x10c: {  	_ =	swait.ge [sflag:s15], $0x640  }
0x10d: {  	[sflag:s15] =	ssyncset.done $0x0  }
0x10e: {  	[sflag:s15] =	ssyncadd.s32 $0xFFFFF9C0  }
0x10f: {  	_ =	swait.ge [sflag:s6], $0xC800  }
0x110: {  	s1 =	sld [smem:$0x7F1]  }
0x111: {  	[sflag:s6] =	ssyncset.done $0x0  }
0x112: {  	[sflag:s6] =	ssyncadd.s32 $0xFFFF3800  }
0x113: {  	[tilespmem:s16], [sflag:$0x1] =	stream.indirect.gather [hbm4b:s1+s8], $0x20, s5, s8, $0xb8;
	[tilespmem:$0x19640] =	vst v63  }
0x114: {  	_ =	swait.ge [sflag:s10], $0xC800  }
0x115: {  	s0 =	sld [smem:$0x7F2]  }
0x116: {  	[sflag:s10] =	ssyncset.done $0x0  }
0x117: {  	s1 =	sld [smem:$0x7F3];
	[sflag:s10] =	ssyncadd.s32 $0xFFFF3800  }
0x118: {  	[hbm4b:s0+s11] =	stream.strided.scatter [tilespmem:s16], [sflag:$0x3], $0xC800, s13, s11, $0x38;
	[tilespmem:$0x19640] =	vst v63  }
0x119: {  	_ = 	snop  }
0x11a: {  	[tilespmem:s5], [sflag:$0x4] =	stream.linear.gather [hbm4b:s1+s2], $0x640, $0x38;
	[tilespmem:$0x19640] =	vst v63  }
0x11b: {  	_ =	swait.ge [sflag:s15], $0x640  }
0x11c: {  	[sflag:s15] =	ssyncset.done $0x0  }
0x11d: {  	[sflag:s15] =	ssyncadd.s32 $0xFFFFF9C0  }
0x11e: {  	_ =	swait.ge [sflag:s12], $0xC800  }
0x11f: {  	s1 =	sld [smem:$0x7F4]  }
0x120: {  	[sflag:s12] =	ssyncset.done $0x0  }
0x121: {  	[sflag:s12] =	ssyncadd.s32 $0xFFFF3800  }
0x122: {  	[tilespmem:s2], [sflag:$0x1] =	stream.indirect.gather [hbm4b:s1+s8], $0x20, s5, s8, $0xb8;
	[tilespmem:$0x19640] =	vst v63  }
0x123: {  	_ =	swait.ge [sflag:s10], $0xC800  }
0x124: {  	s0 =	sld [smem:$0x7F5]  }
0x125: {  	[sflag:s10] =	ssyncset.done $0x0  }
0x126: {  	s1 =	sld [smem:$0x7F6];
	[sflag:s10] =	ssyncadd.s32 $0xFFFF3800  }
0x127: {  	[hbm4b:s0+s11] =	stream.strided.scatter [tilespmem:s2], [sflag:$0x2], $0xC800, s13, s11, $0x38;
	[tilespmem:$0x19640] =	vst v63  }
0x128: {  	_ = 	snop  }
0x129: {  	[tilespmem:s5], [sflag:$0x4] =	stream.linear.gather [hbm4b:s1+s2], $0x640, $0x38;
	[tilespmem:$0x19640] =	vst v63  }
0x12a: {  	_ =	swait.ge [sflag:s15], $0x640  }
0x12b: {  	[sflag:s15] =	ssyncset.done $0x0  }
0x12c: {  	[sflag:s15] =	ssyncadd.s32 $0xFFFFF9C0  }
0x12d: {  	_ =	swait.ge [sflag:s6], $0xC800  }
0x12e: {  	s1 =	sld [smem:$0x7F7]  }
0x12f: {  	[sflag:s6] =	ssyncset.done $0x0  }
0x130: {  	[sflag:s6] =	ssyncadd.s32 $0xFFFF3800  }
0x131: {  	[tilespmem:s16], [sflag:$0x1] =	stream.indirect.gather [hbm4b:s1+s8], $0x20, s5, s8, $0xb8;
	[tilespmem:$0x19640] =	vst v63  }
0x132: {  	_ =	swait.ge [sflag:s10], $0xC800  }
0x133: {  	s0 =	sld [smem:$0x7F8]  }
0x134: {  	[sflag:s10] =	ssyncset.done $0x0  }
0x135: {  	s1 =	sld [smem:$0x7F9];
	[sflag:s10] =	ssyncadd.s32 $0xFFFF3800  }
0x136: {  	[hbm4b:s0+s11] =	stream.strided.scatter [tilespmem:s16], [sflag:$0x3], $0xC800, s13, s11, $0x38;
	[tilespmem:$0x19640] =	vst v63  }
0x137: {  	_ = 	snop  }
0x138: {  	[tilespmem:s5], [sflag:$0x4] =	stream.linear.gather [hbm4b:s1+s2], $0x640, $0x38;
	[tilespmem:$0x19640] =	vst v63  }
0x139: {  	_ =	swait.ge [sflag:s15], $0x640  }
0x13a: {  	[sflag:s15] =	ssyncset.done $0x0  }
0x13b: {  	[sflag:s15] =	ssyncadd.s32 $0xFFFFF9C0  }
0x13c: {  	_ =	swait.ge [sflag:s12], $0xC800  }
0x13d: {  	s1 =	sld [smem:$0x7FA]  }
0x13e: {  	[sflag:s12] =	ssyncset.done $0x0  }
0x13f: {  	[sflag:s12] =	ssyncadd.s32 $0xFFFF3800  }
0x140: {  	[tilespmem:s2], [sflag:$0x1] =	stream.indirect.gather [hbm4b:s1+s8], $0x20, s5, s8, $0xb8;
	[tilespmem:$0x19640] =	vst v63  }
0x141: {  	_ =	swait.ge [sflag:s10], $0xC800  }
0x142: {  	s0 =	sld [smem:$0x7FB]  }
0x143: {  	[sflag:s10] =	ssyncset.done $0x0  }
0x144: {  	s1 =	sld [smem:$0x7FC];
	[sflag:s10] =	ssyncadd.s32 $0xFFFF3800  }
0x145: {  	[hbm4b:s0+s11] =	stream.strided.scatter [tilespmem:s2], [sflag:$0x2], $0xC800, s13, s11, $0x38;
	[tilespmem:$0x19640] =	vst v63  }
0x146: {  	_ = 	snop  }
0x147: {  	[tilespmem:s5], [sflag:$0x4] =	stream.linear.gather [hbm4b:s1+s2], $0x640, $0x38;
	[tilespmem:$0x19640] =	vst v63  }
0x148: {  	_ =	swait.ge [sflag:s15], $0x640  }
0x149: {  	[sflag:s15] =	ssyncset.done $0x0  }
0x14a: {  	[sflag:s15] =	ssyncadd.s32 $0xFFFFF9C0  }
0x14b: {  	_ =	swait.ge [sflag:s6], $0xC800  }
0x14c: {  	s1 =	sld [smem:$0x7FD]  }
0x14d: {  	[sflag:s6] =	ssyncset.done $0x0  }
0x14e: {  	[sflag:s6] =	ssyncadd.s32 $0xFFFF3800  }
0x14f: {  	[tilespmem:s16], [sflag:$0x1] =	stream.indirect.gather [hbm4b:s1+s8], $0x20, s5, s8, $0xb8;
	[tilespmem:$0x19640] =	vst v63  }
0x150: {  	_ =	swait.ge [sflag:s10], $0xC800  }
0x151: {  	[sflag:s10] =	ssyncset.done $0x0  }
0x152: {  	[sflag:s10] =	ssyncadd.s32 $0xFFFF3800  }
0x153: {  	[hbm4b:s30+s11] =	stream.strided.scatter [tilespmem:s16], [sflag:$0x3], $0xC800, s13, s11, $0x38;
	[tilespmem:$0x19640] =	vst v63  }
0x154: {  	_ = 	snop  }
0x155: {  	[tilespmem:s5], [sflag:$0x4] =	stream.linear.gather [hbm4b:s31+s2], $0x640, $0x38;
	[tilespmem:$0x19640] =	vst v63  }
0x156: {  	_ =	swait.ge [sflag:s15], $0x640  }
0x157: {  	[sflag:s15] =	ssyncset.done $0x0  }
0x158: {  	[sflag:s15] =	ssyncadd.s32 $0xFFFFF9C0  }
0x159: {  	_ =	swait.ge [sflag:s12], $0xC800  }
0x15a: {  	[sflag:s12] =	ssyncset.done $0x0  }
0x15b: {  	[sflag:s12] =	ssyncadd.s32 $0xFFFF3800  }
0x15c: {  	[tilespmem:s2], [sflag:$0x1] =	stream.indirect.gather [hbm4b:s29+s8], $0x20, s5, s8, $0xb8;
	[tilespmem:$0x19640] =	vst v63  }
0x15d: {  	_ =	swait.ge [sflag:s10], $0xC800  }
0x15e: {  	[sflag:s10] =	ssyncset.done $0x0  }
0x15f: {  	[sflag:s10] =	ssyncadd.s32 $0xFFFF3800  }
0x160: {  	[hbm4b:s26+s11] =	stream.strided.scatter [tilespmem:s2], [sflag:$0x2], $0xC800, s13, s11, $0x38;
	[tilespmem:$0x19640] =	vst v63  }
0x161: {  	_ = 	snop  }
0x162: {  	[tilespmem:s5], [sflag:$0x4] =	stream.linear.gather [hbm4b:s28+s2], $0x640, $0x38;
	[tilespmem:$0x19640] =	vst v63  }
0x163: {  	_ =	swait.ge [sflag:s15], $0x640  }
0x164: {  	[sflag:s15] =	ssyncset.done $0x0  }
0x165: {  	[sflag:s15] =	ssyncadd.s32 $0xFFFFF9C0  }
0x166: {  	_ =	swait.ge [sflag:s6], $0xC800  }
0x167: {  	[sflag:s6] =	ssyncset.done $0x0  }
0x168: {  	[sflag:s6] =	ssyncadd.s32 $0xFFFF3800  }
0x169: {  	[tilespmem:s16], [sflag:$0x1] =	stream.indirect.gather [hbm4b:s25+s8], $0x20, s5, s8, $0xb8;
	[tilespmem:$0x19640] =	vst v63  }
0x16a: {  	_ =	swait.ge [sflag:s10], $0xC800  }
0x16b: {  	[sflag:s10] =	ssyncset.done $0x0  }
0x16c: {  	[sflag:s10] =	ssyncadd.s32 $0xFFFF3800  }
0x16d: {  	[hbm4b:s23+s11] =	stream.strided.scatter [tilespmem:s16], [sflag:$0x3], $0xC800, s13, s11, $0x38;
	[tilespmem:$0x19640] =	vst v63  }
0x16e: {  	_ = 	snop  }
0x16f: {  	[tilespmem:s5], [sflag:$0x4] =	stream.linear.gather [hbm4b:s24+s2], $0x640, $0x38;
	[tilespmem:$0x19640] =	vst v63  }
0x170: {  	_ =	swait.ge [sflag:s15], $0x640  }
0x171: {  	[sflag:s15] =	ssyncset.done $0x0  }
0x172: {  	[sflag:s15] =	ssyncadd.s32 $0xFFFFF9C0  }
0x173: {  	_ =	swait.ge [sflag:s12], $0xC800  }
0x174: {  	[sflag:s12] =	ssyncset.done $0x0  }
0x175: {  	[sflag:s12] =	ssyncadd.s32 $0xFFFF3800  }
0x176: {  	[tilespmem:s2], [sflag:$0x1] =	stream.indirect.gather [hbm4b:s22+s8], $0x20, s5, s8, $0xb8;
	[tilespmem:$0x19640] =	vst v63  }
0x177: {  	_ =	swait.ge [sflag:s10], $0xC800  }
0x178: {  	[sflag:s10] =	ssyncset.done $0x0  }
0x179: {  	[sflag:s10] =	ssyncadd.s32 $0xFFFF3800  }
0x17a: {  	[hbm4b:s20+s11] =	stream.strided.scatter [tilespmem:s2], [sflag:$0x2], $0xC800, s13, s11, $0x38;
	[tilespmem:$0x19640] =	vst v63  }
0x17b: {  	_ = 	snop  }
0x17c: {  	[tilespmem:s5], [sflag:$0x4] =	stream.linear.gather [hbm4b:s21+s2], $0x640, $0x38;
	[tilespmem:$0x19640] =	vst v63  }
0x17d: {  	_ =	swait.ge [sflag:s15], $0x640  }
0x17e: {  	[sflag:s15] =	ssyncset.done $0x0  }
0x17f: {  	[sflag:s15] =	ssyncadd.s32 $0xFFFFF9C0  }
0x180: {  	_ =	swait.ge [sflag:s6], $0xC800  }
0x181: {  	[sflag:s6] =	ssyncset.done $0x0  }
0x182: {  	[sflag:s6] =	ssyncadd.s32 $0xFFFF3800  }
0x183: {  	[tilespmem:s16], [sflag:$0x1] =	stream.indirect.gather [hbm4b:s18+s8], $0x20, s5, s8, $0xb8;
	[tilespmem:$0x19640] =	vst v63  }
0x184: {  	_ =	swait.ge [sflag:s10], $0xC800  }
0x185: {  	[sflag:s10] =	ssyncset.done $0x0  }
0x186: {  	[sflag:s10] =	ssyncadd.s32 $0xFFFF3800  }
0x187: {  	[hbm4b:s17+s11] =	stream.strided.scatter [tilespmem:s16], [sflag:$0x3], $0xC800, s13, s11, $0x38;
	[tilespmem:$0x19640] =	vst v63  }
0x188: {  	_ = 	snop  }
0x189: {  	[tilespmem:s5], [sflag:$0x4] =	stream.linear.gather [hbm4b:s19+s2], $0x640, $0x38;
	[tilespmem:$0x19640] =	vst v63  }
0x18a: {  	_ =	swait.ge [sflag:s15], $0x640  }
0x18b: {  	[sflag:s15] =	ssyncset.done $0x0  }
0x18c: {  	[sflag:s15] =	ssyncadd.s32 $0xFFFFF9C0  }
0x18d: {  	_ =	swait.ge [sflag:s12], $0xC800  }
0x18e: {  	[sflag:s12] =	ssyncset.done $0x0  }
0x18f: {  	[sflag:s12] =	ssyncadd.s32 $0xFFFF3800  }
0x190: {  	[tilespmem:s2], [sflag:$0x1] =	stream.indirect.gather [hbm4b:s14+s8], $0x20, s5, s8, $0xb8;
	[tilespmem:$0x19640] =	vst v63  }
0x191: {  	_ =	swait.ge [sflag:s10], $0xC800  }
0x192: {  	[sflag:s10] =	ssyncset.done $0x0  }
0x193: {  	[sflag:s10] =	ssyncadd.s32 $0xFFFF3800  }
0x194: {  	[hbm4b:s7+s11] =	stream.strided.scatter [tilespmem:s2], [sflag:$0x2], $0xC800, s13, s11, $0x38;
	[tilespmem:$0x19640] =	vst v63  }
0x195: {  	_ = 	snop  }
0x196: {  	[tilespmem:s5], [sflag:$0x4] =	stream.linear.gather [hbm4b:s9+s2], $0x640, $0x38;
	[tilespmem:$0x19640] =	vst v63  }
0x197: {  	_ =	swait.ge [sflag:s15], $0x640  }
0x198: {  	[sflag:s15] =	ssyncset.done $0x0  }
0x199: {  	[sflag:s15] =	ssyncadd.s32 $0xFFFFF9C0  }
0x19a: {  	_ =	swait.ge [sflag:s6], $0xC800  }
0x19b: {  	[sflag:s6] =	ssyncset.done $0x0  }
0x19c: {  	[sflag:s6] =	ssyncadd.s32 $0xFFFF3800  }
0x19d: {  	[tilespmem:s16], [sflag:$0x1] =	stream.indirect.gather [hbm4b:s4+s8], $0x20, s5, s8, $0xb8;
	[tilespmem:$0x19640] =	vst v63  }
0x19e: {  	_ =	swait.ge [sflag:s10], $0xC800  }
0x19f: {  	[sflag:s10] =	ssyncset.done $0x0  }
0x1a0: {  	[sflag:s10] =	ssyncadd.s32 $0xFFFF3800  }
0x1a1: {  	[hbm4b:s3+s11] =	stream.strided.scatter [tilespmem:s16], [sflag:$0x3], $0xC800, s13, s11, $0x38;
	[tilespmem:$0x19640] =	vst v63  }
0x1a2: {  	_ =	swait.ge [sflag:s12], $0xC800  }
0x1a3: {  	s1 =	sld [smem:$0x7DF];
	_ =	sdelay $0x2  }
0x1a4: {  	p1 =	sne.s32 s1, $0x1  }
.Ltmp1:
0x1a5: {  	[sflag:s12] =	ssyncset.done $0x0;
	(pc) =	sbr.rel @!p1 .LBB2_3-.Ltmp1, $4  }
0x1a6: {  	[sflag:s12] =	ssyncadd.s32 $0xFFFF3800  }
0x1a7: {  	_ =	swait.ge [sflag:s6], $0xC800  }
0x1a8: {  	p0 =	por $0x1, $0x1;
	s0 =	rddreg [dreg:$0x3]  }
0x1a9: {  	s1 =	sadd.s32 $0xFFFFFFFF, s1;
	[sflag:s6] =	ssyncset.done $0x0;
	[smem:$0x7E0] =	sst s31  }
.LBB2_2:
0x1aa: {  	[sflag:s6] =	ssyncadd.s32 $0xFFFF3800  }
0x1ab: {  	s31 =	smov.u32 s30;
	s30 =	smov.u32 s29;
	s29 =	smov.u32 s28  }
0x1ac: {  	s28 =	smov.u32 s26;
	s26 =	smov.u32 s25;
	s25 =	smov.u32 s24  }
0x1ad: {  	[tilespmem:s5], [sflag:$0x4] =	stream.linear.gather [hbm4b:s0+s2], $0x640, $0x38;
	[tilespmem:$0x19640] =	vst v63  }
0x1ae: {  	s24 =	smov.u32 s23;
	s23 =	smov.u32 s22;
	_ =	swait.ge [sflag:s15], $0x640  }
0x1af: {  	s22 =	smov.u32 s21;
	s21 =	smov.u32 s20;
	[sflag:s15] =	ssyncset.done $0x0  }
0x1b0: {  	s20 =	smov.u32 s19;
	s0 =	rddreg [dreg:$0x2];
	[sflag:s15] =	ssyncadd.s32 $0xFFFFF9C0  }
0x1b1: {  	[tilespmem:s2], [sflag:$0x1] =	stream.indirect.gather [hbm4b:s0+s8], $0x20, s5, s8, $0xb8;
	[tilespmem:$0x19640] =	vst v63  }
0x1b2: {  	s19 =	smov.u32 s18;
	s18 =	smov.u32 s17;
	_ =	swait.ge [sflag:s10], $0xC800  }
0x1b3: {  	s17 =	smov.u32 s14;
	s14 =	smov.u32 s9;
	[sflag:s10] =	ssyncset.done $0x0  }
0x1b4: {  	s9 =	smov.u32 s7;
	s0 =	rddreg [dreg:$0x4];
	[sflag:s10] =	ssyncadd.s32 $0xFFFF3800  }
0x1b5: {  	[hbm4b:s0+s11] =	stream.strided.scatter [tilespmem:s2], [sflag:$0x2], $0xC800, s13, s11, $0x38;
	[tilespmem:$0x19640] =	vst v63  }
0x1b6: {  	s7 =	smov.u32 s4;
	s4 =	smov.u32 s3;
	s3 =	rddreg [dreg:$0x5]  }
0x1b7: {  	[tilespmem:s5], [sflag:$0x4] =	stream.linear.gather [hbm4b:s3+s2], $0x640, $0x38;
	[tilespmem:$0x19640] =	vst v63  }
0x1b8: {  	_ =	swait.ge [sflag:s15], $0x640  }
0x1b9: {  	[sflag:s15] =	ssyncset.done $0x0  }
0x1ba: {  	s3 =	rddreg [dreg:$0x6];
	[sflag:s15] =	ssyncadd.s32 $0xFFFFF9C0  }
0x1bb: {  	[tilespmem:s16], [sflag:$0x1] =	stream.indirect.gather [hbm4b:s3+s8], $0x20, s5, s8, $0xb8;
	[tilespmem:$0x19640] =	vst v63  }
0x1bc: {  	_ =	swait.ge [sflag:s10], $0xC800  }
0x1bd: {  	[sflag:s10] =	ssyncset.done $0x0  }
0x1be: {  	s0 =	rddreg [dreg:$0x7];
	[sflag:s10] =	ssyncadd.s32 $0xFFFF3800  }
0x1bf: {  	[hbm4b:s0+s11] =	stream.strided.scatter [tilespmem:s16], [sflag:$0x3], $0xC800, s13, s11, $0x38;
	[tilespmem:$0x19640] =	vst v63  }
0x1c0: {  	s3 =	rddreg [dreg:$0x8]  }
0x1c1: {  	[tilespmem:s5], [sflag:$0x4] =	stream.linear.gather [hbm4b:s3+s2], $0x640, $0x38;
	[tilespmem:$0x19640] =	vst v63  }
0x1c2: {  	_ =	swait.ge [sflag:s15], $0x640  }
0x1c3: {  	[sflag:s15] =	ssyncset.done $0x0  }
0x1c4: {  	[sflag:s15] =	ssyncadd.s32 $0xFFFFF9C0  }
0x1c5: {  	_ =	swait.ge [sflag:s12], $0xC800  }
0x1c6: {  	[sflag:s12] =	ssyncset.done $0x0  }
0x1c7: {  	s3 =	rddreg [dreg:$0x9];
	[sflag:s12] =	ssyncadd.s32 $0xFFFF3800  }
0x1c8: {  	[tilespmem:s2], [sflag:$0x1] =	stream.indirect.gather [hbm4b:s3+s8], $0x20, s5, s8, $0xb8;
	[tilespmem:$0x19640] =	vst v63  }
0x1c9: {  	_ =	swait.ge [sflag:s10], $0xC800  }
0x1ca: {  	[sflag:s10] =	ssyncset.done $0x0  }
0x1cb: {  	s0 =	rddreg [dreg:$0xa];
	[sflag:s10] =	ssyncadd.s32 $0xFFFF3800  }
0x1cc: {  	[hbm4b:s0+s11] =	stream.strided.scatter [tilespmem:s2], [sflag:$0x2], $0xC800, s13, s11, $0x38;
	[tilespmem:$0x19640] =	vst v63  }
0x1cd: {  	s3 =	rddreg [dreg:$0xb]  }
0x1ce: {  	[tilespmem:s5], [sflag:$0x4] =	stream.linear.gather [hbm4b:s3+s2], $0x640, $0x38;
	[tilespmem:$0x19640] =	vst v63  }
0x1cf: {  	_ =	swait.ge [sflag:s15], $0x640  }
0x1d0: {  	[sflag:s15] =	ssyncset.done $0x0  }
0x1d1: {  	[sflag:s15] =	ssyncadd.s32 $0xFFFFF9C0  }
0x1d2: {  	_ =	swait.ge [sflag:s6], $0xC800  }
0x1d3: {  	[sflag:s6] =	ssyncset.done $0x0  }
0x1d4: {  	s3 =	rddreg [dreg:$0xc];
	[sflag:s6] =	ssyncadd.s32 $0xFFFF3800  }
0x1d5: {  	[tilespmem:s16], [sflag:$0x1] =	stream.indirect.gather [hbm4b:s3+s8], $0x20, s5, s8, $0xb8;
	[tilespmem:$0x19640] =	vst v63  }
0x1d6: {  	_ =	swait.ge [sflag:s10], $0xC800  }
0x1d7: {  	[sflag:s10] =	ssyncset.done $0x0  }
0x1d8: {  	s0 =	rddreg [dreg:$0xd];
	[sflag:s10] =	ssyncadd.s32 $0xFFFF3800  }
0x1d9: {  	[hbm4b:s0+s11] =	stream.strided.scatter [tilespmem:s16], [sflag:$0x3], $0xC800, s13, s11, $0x38;
	[tilespmem:$0x19640] =	vst v63  }
0x1da: {  	s3 =	rddreg [dreg:$0xe]  }
0x1db: {  	[tilespmem:s5], [sflag:$0x4] =	stream.linear.gather [hbm4b:s3+s2], $0x640, $0x38;
	[tilespmem:$0x19640] =	vst v63  }
0x1dc: {  	_ =	swait.ge [sflag:s15], $0x640  }
0x1dd: {  	[sflag:s15] =	ssyncset.done $0x0  }
0x1de: {  	[sflag:s15] =	ssyncadd.s32 $0xFFFFF9C0  }
0x1df: {  	_ =	swait.ge [sflag:s12], $0xC800  }
0x1e0: {  	[sflag:s12] =	ssyncset.done $0x0  }
0x1e1: {  	s3 =	rddreg [dreg:$0xf];
	[sflag:s12] =	ssyncadd.s32 $0xFFFF3800  }
0x1e2: {  	[tilespmem:s2], [sflag:$0x1] =	stream.indirect.gather [hbm4b:s3+s8], $0x20, s5, s8, $0xb8;
	[tilespmem:$0x19640] =	vst v63  }
0x1e3: {  	_ =	swait.ge [sflag:s10], $0xC800  }
0x1e4: {  	[sflag:s10] =	ssyncset.done $0x0  }
0x1e5: {  	s0 =	rddreg [dreg:$0x10];
	[sflag:s10] =	ssyncadd.s32 $0xFFFF3800  }
0x1e6: {  	[hbm4b:s0+s11] =	stream.strided.scatter [tilespmem:s2], [sflag:$0x2], $0xC800, s13, s11, $0x38;
	[tilespmem:$0x19640] =	vst v63  }
0x1e7: {  	s3 =	rddreg [dreg:$0x11]  }
0x1e8: {  	[tilespmem:s5], [sflag:$0x4] =	stream.linear.gather [hbm4b:s3+s2], $0x640, $0x38;
	[tilespmem:$0x19640] =	vst v63  }
0x1e9: {  	_ =	swait.ge [sflag:s15], $0x640  }
0x1ea: {  	[sflag:s15] =	ssyncset.done $0x0  }
0x1eb: {  	[sflag:s15] =	ssyncadd.s32 $0xFFFFF9C0  }
0x1ec: {  	_ =	swait.ge [sflag:s6], $0xC800  }
0x1ed: {  	[sflag:s6] =	ssyncset.done $0x0  }
0x1ee: {  	s3 =	rddreg [dreg:$0x12];
	[sflag:s6] =	ssyncadd.s32 $0xFFFF3800  }
0x1ef: {  	[tilespmem:s16], [sflag:$0x1] =	stream.indirect.gather [hbm4b:s3+s8], $0x20, s5, s8, $0xb8;
	[tilespmem:$0x19640] =	vst v63  }
0x1f0: {  	_ =	swait.ge [sflag:s10], $0xC800  }
0x1f1: {  	[sflag:s10] =	ssyncset.done $0x0  }
0x1f2: {  	s0 =	rddreg [dreg:$0x13];
	[sflag:s10] =	ssyncadd.s32 $0xFFFF3800  }
0x1f3: {  	[hbm4b:s0+s11] =	stream.strided.scatter [tilespmem:s16], [sflag:$0x3], $0xC800, s13, s11, $0x38;
	[tilespmem:$0x19640] =	vst v63  }
0x1f4: {  	s3 =	rddreg [dreg:$0x14]  }
0x1f5: {  	[tilespmem:s5], [sflag:$0x4] =	stream.linear.gather [hbm4b:s3+s2], $0x640, $0x38;
	[tilespmem:$0x19640] =	vst v63  }
0x1f6: {  	_ =	swait.ge [sflag:s15], $0x640  }
0x1f7: {  	[sflag:s15] =	ssyncset.done $0x0  }
0x1f8: {  	[sflag:s15] =	ssyncadd.s32 $0xFFFFF9C0  }
0x1f9: {  	_ =	swait.ge [sflag:s12], $0xC800  }
0x1fa: {  	[sflag:s12] =	ssyncset.done $0x0  }
0x1fb: {  	s3 =	rddreg [dreg:$0x15];
	[sflag:s12] =	ssyncadd.s32 $0xFFFF3800  }
0x1fc: {  	[tilespmem:s2], [sflag:$0x1] =	stream.indirect.gather [hbm4b:s3+s8], $0x20, s5, s8, $0xb8;
	[tilespmem:$0x19640] =	vst v63  }
0x1fd: {  	_ =	swait.ge [sflag:s10], $0xC800  }
0x1fe: {  	[sflag:s10] =	ssyncset.done $0x0  }
0x1ff: {  	s0 =	rddreg [dreg:$0x16];
	[sflag:s10] =	ssyncadd.s32 $0xFFFF3800  }
0x200: {  	[hbm4b:s0+s11] =	stream.strided.scatter [tilespmem:s2], [sflag:$0x2], $0xC800, s13, s11, $0x38;
	[tilespmem:$0x19640] =	vst v63  }
0x201: {  	s3 =	rddreg [dreg:$0x17]  }
0x202: {  	[tilespmem:s5], [sflag:$0x4] =	stream.linear.gather [hbm4b:s3+s2], $0x640, $0x38;
	[tilespmem:$0x19640] =	vst v63  }
0x203: {  	_ =	swait.ge [sflag:s15], $0x640  }
0x204: {  	[sflag:s15] =	ssyncset.done $0x0  }
0x205: {  	[sflag:s15] =	ssyncadd.s32 $0xFFFFF9C0  }
0x206: {  	_ =	swait.ge [sflag:s6], $0xC800  }
0x207: {  	[sflag:s6] =	ssyncset.done $0x0  }
0x208: {  	s3 =	rddreg [dreg:$0x18];
	[sflag:s6] =	ssyncadd.s32 $0xFFFF3800  }
0x209: {  	[tilespmem:s16], [sflag:$0x1] =	stream.indirect.gather [hbm4b:s3+s8], $0x20, s5, s8, $0xb8;
	[tilespmem:$0x19640] =	vst v63  }
0x20a: {  	_ =	swait.ge [sflag:s10], $0xC800  }
0x20b: {  	[sflag:s10] =	ssyncset.done $0x0  }
0x20c: {  	s0 =	rddreg [dreg:$0x19];
	[sflag:s10] =	ssyncadd.s32 $0xFFFF3800  }
0x20d: {  	[hbm4b:s0+s11] =	stream.strided.scatter [tilespmem:s16], [sflag:$0x3], $0xC800, s13, s11, $0x38;
	[tilespmem:$0x19640] =	vst v63  }
0x20e: {  	s3 =	rddreg [dreg:$0x1a]  }
0x20f: {  	[tilespmem:s5], [sflag:$0x4] =	stream.linear.gather [hbm4b:s3+s2], $0x640, $0x38;
	[tilespmem:$0x19640] =	vst v63  }
0x210: {  	_ =	swait.ge [sflag:s15], $0x640  }
0x211: {  	[sflag:s15] =	ssyncset.done $0x0  }
0x212: {  	[sflag:s15] =	ssyncadd.s32 $0xFFFFF9C0  }
0x213: {  	_ =	swait.ge [sflag:s12], $0xC800  }
0x214: {  	[sflag:s12] =	ssyncset.done $0x0  }
0x215: {  	s3 =	rddreg [dreg:$0x1b];
	[sflag:s12] =	ssyncadd.s32 $0xFFFF3800  }
0x216: {  	[tilespmem:s2], [sflag:$0x1] =	stream.indirect.gather [hbm4b:s3+s8], $0x20, s5, s8, $0xb8;
	[tilespmem:$0x19640] =	vst v63  }
0x217: {  	_ =	swait.ge [sflag:s10], $0xC800  }
0x218: {  	[sflag:s10] =	ssyncset.done $0x0  }
0x219: {  	s0 =	rddreg [dreg:$0x1c];
	[sflag:s10] =	ssyncadd.s32 $0xFFFF3800  }
0x21a: {  	[hbm4b:s0+s11] =	stream.strided.scatter [tilespmem:s2], [sflag:$0x2], $0xC800, s13, s11, $0x38;
	[tilespmem:$0x19640] =	vst v63  }
0x21b: {  	s3 =	rddreg [dreg:$0x1d]  }
0x21c: {  	[tilespmem:s5], [sflag:$0x4] =	stream.linear.gather [hbm4b:s3+s2], $0x640, $0x38;
	[tilespmem:$0x19640] =	vst v63  }
0x21d: {  	_ =	swait.ge [sflag:s15], $0x640  }
0x21e: {  	[sflag:s15] =	ssyncset.done $0x0  }
0x21f: {  	[sflag:s15] =	ssyncadd.s32 $0xFFFFF9C0  }
0x220: {  	_ =	swait.ge [sflag:s6], $0xC800  }
0x221: {  	[sflag:s6] =	ssyncset.done $0x0  }
0x222: {  	s3 =	rddreg [dreg:$0x1e];
	[sflag:s6] =	ssyncadd.s32 $0xFFFF3800  }
0x223: {  	[tilespmem:s16], [sflag:$0x1] =	stream.indirect.gather [hbm4b:s3+s8], $0x20, s5, s8, $0xb8;
	[tilespmem:$0x19640] =	vst v63  }
0x224: {  	_ =	swait.ge [sflag:s10], $0xC800  }
0x225: {  	s0 =	rddreg [dreg:$0x1f];
	[sflag:s10] =	ssyncset.done $0x0  }
0x226: {  	s3 =	sld [smem:$0x7E1];
	[sflag:s10] =	ssyncadd.s32 $0xFFFF3800  }
0x227: {  	[hbm4b:s0+s11] =	stream.strided.scatter [tilespmem:s16], [sflag:$0x3], $0xC800, s13, s11, $0x38;
	[tilespmem:$0x19640] =	vst v63  }
0x228: {  	_ = 	snop  }
0x229: {  	[tilespmem:s5], [sflag:$0x4] =	stream.linear.gather [hbm4b:s3+s2], $0x640, $0x38;
	[tilespmem:$0x19640] =	vst v63  }
0x22a: {  	_ =	swait.ge [sflag:s15], $0x640  }
0x22b: {  	[sflag:s15] =	ssyncset.done $0x0  }
0x22c: {  	[sflag:s15] =	ssyncadd.s32 $0xFFFFF9C0  }
0x22d: {  	_ =	swait.ge [sflag:s12], $0xC800  }
0x22e: {  	s3 =	sld [smem:$0x7E2]  }
0x22f: {  	[sflag:s12] =	ssyncset.done $0x0  }
0x230: {  	[sflag:s12] =	ssyncadd.s32 $0xFFFF3800  }
0x231: {  	[tilespmem:s2], [sflag:$0x1] =	stream.indirect.gather [hbm4b:s3+s8], $0x20, s5, s8, $0xb8;
	[tilespmem:$0x19640] =	vst v63  }
0x232: {  	_ =	swait.ge [sflag:s10], $0xC800  }
0x233: {  	s0 =	sld [smem:$0x7E3]  }
0x234: {  	[sflag:s10] =	ssyncset.done $0x0  }
0x235: {  	s3 =	sld [smem:$0x7E4];
	[sflag:s10] =	ssyncadd.s32 $0xFFFF3800  }
0x236: {  	[hbm4b:s0+s11] =	stream.strided.scatter [tilespmem:s2], [sflag:$0x2], $0xC800, s13, s11, $0x38;
	[tilespmem:$0x19640] =	vst v63  }
0x237: {  	_ = 	snop  }
0x238: {  	[tilespmem:s5], [sflag:$0x4] =	stream.linear.gather [hbm4b:s3+s2], $0x640, $0x38;
	[tilespmem:$0x19640] =	vst v63  }
0x239: {  	_ =	swait.ge [sflag:s15], $0x640  }
0x23a: {  	[sflag:s15] =	ssyncset.done $0x0  }
0x23b: {  	[sflag:s15] =	ssyncadd.s32 $0xFFFFF9C0  }
0x23c: {  	_ =	swait.ge [sflag:s6], $0xC800  }
0x23d: {  	s3 =	sld [smem:$0x7E5]  }
0x23e: {  	[sflag:s6] =	ssyncset.done $0x0  }
0x23f: {  	[sflag:s6] =	ssyncadd.s32 $0xFFFF3800  }
0x240: {  	[tilespmem:s16], [sflag:$0x1] =	stream.indirect.gather [hbm4b:s3+s8], $0x20, s5, s8, $0xb8;
	[tilespmem:$0x19640] =	vst v63  }
0x241: {  	_ =	swait.ge [sflag:s10], $0xC800  }
0x242: {  	s0 =	sld [smem:$0x7E6]  }
0x243: {  	[sflag:s10] =	ssyncset.done $0x0  }
0x244: {  	s3 =	sld [smem:$0x7E7];
	[sflag:s10] =	ssyncadd.s32 $0xFFFF3800  }
0x245: {  	[hbm4b:s0+s11] =	stream.strided.scatter [tilespmem:s16], [sflag:$0x3], $0xC800, s13, s11, $0x38;
	[tilespmem:$0x19640] =	vst v63  }
0x246: {  	_ = 	snop  }
0x247: {  	[tilespmem:s5], [sflag:$0x4] =	stream.linear.gather [hbm4b:s3+s2], $0x640, $0x38;
	[tilespmem:$0x19640] =	vst v63  }
0x248: {  	_ =	swait.ge [sflag:s15], $0x640  }
0x249: {  	[sflag:s15] =	ssyncset.done $0x0  }
0x24a: {  	[sflag:s15] =	ssyncadd.s32 $0xFFFFF9C0  }
0x24b: {  	_ =	swait.ge [sflag:s12], $0xC800  }
0x24c: {  	s3 =	sld [smem:$0x7E8]  }
0x24d: {  	[sflag:s12] =	ssyncset.done $0x0  }
0x24e: {  	[sflag:s12] =	ssyncadd.s32 $0xFFFF3800  }
0x24f: {  	[tilespmem:s2], [sflag:$0x1] =	stream.indirect.gather [hbm4b:s3+s8], $0x20, s5, s8, $0xb8;
	[tilespmem:$0x19640] =	vst v63  }
0x250: {  	_ =	swait.ge [sflag:s10], $0xC800  }
0x251: {  	s0 =	sld [smem:$0x7E9]  }
0x252: {  	[sflag:s10] =	ssyncset.done $0x0  }
0x253: {  	s3 =	sld [smem:$0x7EA];
	[sflag:s10] =	ssyncadd.s32 $0xFFFF3800  }
0x254: {  	[hbm4b:s0+s11] =	stream.strided.scatter [tilespmem:s2], [sflag:$0x2], $0xC800, s13, s11, $0x38;
	[tilespmem:$0x19640] =	vst v63  }
0x255: {  	_ = 	snop  }
0x256: {  	[tilespmem:s5], [sflag:$0x4] =	stream.linear.gather [hbm4b:s3+s2], $0x640, $0x38;
	[tilespmem:$0x19640] =	vst v63  }
0x257: {  	_ =	swait.ge [sflag:s15], $0x640  }
0x258: {  	[sflag:s15] =	ssyncset.done $0x0  }
0x259: {  	[sflag:s15] =	ssyncadd.s32 $0xFFFFF9C0  }
0x25a: {  	_ =	swait.ge [sflag:s6], $0xC800  }
0x25b: {  	s3 =	sld [smem:$0x7EB]  }
0x25c: {  	[sflag:s6] =	ssyncset.done $0x0  }
0x25d: {  	[sflag:s6] =	ssyncadd.s32 $0xFFFF3800  }
0x25e: {  	[tilespmem:s16], [sflag:$0x1] =	stream.indirect.gather [hbm4b:s3+s8], $0x20, s5, s8, $0xb8;
	[tilespmem:$0x19640] =	vst v63  }
0x25f: {  	_ =	swait.ge [sflag:s10], $0xC800  }
0x260: {  	s0 =	sld [smem:$0x7EC]  }
0x261: {  	[sflag:s10] =	ssyncset.done $0x0  }
0x262: {  	s3 =	sld [smem:$0x7ED];
	[sflag:s10] =	ssyncadd.s32 $0xFFFF3800  }
0x263: {  	[hbm4b:s0+s11] =	stream.strided.scatter [tilespmem:s16], [sflag:$0x3], $0xC800, s13, s11, $0x38;
	[tilespmem:$0x19640] =	vst v63  }
0x264: {  	_ = 	snop  }
0x265: {  	[tilespmem:s5], [sflag:$0x4] =	stream.linear.gather [hbm4b:s3+s2], $0x640, $0x38;
	[tilespmem:$0x19640] =	vst v63  }
0x266: {  	_ =	swait.ge [sflag:s15], $0x640  }
0x267: {  	[sflag:s15] =	ssyncset.done $0x0  }
0x268: {  	[sflag:s15] =	ssyncadd.s32 $0xFFFFF9C0  }
0x269: {  	_ =	swait.ge [sflag:s12], $0xC800  }
0x26a: {  	s3 =	sld [smem:$0x7EE]  }
0x26b: {  	[sflag:s12] =	ssyncset.done $0x0  }
0x26c: {  	[sflag:s12] =	ssyncadd.s32 $0xFFFF3800  }
0x26d: {  	[tilespmem:s2], [sflag:$0x1] =	stream.indirect.gather [hbm4b:s3+s8], $0x20, s5, s8, $0xb8;
	[tilespmem:$0x19640] =	vst v63  }
0x26e: {  	_ =	swait.ge [sflag:s10], $0xC800  }
0x26f: {  	s0 =	sld [smem:$0x7EF]  }
0x270: {  	[sflag:s10] =	ssyncset.done $0x0  }
0x271: {  	s3 =	sld [smem:$0x7F0];
	[sflag:s10] =	ssyncadd.s32 $0xFFFF3800  }
0x272: {  	[hbm4b:s0+s11] =	stream.strided.scatter [tilespmem:s2], [sflag:$0x2], $0xC800, s13, s11, $0x38;
	[tilespmem:$0x19640] =	vst v63  }
0x273: {  	_ = 	snop  }
0x274: {  	[tilespmem:s5], [sflag:$0x4] =	stream.linear.gather [hbm4b:s3+s2], $0x640, $0x38;
	[tilespmem:$0x19640] =	vst v63  }
0x275: {  	_ =	swait.ge [sflag:s15], $0x640  }
0x276: {  	[sflag:s15] =	ssyncset.done $0x0  }
0x277: {  	[sflag:s15] =	ssyncadd.s32 $0xFFFFF9C0  }
0x278: {  	_ =	swait.ge [sflag:s6], $0xC800  }
0x279: {  	s3 =	sld [smem:$0x7F1]  }
0x27a: {  	[sflag:s6] =	ssyncset.done $0x0  }
0x27b: {  	[sflag:s6] =	ssyncadd.s32 $0xFFFF3800  }
0x27c: {  	[tilespmem:s16], [sflag:$0x1] =	stream.indirect.gather [hbm4b:s3+s8], $0x20, s5, s8, $0xb8;
	[tilespmem:$0x19640] =	vst v63  }
0x27d: {  	_ =	swait.ge [sflag:s10], $0xC800  }
0x27e: {  	s0 =	sld [smem:$0x7F2]  }
0x27f: {  	[sflag:s10] =	ssyncset.done $0x0  }
0x280: {  	s3 =	sld [smem:$0x7F3];
	[sflag:s10] =	ssyncadd.s32 $0xFFFF3800  }
0x281: {  	[hbm4b:s0+s11] =	stream.strided.scatter [tilespmem:s16], [sflag:$0x3], $0xC800, s13, s11, $0x38;
	[tilespmem:$0x19640] =	vst v63  }
0x282: {  	_ = 	snop  }
0x283: {  	[tilespmem:s5], [sflag:$0x4] =	stream.linear.gather [hbm4b:s3+s2], $0x640, $0x38;
	[tilespmem:$0x19640] =	vst v63  }
0x284: {  	_ =	swait.ge [sflag:s15], $0x640  }
0x285: {  	[sflag:s15] =	ssyncset.done $0x0  }
0x286: {  	[sflag:s15] =	ssyncadd.s32 $0xFFFFF9C0  }
0x287: {  	_ =	swait.ge [sflag:s12], $0xC800  }
0x288: {  	s3 =	sld [smem:$0x7F4]  }
0x289: {  	[sflag:s12] =	ssyncset.done $0x0  }
0x28a: {  	[sflag:s12] =	ssyncadd.s32 $0xFFFF3800  }
0x28b: {  	[tilespmem:s2], [sflag:$0x1] =	stream.indirect.gather [hbm4b:s3+s8], $0x20, s5, s8, $0xb8;
	[tilespmem:$0x19640] =	vst v63  }
0x28c: {  	_ =	swait.ge [sflag:s10], $0xC800  }
0x28d: {  	s0 =	sld [smem:$0x7F5]  }
0x28e: {  	[sflag:s10] =	ssyncset.done $0x0  }
0x28f: {  	s3 =	sld [smem:$0x7F6];
	[sflag:s10] =	ssyncadd.s32 $0xFFFF3800  }
0x290: {  	[hbm4b:s0+s11] =	stream.strided.scatter [tilespmem:s2], [sflag:$0x2], $0xC800, s13, s11, $0x38;
	[tilespmem:$0x19640] =	vst v63  }
0x291: {  	_ = 	snop  }
0x292: {  	[tilespmem:s5], [sflag:$0x4] =	stream.linear.gather [hbm4b:s3+s2], $0x640, $0x38;
	[tilespmem:$0x19640] =	vst v63  }
0x293: {  	_ =	swait.ge [sflag:s15], $0x640  }
0x294: {  	[sflag:s15] =	ssyncset.done $0x0  }
0x295: {  	[sflag:s15] =	ssyncadd.s32 $0xFFFFF9C0  }
0x296: {  	_ =	swait.ge [sflag:s6], $0xC800  }
0x297: {  	s3 =	sld [smem:$0x7F7]  }
0x298: {  	[sflag:s6] =	ssyncset.done $0x0  }
0x299: {  	[sflag:s6] =	ssyncadd.s32 $0xFFFF3800  }
0x29a: {  	[tilespmem:s16], [sflag:$0x1] =	stream.indirect.gather [hbm4b:s3+s8], $0x20, s5, s8, $0xb8;
	[tilespmem:$0x19640] =	vst v63  }
0x29b: {  	_ =	swait.ge [sflag:s10], $0xC800  }
0x29c: {  	s0 =	sld [smem:$0x7F8]  }
0x29d: {  	[sflag:s10] =	ssyncset.done $0x0  }
0x29e: {  	s3 =	sld [smem:$0x7F9];
	[sflag:s10] =	ssyncadd.s32 $0xFFFF3800  }
0x29f: {  	[hbm4b:s0+s11] =	stream.strided.scatter [tilespmem:s16], [sflag:$0x3], $0xC800, s13, s11, $0x38;
	[tilespmem:$0x19640] =	vst v63  }
0x2a0: {  	_ = 	snop  }
0x2a1: {  	[tilespmem:s5], [sflag:$0x4] =	stream.linear.gather [hbm4b:s3+s2], $0x640, $0x38;
	[tilespmem:$0x19640] =	vst v63  }
0x2a2: {  	_ =	swait.ge [sflag:s15], $0x640  }
0x2a3: {  	[sflag:s15] =	ssyncset.done $0x0  }
0x2a4: {  	[sflag:s15] =	ssyncadd.s32 $0xFFFFF9C0  }
0x2a5: {  	_ =	swait.ge [sflag:s12], $0xC800  }
0x2a6: {  	s3 =	sld [smem:$0x7FA]  }
0x2a7: {  	[sflag:s12] =	ssyncset.done $0x0  }
0x2a8: {  	[sflag:s12] =	ssyncadd.s32 $0xFFFF3800  }
0x2a9: {  	[tilespmem:s2], [sflag:$0x1] =	stream.indirect.gather [hbm4b:s3+s8], $0x20, s5, s8, $0xb8;
	[tilespmem:$0x19640] =	vst v63  }
0x2aa: {  	_ =	swait.ge [sflag:s10], $0xC800  }
0x2ab: {  	s0 =	sld [smem:$0x7FB]  }
0x2ac: {  	[sflag:s10] =	ssyncset.done $0x0  }
0x2ad: {  	s3 =	sld [smem:$0x7FC];
	[sflag:s10] =	ssyncadd.s32 $0xFFFF3800  }
0x2ae: {  	[hbm4b:s0+s11] =	stream.strided.scatter [tilespmem:s2], [sflag:$0x2], $0xC800, s13, s11, $0x38;
	[tilespmem:$0x19640] =	vst v63  }
0x2af: {  	_ = 	snop  }
0x2b0: {  	[tilespmem:s5], [sflag:$0x4] =	stream.linear.gather [hbm4b:s3+s2], $0x640, $0x38;
	[tilespmem:$0x19640] =	vst v63  }
0x2b1: {  	s3 =	smov.u32 s4;
	s4 =	smov.u32 s7  }
0x2b2: {  	s7 =	smov.u32 s9;
	s9 =	smov.u32 s14;
	s14 =	smov.u32 s17  }
0x2b3: {  	s17 =	smov.u32 s18;
	s18 =	smov.u32 s19;
	s19 =	smov.u32 s20  }
0x2b4: {  	s20 =	smov.u32 s21;
	s21 =	smov.u32 s22;
	s22 =	smov.u32 s23  }
0x2b5: {  	s23 =	smov.u32 s24;
	s24 =	smov.u32 s25;
	s25 =	smov.u32 s26  }
0x2b6: {  	s26 =	smov.u32 s28;
	s28 =	smov.u32 s29;
	s29 =	smov.u32 s30  }
0x2b7: {  	s30 =	smov.u32 s31;
	s31 =	sld [smem:$0x7E0];
	_ =	swait.ge [sflag:s15], $0x640  }
0x2b8: {  	[sflag:s15] =	ssyncset.done $0x0  }
0x2b9: {  	[sflag:s15] =	ssyncadd.s32 $0xFFFFF9C0  }
0x2ba: {  	_ =	swait.ge [sflag:s6], $0xC800  }
0x2bb: {  	s0 =	sld [smem:$0x7FD]  }
0x2bc: {  	[sflag:s6] =	ssyncset.done $0x0  }
0x2bd: {  	[sflag:s6] =	ssyncadd.s32 $0xFFFF3800  }
0x2be: {  	[tilespmem:s16], [sflag:$0x1] =	stream.indirect.gather [hbm4b:s0+s8], $0x20, s5, s8, $0xb8;
	[tilespmem:$0x19640] =	vst v63  }
0x2bf: {  	_ =	swait.ge [sflag:s10], $0xC800  }
0x2c0: {  	[sflag:s10] =	ssyncset.done $0x0  }
0x2c1: {  	[sflag:s10] =	ssyncadd.s32 $0xFFFF3800  }
0x2c2: {  	[hbm4b:s30+s11] =	stream.strided.scatter [tilespmem:s16], [sflag:$0x3], $0xC800, s13, s11, $0x38;
	[tilespmem:$0x19640] =	vst v63  }
0x2c3: {  	_ = 	snop  }
0x2c4: {  	[tilespmem:s5], [sflag:$0x4] =	stream.linear.gather [hbm4b:s31+s2], $0x640, $0x38;
	[tilespmem:$0x19640] =	vst v63  }
0x2c5: {  	_ =	swait.ge [sflag:s15], $0x640  }
0x2c6: {  	[sflag:s15] =	ssyncset.done $0x0  }
0x2c7: {  	[sflag:s15] =	ssyncadd.s32 $0xFFFFF9C0  }
0x2c8: {  	_ =	swait.ge [sflag:s12], $0xC800  }
0x2c9: {  	[sflag:s12] =	ssyncset.done $0x0  }
0x2ca: {  	[sflag:s12] =	ssyncadd.s32 $0xFFFF3800  }
0x2cb: {  	[tilespmem:s2], [sflag:$0x1] =	stream.indirect.gather [hbm4b:s29+s8], $0x20, s5, s8, $0xb8;
	[tilespmem:$0x19640] =	vst v63  }
0x2cc: {  	_ =	swait.ge [sflag:s10], $0xC800  }
0x2cd: {  	[sflag:s10] =	ssyncset.done $0x0  }
0x2ce: {  	[sflag:s10] =	ssyncadd.s32 $0xFFFF3800  }
0x2cf: {  	[hbm4b:s26+s11] =	stream.strided.scatter [tilespmem:s2], [sflag:$0x2], $0xC800, s13, s11, $0x38;
	[tilespmem:$0x19640] =	vst v63  }
0x2d0: {  	_ = 	snop  }
0x2d1: {  	[tilespmem:s5], [sflag:$0x4] =	stream.linear.gather [hbm4b:s28+s2], $0x640, $0x38;
	[tilespmem:$0x19640] =	vst v63  }
0x2d2: {  	_ =	swait.ge [sflag:s15], $0x640  }
0x2d3: {  	[sflag:s15] =	ssyncset.done $0x0  }
0x2d4: {  	[sflag:s15] =	ssyncadd.s32 $0xFFFFF9C0  }
0x2d5: {  	_ =	swait.ge [sflag:s6], $0xC800  }
0x2d6: {  	[sflag:s6] =	ssyncset.done $0x0  }
0x2d7: {  	[sflag:s6] =	ssyncadd.s32 $0xFFFF3800  }
0x2d8: {  	[tilespmem:s16], [sflag:$0x1] =	stream.indirect.gather [hbm4b:s25+s8], $0x20, s5, s8, $0xb8;
	[tilespmem:$0x19640] =	vst v63  }
0x2d9: {  	_ =	swait.ge [sflag:s10], $0xC800  }
0x2da: {  	[sflag:s10] =	ssyncset.done $0x0  }
0x2db: {  	[sflag:s10] =	ssyncadd.s32 $0xFFFF3800  }
0x2dc: {  	[hbm4b:s23+s11] =	stream.strided.scatter [tilespmem:s16], [sflag:$0x3], $0xC800, s13, s11, $0x38;
	[tilespmem:$0x19640] =	vst v63  }
0x2dd: {  	_ = 	snop  }
0x2de: {  	[tilespmem:s5], [sflag:$0x4] =	stream.linear.gather [hbm4b:s24+s2], $0x640, $0x38;
	[tilespmem:$0x19640] =	vst v63  }
0x2df: {  	_ =	swait.ge [sflag:s15], $0x640  }
0x2e0: {  	[sflag:s15] =	ssyncset.done $0x0  }
0x2e1: {  	[sflag:s15] =	ssyncadd.s32 $0xFFFFF9C0  }
0x2e2: {  	_ =	swait.ge [sflag:s12], $0xC800  }
0x2e3: {  	[sflag:s12] =	ssyncset.done $0x0  }
0x2e4: {  	[sflag:s12] =	ssyncadd.s32 $0xFFFF3800  }
0x2e5: {  	[tilespmem:s2], [sflag:$0x1] =	stream.indirect.gather [hbm4b:s22+s8], $0x20, s5, s8, $0xb8;
	[tilespmem:$0x19640] =	vst v63  }
0x2e6: {  	_ =	swait.ge [sflag:s10], $0xC800  }
0x2e7: {  	[sflag:s10] =	ssyncset.done $0x0  }
0x2e8: {  	[sflag:s10] =	ssyncadd.s32 $0xFFFF3800  }
0x2e9: {  	[hbm4b:s20+s11] =	stream.strided.scatter [tilespmem:s2], [sflag:$0x2], $0xC800, s13, s11, $0x38;
	[tilespmem:$0x19640] =	vst v63  }
0x2ea: {  	_ = 	snop  }
0x2eb: {  	[tilespmem:s5], [sflag:$0x4] =	stream.linear.gather [hbm4b:s21+s2], $0x640, $0x38;
	[tilespmem:$0x19640] =	vst v63  }
0x2ec: {  	_ =	swait.ge [sflag:s15], $0x640  }
0x2ed: {  	[sflag:s15] =	ssyncset.done $0x0  }
0x2ee: {  	[sflag:s15] =	ssyncadd.s32 $0xFFFFF9C0  }
0x2ef: {  	_ =	swait.ge [sflag:s6], $0xC800  }
0x2f0: {  	[sflag:s6] =	ssyncset.done $0x0  }
0x2f1: {  	[sflag:s6] =	ssyncadd.s32 $0xFFFF3800  }
0x2f2: {  	[tilespmem:s16], [sflag:$0x1] =	stream.indirect.gather [hbm4b:s18+s8], $0x20, s5, s8, $0xb8;
	[tilespmem:$0x19640] =	vst v63  }
0x2f3: {  	_ =	swait.ge [sflag:s10], $0xC800  }
0x2f4: {  	[sflag:s10] =	ssyncset.done $0x0  }
0x2f5: {  	[sflag:s10] =	ssyncadd.s32 $0xFFFF3800  }
0x2f6: {  	[hbm4b:s17+s11] =	stream.strided.scatter [tilespmem:s16], [sflag:$0x3], $0xC800, s13, s11, $0x38;
	[tilespmem:$0x19640] =	vst v63  }
0x2f7: {  	_ = 	snop  }
0x2f8: {  	[tilespmem:s5], [sflag:$0x4] =	stream.linear.gather [hbm4b:s19+s2], $0x640, $0x38;
	[tilespmem:$0x19640] =	vst v63  }
0x2f9: {  	_ =	swait.ge [sflag:s15], $0x640  }
0x2fa: {  	[sflag:s15] =	ssyncset.done $0x0  }
0x2fb: {  	[sflag:s15] =	ssyncadd.s32 $0xFFFFF9C0  }
0x2fc: {  	_ =	swait.ge [sflag:s12], $0xC800  }
0x2fd: {  	[sflag:s12] =	ssyncset.done $0x0  }
0x2fe: {  	[sflag:s12] =	ssyncadd.s32 $0xFFFF3800  }
0x2ff: {  	[tilespmem:s2], [sflag:$0x1] =	stream.indirect.gather [hbm4b:s14+s8], $0x20, s5, s8, $0xb8;
	[tilespmem:$0x19640] =	vst v63  }
0x300: {  	_ =	swait.ge [sflag:s10], $0xC800  }
0x301: {  	[sflag:s10] =	ssyncset.done $0x0  }
0x302: {  	[sflag:s10] =	ssyncadd.s32 $0xFFFF3800  }
0x303: {  	[hbm4b:s7+s11] =	stream.strided.scatter [tilespmem:s2], [sflag:$0x2], $0xC800, s13, s11, $0x38;
	[tilespmem:$0x19640] =	vst v63  }
0x304: {  	_ = 	snop  }
0x305: {  	[tilespmem:s5], [sflag:$0x4] =	stream.linear.gather [hbm4b:s9+s2], $0x640, $0x38;
	[tilespmem:$0x19640] =	vst v63  }
0x306: {  	_ =	swait.ge [sflag:s15], $0x640  }
0x307: {  	[sflag:s15] =	ssyncset.done $0x0  }
0x308: {  	[sflag:s15] =	ssyncadd.s32 $0xFFFFF9C0  }
0x309: {  	_ =	swait.ge [sflag:s6], $0xC800  }
0x30a: {  	[sflag:s6] =	ssyncset.done $0x0  }
0x30b: {  	[sflag:s6] =	ssyncadd.s32 $0xFFFF3800  }
0x30c: {  	[tilespmem:s16], [sflag:$0x1] =	stream.indirect.gather [hbm4b:s4+s8], $0x20, s5, s8, $0xb8;
	[tilespmem:$0x19640] =	vst v63  }
0x30d: {  	_ =	swait.ge [sflag:s10], $0xC800  }
0x30e: {  	[sflag:s10] =	ssyncset.done $0x0  }
0x30f: {  	p1 =	sne.s32 s1, $0x1;
	[sflag:s10] =	ssyncadd.s32 $0xFFFF3800  }
0x310: {  	[hbm4b:s3+s11] =	stream.strided.scatter [tilespmem:s16], [sflag:$0x3], $0xC800, s13, s11, $0x38;
	[tilespmem:$0x19640] =	vst v63  }
.Ltmp2:
0x311: {  	_ =	swait.ge [sflag:s12], $0xC800;
	(pc) =	sbr.rel @p1 .LBB2_2-.Ltmp2, $4  }
0x312: {  	[sflag:s12] =	ssyncset.done $0x0  }
0x313: {  	[sflag:s12] =	ssyncadd.s32 $0xFFFF3800  }
0x314: {  	_ =	swait.ge [sflag:s6], $0xC800  }
0x315: {  	s1 =	sadd.s32 $0xFFFFFFFF, s1;
	s0 =	rddreg [dreg:$0x3];
	[sflag:s6] =	ssyncset.done $0x0  }
.LBB2_3:
0x316: {  	[sflag:s6] =	ssyncadd.s32 @p0 $0xFFFF3800  }
0x317: {  	[tilespmem:s5], [sflag:$0x4] =	stream.linear.gather [hbm4b:s0+s2], $0x640, $0x38;
	[tilespmem:$0x19640] =	vst v63  }
0x318: {  	_ =	swait.ge [sflag:s15], $0x640  }
0x319: {  	[sflag:s15] =	ssyncset.done $0x0  }
0x31a: {  	s1 =	rddreg [dreg:$0x2];
	[sflag:s15] =	ssyncadd.s32 $0xFFFFF9C0  }
0x31b: {  	[tilespmem:s2], [sflag:$0x1] =	stream.indirect.gather [hbm4b:s1+s8], $0x20, s5, s8, $0xb8;
	[tilespmem:$0x19640] =	vst v63  }
0x31c: {  	_ =	swait.ge [sflag:s10], $0xC800  }
0x31d: {  	[sflag:s10] =	ssyncset.done $0x0  }
0x31e: {  	s0 =	rddreg [dreg:$0x4];
	[sflag:s10] =	ssyncadd.s32 $0xFFFF3800  }
0x31f: {  	[hbm4b:s0+s11] =	stream.strided.scatter [tilespmem:s2], [sflag:$0x2], $0xC800, s13, s11, $0x38;
	[tilespmem:$0x19640] =	vst v63  }
0x320: {  	s1 =	rddreg [dreg:$0x5]  }
0x321: {  	[tilespmem:s5], [sflag:$0x4] =	stream.linear.gather [hbm4b:s1+s2], $0x640, $0x38;
	[tilespmem:$0x19640] =	vst v63  }
0x322: {  	_ =	swait.ge [sflag:s15], $0x640  }
0x323: {  	[sflag:s15] =	ssyncset.done $0x0  }
0x324: {  	s1 =	rddreg [dreg:$0x6];
	[sflag:s15] =	ssyncadd.s32 $0xFFFFF9C0  }
0x325: {  	[tilespmem:s16], [sflag:$0x1] =	stream.indirect.gather [hbm4b:s1+s8], $0x20, s5, s8, $0xb8;
	[tilespmem:$0x19640] =	vst v63  }
0x326: {  	_ =	swait.ge [sflag:s10], $0xC800  }
0x327: {  	[sflag:s10] =	ssyncset.done $0x0  }
0x328: {  	s0 =	rddreg [dreg:$0x7];
	[sflag:s10] =	ssyncadd.s32 $0xFFFF3800  }
0x329: {  	[hbm4b:s0+s11] =	stream.strided.scatter [tilespmem:s16], [sflag:$0x3], $0xC800, s13, s11, $0x38;
	[tilespmem:$0x19640] =	vst v63  }
0x32a: {  	s1 =	rddreg [dreg:$0x8]  }
0x32b: {  	[tilespmem:s5], [sflag:$0x4] =	stream.linear.gather [hbm4b:s1+s2], $0x640, $0x38;
	[tilespmem:$0x19640] =	vst v63  }
0x32c: {  	_ =	swait.ge [sflag:s15], $0x640  }
0x32d: {  	[sflag:s15] =	ssyncset.done $0x0  }
0x32e: {  	[sflag:s15] =	ssyncadd.s32 $0xFFFFF9C0  }
0x32f: {  	_ =	swait.ge [sflag:s12], $0xC800  }
0x330: {  	[sflag:s12] =	ssyncset.done $0x0  }
0x331: {  	s1 =	rddreg [dreg:$0x9];
	[sflag:s12] =	ssyncadd.s32 $0xFFFF3800  }
0x332: {  	[tilespmem:s2], [sflag:$0x1] =	stream.indirect.gather [hbm4b:s1+s8], $0x20, s5, s8, $0xb8;
	[tilespmem:$0x19640] =	vst v63  }
0x333: {  	_ =	swait.ge [sflag:s10], $0xC800  }
0x334: {  	[sflag:s10] =	ssyncset.done $0x0  }
0x335: {  	s0 =	rddreg [dreg:$0xa];
	[sflag:s10] =	ssyncadd.s32 $0xFFFF3800  }
0x336: {  	[hbm4b:s0+s11] =	stream.strided.scatter [tilespmem:s2], [sflag:$0x2], $0xC800, s13, s11, $0x38;
	[tilespmem:$0x19640] =	vst v63  }
0x337: {  	s1 =	rddreg [dreg:$0xb]  }
0x338: {  	[tilespmem:s5], [sflag:$0x4] =	stream.linear.gather [hbm4b:s1+s2], $0x640, $0x38;
	[tilespmem:$0x19640] =	vst v63  }
0x339: {  	_ =	swait.ge [sflag:s15], $0x640  }
0x33a: {  	[sflag:s15] =	ssyncset.done $0x0  }
0x33b: {  	[sflag:s15] =	ssyncadd.s32 $0xFFFFF9C0  }
0x33c: {  	_ =	swait.ge [sflag:s6], $0xC800  }
0x33d: {  	[sflag:s6] =	ssyncset.done $0x0  }
0x33e: {  	s1 =	rddreg [dreg:$0xc];
	[sflag:s6] =	ssyncadd.s32 $0xFFFF3800  }
0x33f: {  	[tilespmem:s16], [sflag:$0x1] =	stream.indirect.gather [hbm4b:s1+s8], $0x20, s5, s8, $0xb8;
	[tilespmem:$0x19640] =	vst v63  }
0x340: {  	_ =	swait.ge [sflag:s10], $0xC800  }
0x341: {  	[sflag:s10] =	ssyncset.done $0x0  }
0x342: {  	s0 =	rddreg [dreg:$0xd];
	[sflag:s10] =	ssyncadd.s32 $0xFFFF3800  }
0x343: {  	[hbm4b:s0+s11] =	stream.strided.scatter [tilespmem:s16], [sflag:$0x3], $0xC800, s13, s11, $0x38;
	[tilespmem:$0x19640] =	vst v63  }
0x344: {  	s1 =	rddreg [dreg:$0xe]  }
0x345: {  	[tilespmem:s5], [sflag:$0x4] =	stream.linear.gather [hbm4b:s1+s2], $0x640, $0x38;
	[tilespmem:$0x19640] =	vst v63  }
0x346: {  	_ =	swait.ge [sflag:s15], $0x640  }
0x347: {  	[sflag:s15] =	ssyncset.done $0x0  }
0x348: {  	[sflag:s15] =	ssyncadd.s32 $0xFFFFF9C0  }
0x349: {  	_ =	swait.ge [sflag:s12], $0xC800  }
0x34a: {  	[sflag:s12] =	ssyncset.done $0x0  }
0x34b: {  	s1 =	rddreg [dreg:$0xf];
	[sflag:s12] =	ssyncadd.s32 $0xFFFF3800  }
0x34c: {  	[tilespmem:s2], [sflag:$0x1] =	stream.indirect.gather [hbm4b:s1+s8], $0x20, s5, s8, $0xb8;
	[tilespmem:$0x19640] =	vst v63  }
0x34d: {  	_ =	swait.ge [sflag:s10], $0xC800  }
0x34e: {  	[sflag:s10] =	ssyncset.done $0x0  }
0x34f: {  	s0 =	rddreg [dreg:$0x10];
	[sflag:s10] =	ssyncadd.s32 $0xFFFF3800  }
0x350: {  	[hbm4b:s0+s11] =	stream.strided.scatter [tilespmem:s2], [sflag:$0x2], $0xC800, s13, s11, $0x38;
	[tilespmem:$0x19640] =	vst v63  }
0x351: {  	s1 =	rddreg [dreg:$0x11]  }
0x352: {  	[tilespmem:s5], [sflag:$0x4] =	stream.linear.gather [hbm4b:s1+s2], $0x640, $0x38;
	[tilespmem:$0x19640] =	vst v63  }
0x353: {  	_ =	swait.ge [sflag:s15], $0x640  }
0x354: {  	[sflag:s15] =	ssyncset.done $0x0  }
0x355: {  	[sflag:s15] =	ssyncadd.s32 $0xFFFFF9C0  }
0x356: {  	_ =	swait.ge [sflag:s6], $0xC800  }
0x357: {  	[sflag:s6] =	ssyncset.done $0x0  }
0x358: {  	s1 =	rddreg [dreg:$0x12];
	[sflag:s6] =	ssyncadd.s32 $0xFFFF3800  }
0x359: {  	[tilespmem:s16], [sflag:$0x1] =	stream.indirect.gather [hbm4b:s1+s8], $0x20, s5, s8, $0xb8;
	[tilespmem:$0x19640] =	vst v63  }
0x35a: {  	_ =	swait.ge [sflag:s10], $0xC800  }
0x35b: {  	[sflag:s10] =	ssyncset.done $0x0  }
0x35c: {  	s0 =	rddreg [dreg:$0x13];
	[sflag:s10] =	ssyncadd.s32 $0xFFFF3800  }
0x35d: {  	[hbm4b:s0+s11] =	stream.strided.scatter [tilespmem:s16], [sflag:$0x3], $0xC800, s13, s11, $0x38;
	[tilespmem:$0x19640] =	vst v63  }
0x35e: {  	s1 =	rddreg [dreg:$0x14]  }
0x35f: {  	[tilespmem:s5], [sflag:$0x4] =	stream.linear.gather [hbm4b:s1+s2], $0x640, $0x38;
	[tilespmem:$0x19640] =	vst v63  }
0x360: {  	_ =	swait.ge [sflag:s15], $0x640  }
0x361: {  	[sflag:s15] =	ssyncset.done $0x0  }
0x362: {  	[sflag:s15] =	ssyncadd.s32 $0xFFFFF9C0  }
0x363: {  	_ =	swait.ge [sflag:s12], $0xC800  }
0x364: {  	[sflag:s12] =	ssyncset.done $0x0  }
0x365: {  	s1 =	rddreg [dreg:$0x15];
	[sflag:s12] =	ssyncadd.s32 $0xFFFF3800  }
0x366: {  	[tilespmem:s2], [sflag:$0x1] =	stream.indirect.gather [hbm4b:s1+s8], $0x20, s5, s8, $0xb8;
	[tilespmem:$0x19640] =	vst v63  }
0x367: {  	_ =	swait.ge [sflag:s10], $0xC800  }
0x368: {  	[sflag:s10] =	ssyncset.done $0x0  }
0x369: {  	s0 =	rddreg [dreg:$0x16];
	[sflag:s10] =	ssyncadd.s32 $0xFFFF3800  }
0x36a: {  	[hbm4b:s0+s11] =	stream.strided.scatter [tilespmem:s2], [sflag:$0x2], $0xC800, s13, s11, $0x38;
	[tilespmem:$0x19640] =	vst v63  }
0x36b: {  	s1 =	rddreg [dreg:$0x17]  }
0x36c: {  	[tilespmem:s5], [sflag:$0x4] =	stream.linear.gather [hbm4b:s1+s2], $0x640, $0x38;
	[tilespmem:$0x19640] =	vst v63  }
0x36d: {  	_ =	swait.ge [sflag:s15], $0x640  }
0x36e: {  	[sflag:s15] =	ssyncset.done $0x0  }
0x36f: {  	[sflag:s15] =	ssyncadd.s32 $0xFFFFF9C0  }
0x370: {  	_ =	swait.ge [sflag:s6], $0xC800  }
0x371: {  	[sflag:s6] =	ssyncset.done $0x0  }
0x372: {  	s1 =	rddreg [dreg:$0x18];
	[sflag:s6] =	ssyncadd.s32 $0xFFFF3800  }
0x373: {  	[tilespmem:s16], [sflag:$0x1] =	stream.indirect.gather [hbm4b:s1+s8], $0x20, s5, s8, $0xb8;
	[tilespmem:$0x19640] =	vst v63  }
0x374: {  	_ =	swait.ge [sflag:s10], $0xC800  }
0x375: {  	[sflag:s10] =	ssyncset.done $0x0  }
0x376: {  	s0 =	rddreg [dreg:$0x19];
	[sflag:s10] =	ssyncadd.s32 $0xFFFF3800  }
0x377: {  	[hbm4b:s0+s11] =	stream.strided.scatter [tilespmem:s16], [sflag:$0x3], $0xC800, s13, s11, $0x38;
	[tilespmem:$0x19640] =	vst v63  }
0x378: {  	s1 =	rddreg [dreg:$0x1a]  }
0x379: {  	[tilespmem:s5], [sflag:$0x4] =	stream.linear.gather [hbm4b:s1+s2], $0x640, $0x38;
	[tilespmem:$0x19640] =	vst v63  }
0x37a: {  	_ =	swait.ge [sflag:s15], $0x640  }
0x37b: {  	[sflag:s15] =	ssyncset.done $0x0  }
0x37c: {  	[sflag:s15] =	ssyncadd.s32 $0xFFFFF9C0  }
0x37d: {  	_ =	swait.ge [sflag:s12], $0xC800  }
0x37e: {  	[sflag:s12] =	ssyncset.done $0x0  }
0x37f: {  	s1 =	rddreg [dreg:$0x1b];
	[sflag:s12] =	ssyncadd.s32 $0xFFFF3800  }
0x380: {  	[tilespmem:s2], [sflag:$0x1] =	stream.indirect.gather [hbm4b:s1+s8], $0x20, s5, s8, $0xb8;
	[tilespmem:$0x19640] =	vst v63  }
0x381: {  	_ =	swait.ge [sflag:s10], $0xC800  }
0x382: {  	[sflag:s10] =	ssyncset.done $0x0  }
0x383: {  	s0 =	rddreg [dreg:$0x1c];
	[sflag:s10] =	ssyncadd.s32 $0xFFFF3800  }
0x384: {  	[hbm4b:s0+s11] =	stream.strided.scatter [tilespmem:s2], [sflag:$0x2], $0xC800, s13, s11, $0x38;
	[tilespmem:$0x19640] =	vst v63  }
0x385: {  	s1 =	rddreg [dreg:$0x1d]  }
0x386: {  	[tilespmem:s5], [sflag:$0x4] =	stream.linear.gather [hbm4b:s1+s2], $0x640, $0x38;
	[tilespmem:$0x19640] =	vst v63  }
0x387: {  	_ =	swait.ge [sflag:s15], $0x640  }
0x388: {  	[sflag:s15] =	ssyncset.done $0x0  }
0x389: {  	[sflag:s15] =	ssyncadd.s32 $0xFFFFF9C0  }
0x38a: {  	_ =	swait.ge [sflag:s6], $0xC800  }
0x38b: {  	[sflag:s6] =	ssyncset.done $0x0  }
0x38c: {  	s1 =	rddreg [dreg:$0x1e];
	[sflag:s6] =	ssyncadd.s32 $0xFFFF3800  }
0x38d: {  	[tilespmem:s16], [sflag:$0x1] =	stream.indirect.gather [hbm4b:s1+s8], $0x20, s5, s8, $0xb8;
	[tilespmem:$0x19640] =	vst v63  }
0x38e: {  	_ =	swait.ge [sflag:s10], $0xC800  }
0x38f: {  	s0 =	rddreg [dreg:$0x1f];
	[sflag:s10] =	ssyncset.done $0x0  }
0x390: {  	s1 =	sld [smem:$0x7E1];
	[sflag:s10] =	ssyncadd.s32 $0xFFFF3800  }
0x391: {  	[hbm4b:s0+s11] =	stream.strided.scatter [tilespmem:s16], [sflag:$0x3], $0xC800, s13, s11, $0x38;
	[tilespmem:$0x19640] =	vst v63  }
0x392: {  	_ = 	snop  }
0x393: {  	[tilespmem:s5], [sflag:$0x4] =	stream.linear.gather [hbm4b:s1+s2], $0x640, $0x38;
	[tilespmem:$0x19640] =	vst v63  }
0x394: {  	_ =	swait.ge [sflag:s15], $0x640  }
0x395: {  	[sflag:s15] =	ssyncset.done $0x0  }
0x396: {  	[sflag:s15] =	ssyncadd.s32 $0xFFFFF9C0  }
0x397: {  	_ =	swait.ge [sflag:s12], $0xC800  }
0x398: {  	s1 =	sld [smem:$0x7E2]  }
0x399: {  	[sflag:s12] =	ssyncset.done $0x0  }
0x39a: {  	[sflag:s12] =	ssyncadd.s32 $0xFFFF3800  }
0x39b: {  	[tilespmem:s2], [sflag:$0x1] =	stream.indirect.gather [hbm4b:s1+s8], $0x20, s5, s8, $0xb8;
	[tilespmem:$0x19640] =	vst v63  }
0x39c: {  	_ =	swait.ge [sflag:s10], $0xC800  }
0x39d: {  	s0 =	sld [smem:$0x7E3]  }
0x39e: {  	[sflag:s10] =	ssyncset.done $0x0  }
0x39f: {  	s1 =	sld [smem:$0x7E4];
	[sflag:s10] =	ssyncadd.s32 $0xFFFF3800  }
0x3a0: {  	[hbm4b:s0+s11] =	stream.strided.scatter [tilespmem:s2], [sflag:$0x2], $0xC800, s13, s11, $0x38;
	[tilespmem:$0x19640] =	vst v63  }
0x3a1: {  	_ = 	snop  }
0x3a2: {  	[tilespmem:s5], [sflag:$0x4] =	stream.linear.gather [hbm4b:s1+s2], $0x640, $0x38;
	[tilespmem:$0x19640] =	vst v63  }
0x3a3: {  	_ =	swait.ge [sflag:s15], $0x640  }
0x3a4: {  	[sflag:s15] =	ssyncset.done $0x0  }
0x3a5: {  	[sflag:s15] =	ssyncadd.s32 $0xFFFFF9C0  }
0x3a6: {  	_ =	swait.ge [sflag:s6], $0xC800  }
0x3a7: {  	s1 =	sld [smem:$0x7E5]  }
0x3a8: {  	[sflag:s6] =	ssyncset.done $0x0  }
0x3a9: {  	[sflag:s6] =	ssyncadd.s32 $0xFFFF3800  }
0x3aa: {  	[tilespmem:s16], [sflag:$0x1] =	stream.indirect.gather [hbm4b:s1+s8], $0x20, s5, s8, $0xb8;
	[tilespmem:$0x19640] =	vst v63  }
0x3ab: {  	_ =	swait.ge [sflag:s10], $0xC800  }
0x3ac: {  	s0 =	sld [smem:$0x7E6]  }
0x3ad: {  	[sflag:s10] =	ssyncset.done $0x0  }
0x3ae: {  	s1 =	sld [smem:$0x7E7];
	[sflag:s10] =	ssyncadd.s32 $0xFFFF3800  }
0x3af: {  	[hbm4b:s0+s11] =	stream.strided.scatter [tilespmem:s16], [sflag:$0x3], $0xC800, s13, s11, $0x38;
	[tilespmem:$0x19640] =	vst v63  }
0x3b0: {  	_ = 	snop  }
0x3b1: {  	[tilespmem:s5], [sflag:$0x4] =	stream.linear.gather [hbm4b:s1+s2], $0x640, $0x38;
	[tilespmem:$0x19640] =	vst v63  }
0x3b2: {  	_ =	swait.ge [sflag:s15], $0x640  }
0x3b3: {  	[sflag:s15] =	ssyncset.done $0x0  }
0x3b4: {  	[sflag:s15] =	ssyncadd.s32 $0xFFFFF9C0  }
0x3b5: {  	_ =	swait.ge [sflag:s12], $0xC800  }
0x3b6: {  	s1 =	sld [smem:$0x7E8]  }
0x3b7: {  	[sflag:s12] =	ssyncset.done $0x0  }
0x3b8: {  	[sflag:s12] =	ssyncadd.s32 $0xFFFF3800  }
0x3b9: {  	[tilespmem:s2], [sflag:$0x1] =	stream.indirect.gather [hbm4b:s1+s8], $0x20, s5, s8, $0xb8;
	[tilespmem:$0x19640] =	vst v63  }
0x3ba: {  	_ =	swait.ge [sflag:s10], $0xC800  }
0x3bb: {  	s0 =	sld [smem:$0x7E9]  }
0x3bc: {  	[sflag:s10] =	ssyncset.done $0x0  }
0x3bd: {  	s1 =	sld [smem:$0x7EA];
	[sflag:s10] =	ssyncadd.s32 $0xFFFF3800  }
0x3be: {  	[hbm4b:s0+s11] =	stream.strided.scatter [tilespmem:s2], [sflag:$0x2], $0xC800, s13, s11, $0x38;
	[tilespmem:$0x19640] =	vst v63  }
0x3bf: {  	_ = 	snop  }
0x3c0: {  	[tilespmem:s5], [sflag:$0x4] =	stream.linear.gather [hbm4b:s1+s2], $0x640, $0x38;
	[tilespmem:$0x19640] =	vst v63  }
0x3c1: {  	_ =	swait.ge [sflag:s15], $0x640  }
0x3c2: {  	[sflag:s15] =	ssyncset.done $0x0  }
0x3c3: {  	[sflag:s15] =	ssyncadd.s32 $0xFFFFF9C0  }
0x3c4: {  	_ =	swait.ge [sflag:s6], $0xC800  }
0x3c5: {  	s1 =	sld [smem:$0x7EB]  }
0x3c6: {  	[sflag:s6] =	ssyncset.done $0x0  }
0x3c7: {  	[sflag:s6] =	ssyncadd.s32 $0xFFFF3800  }
0x3c8: {  	[tilespmem:s16], [sflag:$0x1] =	stream.indirect.gather [hbm4b:s1+s8], $0x20, s5, s8, $0xb8;
	[tilespmem:$0x19640] =	vst v63  }
0x3c9: {  	_ =	swait.ge [sflag:s10], $0xC800  }
0x3ca: {  	s0 =	sld [smem:$0x7EC]  }
0x3cb: {  	[sflag:s10] =	ssyncset.done $0x0  }
0x3cc: {  	s1 =	sld [smem:$0x7ED];
	[sflag:s10] =	ssyncadd.s32 $0xFFFF3800  }
0x3cd: {  	[hbm4b:s0+s11] =	stream.strided.scatter [tilespmem:s16], [sflag:$0x3], $0xC800, s13, s11, $0x38;
	[tilespmem:$0x19640] =	vst v63  }
0x3ce: {  	_ = 	snop  }
0x3cf: {  	[tilespmem:s5], [sflag:$0x4] =	stream.linear.gather [hbm4b:s1+s2], $0x640, $0x38;
	[tilespmem:$0x19640] =	vst v63  }
0x3d0: {  	_ =	swait.ge [sflag:s15], $0x640  }
0x3d1: {  	[sflag:s15] =	ssyncset.done $0x0  }
0x3d2: {  	[sflag:s15] =	ssyncadd.s32 $0xFFFFF9C0  }
0x3d3: {  	_ =	swait.ge [sflag:s12], $0xC800  }
0x3d4: {  	s1 =	sld [smem:$0x7EE]  }
0x3d5: {  	[sflag:s12] =	ssyncset.done $0x0  }
0x3d6: {  	[sflag:s12] =	ssyncadd.s32 $0xFFFF3800  }
0x3d7: {  	[tilespmem:s2], [sflag:$0x1] =	stream.indirect.gather [hbm4b:s1+s8], $0x20, s5, s8, $0xb8;
	[tilespmem:$0x19640] =	vst v63  }
0x3d8: {  	_ =	swait.ge [sflag:s10], $0xC800  }
0x3d9: {  	s0 =	sld [smem:$0x7EF]  }
0x3da: {  	[sflag:s10] =	ssyncset.done $0x0  }
0x3db: {  	s1 =	sld [smem:$0x7F0];
	[sflag:s10] =	ssyncadd.s32 $0xFFFF3800  }
0x3dc: {  	[hbm4b:s0+s11] =	stream.strided.scatter [tilespmem:s2], [sflag:$0x2], $0xC800, s13, s11, $0x38;
	[tilespmem:$0x19640] =	vst v63  }
0x3dd: {  	_ = 	snop  }
0x3de: {  	[tilespmem:s5], [sflag:$0x4] =	stream.linear.gather [hbm4b:s1+s2], $0x640, $0x38;
	[tilespmem:$0x19640] =	vst v63  }
0x3df: {  	_ =	swait.ge [sflag:s15], $0x640  }
0x3e0: {  	[sflag:s15] =	ssyncset.done $0x0  }
0x3e1: {  	[sflag:s15] =	ssyncadd.s32 $0xFFFFF9C0  }
0x3e2: {  	_ =	swait.ge [sflag:s6], $0xC800  }
0x3e3: {  	s1 =	sld [smem:$0x7F1]  }
0x3e4: {  	[sflag:s6] =	ssyncset.done $0x0  }
0x3e5: {  	[sflag:s6] =	ssyncadd.s32 $0xFFFF3800  }
0x3e6: {  	[tilespmem:s16], [sflag:$0x1] =	stream.indirect.gather [hbm4b:s1+s8], $0x20, s5, s8, $0xb8;
	[tilespmem:$0x19640] =	vst v63  }
0x3e7: {  	_ =	swait.ge [sflag:s10], $0xC800  }
0x3e8: {  	s0 =	sld [smem:$0x7F2]  }
0x3e9: {  	[sflag:s10] =	ssyncset.done $0x0  }
0x3ea: {  	s1 =	sld [smem:$0x7F3];
	[sflag:s10] =	ssyncadd.s32 $0xFFFF3800  }
0x3eb: {  	[hbm4b:s0+s11] =	stream.strided.scatter [tilespmem:s16], [sflag:$0x3], $0xC800, s13, s11, $0x38;
	[tilespmem:$0x19640] =	vst v63  }
0x3ec: {  	_ = 	snop  }
0x3ed: {  	[tilespmem:s5], [sflag:$0x4] =	stream.linear.gather [hbm4b:s1+s2], $0x640, $0x38;
	[tilespmem:$0x19640] =	vst v63  }
0x3ee: {  	_ =	swait.ge [sflag:s15], $0x640  }
0x3ef: {  	[sflag:s15] =	ssyncset.done $0x0  }
0x3f0: {  	[sflag:s15] =	ssyncadd.s32 $0xFFFFF9C0  }
0x3f1: {  	_ =	swait.ge [sflag:s12], $0xC800  }
0x3f2: {  	s1 =	sld [smem:$0x7F4]  }
0x3f3: {  	[sflag:s12] =	ssyncset.done $0x0  }
0x3f4: {  	[sflag:s12] =	ssyncadd.s32 $0xFFFF3800  }
0x3f5: {  	[tilespmem:s2], [sflag:$0x1] =	stream.indirect.gather [hbm4b:s1+s8], $0x20, s5, s8, $0xb8;
	[tilespmem:$0x19640] =	vst v63  }
0x3f6: {  	_ =	swait.ge [sflag:s10], $0xC800  }
0x3f7: {  	s0 =	sld [smem:$0x7F5]  }
0x3f8: {  	[sflag:s10] =	ssyncset.done $0x0  }
0x3f9: {  	s1 =	sld [smem:$0x7F6];
	[sflag:s10] =	ssyncadd.s32 $0xFFFF3800  }
0x3fa: {  	[hbm4b:s0+s11] =	stream.strided.scatter [tilespmem:s2], [sflag:$0x2], $0xC800, s13, s11, $0x38;
	[tilespmem:$0x19640] =	vst v63  }
0x3fb: {  	_ = 	snop  }
0x3fc: {  	[tilespmem:s5], [sflag:$0x4] =	stream.linear.gather [hbm4b:s1+s2], $0x640, $0x38;
	[tilespmem:$0x19640] =	vst v63  }
0x3fd: {  	_ =	swait.ge [sflag:s15], $0x640  }
0x3fe: {  	[sflag:s15] =	ssyncset.done $0x0  }
0x3ff: {  	[sflag:s15] =	ssyncadd.s32 $0xFFFFF9C0  }
0x400: {  	_ =	swait.ge [sflag:s6], $0xC800  }
0x401: {  	s1 =	sld [smem:$0x7F7]  }
0x402: {  	[sflag:s6] =	ssyncset.done $0x0  }
0x403: {  	[sflag:s6] =	ssyncadd.s32 $0xFFFF3800  }
0x404: {  	[tilespmem:s16], [sflag:$0x1] =	stream.indirect.gather [hbm4b:s1+s8], $0x20, s5, s8, $0xb8;
	[tilespmem:$0x19640] =	vst v63  }
0x405: {  	_ =	swait.ge [sflag:s10], $0xC800  }
0x406: {  	s0 =	sld [smem:$0x7F8]  }
0x407: {  	[sflag:s10] =	ssyncset.done $0x0  }
0x408: {  	s1 =	sld [smem:$0x7F9];
	[sflag:s10] =	ssyncadd.s32 $0xFFFF3800  }
0x409: {  	[hbm4b:s0+s11] =	stream.strided.scatter [tilespmem:s16], [sflag:$0x3], $0xC800, s13, s11, $0x38;
	[tilespmem:$0x19640] =	vst v63  }
0x40a: {  	_ = 	snop  }
0x40b: {  	[tilespmem:s5], [sflag:$0x4] =	stream.linear.gather [hbm4b:s1+s2], $0x640, $0x38;
	[tilespmem:$0x19640] =	vst v63  }
0x40c: {  	_ =	swait.ge [sflag:s15], $0x640  }
0x40d: {  	[sflag:s15] =	ssyncset.done $0x0  }
0x40e: {  	[sflag:s15] =	ssyncadd.s32 $0xFFFFF9C0  }
0x40f: {  	_ =	swait.ge [sflag:s12], $0xC800  }
0x410: {  	s1 =	sld [smem:$0x7FA]  }
0x411: {  	[sflag:s12] =	ssyncset.done $0x0  }
0x412: {  	[sflag:s12] =	ssyncadd.s32 $0xFFFF3800  }
0x413: {  	[tilespmem:s2], [sflag:$0x1] =	stream.indirect.gather [hbm4b:s1+s8], $0x20, s5, s8, $0xb8;
	[tilespmem:$0x19640] =	vst v63  }
0x414: {  	_ =	swait.ge [sflag:s10], $0xC800  }
0x415: {  	s0 =	sld [smem:$0x7FB]  }
0x416: {  	[sflag:s10] =	ssyncset.done $0x0  }
0x417: {  	s1 =	sld [smem:$0x7FC];
	[sflag:s10] =	ssyncadd.s32 $0xFFFF3800  }
0x418: {  	[hbm4b:s0+s11] =	stream.strided.scatter [tilespmem:s2], [sflag:$0x2], $0xC800, s13, s11, $0x38;
	[tilespmem:$0x19640] =	vst v63  }
0x419: {  	_ = 	snop  }
0x41a: {  	[tilespmem:s5], [sflag:$0x4] =	stream.linear.gather [hbm4b:s1+s2], $0x640, $0x38;
	[tilespmem:$0x19640] =	vst v63  }
0x41b: {  	_ =	swait.ge [sflag:s15], $0x640  }
0x41c: {  	[sflag:s15] =	ssyncset.done $0x0  }
0x41d: {  	[sflag:s15] =	ssyncadd.s32 $0xFFFFF9C0  }
0x41e: {  	_ =	swait.ge [sflag:s6], $0xC800  }
0x41f: {  	s1 =	sld [smem:$0x7FD]  }
0x420: {  	[sflag:s6] =	ssyncset.done $0x0  }
0x421: {  	[sflag:s6] =	ssyncadd.s32 $0xFFFF3800  }
0x422: {  	[tilespmem:s16], [sflag:$0x1] =	stream.indirect.gather [hbm4b:s1+s8], $0x20, s5, s8, $0xb8;
	[tilespmem:$0x19640] =	vst v63  }
0x423: {  	_ =	swait.ge [sflag:s10], $0xC800  }
0x424: {  	[sflag:s10] =	ssyncset.done $0x0  }
0x425: {  	[sflag:s10] =	ssyncadd.s32 $0xFFFF3800  }
0x426: {  	[hbm4b:s30+s11] =	stream.strided.scatter [tilespmem:s16], [sflag:$0x3], $0xC800, s13, s11, $0x38;
	[tilespmem:$0x19640] =	vst v63  }
0x427: {  	_ = 	snop  }
0x428: {  	[tilespmem:s5], [sflag:$0x4] =	stream.linear.gather [hbm4b:s31+s2], $0x640, $0x38;
	[tilespmem:$0x19640] =	vst v63  }
0x429: {  	_ =	swait.ge [sflag:s15], $0x640  }
0x42a: {  	[sflag:s15] =	ssyncset.done $0x0  }
0x42b: {  	[sflag:s15] =	ssyncadd.s32 $0xFFFFF9C0  }
0x42c: {  	_ =	swait.ge [sflag:s12], $0xC800  }
0x42d: {  	[sflag:s12] =	ssyncset.done $0x0  }
0x42e: {  	[sflag:s12] =	ssyncadd.s32 $0xFFFF3800  }
0x42f: {  	[tilespmem:s2], [sflag:$0x1] =	stream.indirect.gather [hbm4b:s29+s8], $0x20, s5, s8, $0xb8;
	[tilespmem:$0x19640] =	vst v63  }
0x430: {  	_ =	swait.ge [sflag:s10], $0xC800  }
0x431: {  	[sflag:s10] =	ssyncset.done $0x0  }
0x432: {  	[sflag:s10] =	ssyncadd.s32 $0xFFFF3800  }
0x433: {  	[hbm4b:s26+s11] =	stream.strided.scatter [tilespmem:s2], [sflag:$0x2], $0xC800, s13, s11, $0x38;
	[tilespmem:$0x19640] =	vst v63  }
0x434: {  	_ = 	snop  }
0x435: {  	[tilespmem:s5], [sflag:$0x4] =	stream.linear.gather [hbm4b:s28+s2], $0x640, $0x38;
	[tilespmem:$0x19640] =	vst v63  }
0x436: {  	_ =	swait.ge [sflag:s15], $0x640  }
0x437: {  	[sflag:s15] =	ssyncset.done $0x0  }
0x438: {  	[sflag:s15] =	ssyncadd.s32 $0xFFFFF9C0  }
0x439: {  	_ =	swait.ge [sflag:s6], $0xC800  }
0x43a: {  	[sflag:s6] =	ssyncset.done $0x0  }
0x43b: {  	[sflag:s6] =	ssyncadd.s32 $0xFFFF3800  }
0x43c: {  	[tilespmem:s16], [sflag:$0x1] =	stream.indirect.gather [hbm4b:s25+s8], $0x20, s5, s8, $0xb8;
	[tilespmem:$0x19640] =	vst v63  }
0x43d: {  	_ =	swait.ge [sflag:s10], $0xC800  }
0x43e: {  	[sflag:s10] =	ssyncset.done $0x0  }
0x43f: {  	[sflag:s10] =	ssyncadd.s32 $0xFFFF3800  }
0x440: {  	[hbm4b:s23+s11] =	stream.strided.scatter [tilespmem:s16], [sflag:$0x3], $0xC800, s13, s11, $0x38;
	[tilespmem:$0x19640] =	vst v63  }
0x441: {  	_ = 	snop  }
0x442: {  	[tilespmem:s5], [sflag:$0x4] =	stream.linear.gather [hbm4b:s24+s2], $0x640, $0x38;
	[tilespmem:$0x19640] =	vst v63  }
0x443: {  	_ =	swait.ge [sflag:s15], $0x640  }
0x444: {  	[sflag:s15] =	ssyncset.done $0x0  }
0x445: {  	[sflag:s15] =	ssyncadd.s32 $0xFFFFF9C0  }
0x446: {  	_ =	swait.ge [sflag:s12], $0xC800  }
0x447: {  	[sflag:s12] =	ssyncset.done $0x0  }
0x448: {  	[sflag:s12] =	ssyncadd.s32 $0xFFFF3800  }
0x449: {  	[tilespmem:s2], [sflag:$0x1] =	stream.indirect.gather [hbm4b:s22+s8], $0x20, s5, s8, $0xb8;
	[tilespmem:$0x19640] =	vst v63  }
0x44a: {  	_ =	swait.ge [sflag:s10], $0xC800  }
0x44b: {  	[sflag:s10] =	ssyncset.done $0x0  }
0x44c: {  	[sflag:s10] =	ssyncadd.s32 $0xFFFF3800  }
0x44d: {  	[hbm4b:s20+s11] =	stream.strided.scatter [tilespmem:s2], [sflag:$0x2], $0xC800, s13, s11, $0x38;
	[tilespmem:$0x19640] =	vst v63  }
0x44e: {  	_ = 	snop  }
0x44f: {  	[tilespmem:s5], [sflag:$0x4] =	stream.linear.gather [hbm4b:s21+s2], $0x640, $0x38;
	[tilespmem:$0x19640] =	vst v63  }
0x450: {  	_ =	swait.ge [sflag:s15], $0x640  }
0x451: {  	[sflag:s15] =	ssyncset.done $0x0  }
0x452: {  	[sflag:s15] =	ssyncadd.s32 $0xFFFFF9C0  }
0x453: {  	_ =	swait.ge [sflag:s6], $0xC800  }
0x454: {  	[sflag:s6] =	ssyncset.done $0x0  }
0x455: {  	[sflag:s6] =	ssyncadd.s32 $0xFFFF3800  }
0x456: {  	[tilespmem:s16], [sflag:$0x1] =	stream.indirect.gather [hbm4b:s18+s8], $0x20, s5, s8, $0xb8;
	[tilespmem:$0x19640] =	vst v63  }
0x457: {  	_ =	swait.ge [sflag:s10], $0xC800  }
0x458: {  	[sflag:s10] =	ssyncset.done $0x0  }
0x459: {  	[sflag:s10] =	ssyncadd.s32 $0xFFFF3800  }
0x45a: {  	[hbm4b:s17+s11] =	stream.strided.scatter [tilespmem:s16], [sflag:$0x3], $0xC800, s13, s11, $0x38;
	[tilespmem:$0x19640] =	vst v63  }
0x45b: {  	_ = 	snop  }
0x45c: {  	[tilespmem:s5], [sflag:$0x4] =	stream.linear.gather [hbm4b:s19+s2], $0x640, $0x38;
	[tilespmem:$0x19640] =	vst v63  }
0x45d: {  	_ =	swait.ge [sflag:s15], $0x640  }
0x45e: {  	[sflag:s15] =	ssyncset.done $0x0  }
0x45f: {  	[sflag:s15] =	ssyncadd.s32 $0xFFFFF9C0  }
0x460: {  	_ =	swait.ge [sflag:s12], $0xC800  }
0x461: {  	[sflag:s12] =	ssyncset.done $0x0  }
0x462: {  	[sflag:s12] =	ssyncadd.s32 $0xFFFF3800  }
0x463: {  	[tilespmem:s2], [sflag:$0x1] =	stream.indirect.gather [hbm4b:s14+s8], $0x20, s5, s8, $0xb8;
	[tilespmem:$0x19640] =	vst v63  }
0x464: {  	_ =	swait.ge [sflag:s10], $0xC800  }
0x465: {  	[sflag:s10] =	ssyncset.done $0x0  }
0x466: {  	[sflag:s10] =	ssyncadd.s32 $0xFFFF3800  }
0x467: {  	[hbm4b:s7+s11] =	stream.strided.scatter [tilespmem:s2], [sflag:$0x2], $0xC800, s13, s11, $0x38;
	[tilespmem:$0x19640] =	vst v63  }
0x468: {  	_ = 	snop  }
0x469: {  	[tilespmem:s5], [sflag:$0x4] =	stream.linear.gather [hbm4b:s9+s2], $0x640, $0x38;
	[tilespmem:$0x19640] =	vst v63  }
0x46a: {  	_ =	swait.ge [sflag:s15], $0x640  }
0x46b: {  	[sflag:s15] =	ssyncset.done $0x0  }
0x46c: {  	[sflag:s15] =	ssyncadd.s32 $0xFFFFF9C0  }
0x46d: {  	_ =	swait.ge [sflag:s6], $0xC800  }
0x46e: {  	[sflag:s6] =	ssyncset.done $0x0  }
0x46f: {  	[sflag:s6] =	ssyncadd.s32 $0xFFFF3800  }
0x470: {  	[tilespmem:s16], [sflag:$0x1] =	stream.indirect.gather [hbm4b:s4+s8], $0x20, s5, s8, $0xb8;
	[tilespmem:$0x19640] =	vst v63  }
0x471: {  	_ =	swait.ge [sflag:s10], $0xC800  }
0x472: {  	[sflag:s10] =	ssyncset.done $0x0  }
0x473: {  	[sflag:s10] =	ssyncadd.s32 $0xFFFF3800  }
0x474: {  	[hbm4b:s3+s11] =	stream.strided.scatter [tilespmem:s16], [sflag:$0x3], $0xC800, s13, s11, $0x38;
	[tilespmem:$0x19640] =	vst v63  }
0x475: {  	_ =	swait.ge [sflag:s12], $0xC800  }
0x476: {  	[sflag:s12] =	ssyncset.done $0x0  }
0x477: {  	[sflag:s12] =	ssyncadd.s32 $0xFFFF3800  }
0x478: {  	_ =	swait.ge [sflag:s6], $0xC800  }
0x479: {  	[sflag:s6] =	ssyncset.done $0x0  }
0x47a: {  	[sflag:s6] =	ssyncadd.s32 $0xFFFF3800  }
0x47b: {  	_ =	sfence.sel $0x180000  }
0x47c: {  	[bflag:$0x0] =	sbarrier.arrive $0xFFFF  }
0x47d: {  	_ =	strace $0x90000047  }
0x47e: {  	s31 =	stileid.u32;
	[bflag:$0x2] =	sbarrier.arrive $0xFFFF  }
0x47f: {  	p0 =	sne.s32 s31, $0x0;
	s0 =	rddreg [dreg:$0x1]  }
0x480: {  	s0 =	sadd.s32 @!p0 $0x100000, s0  }
0x481: {  	[sflag:s0] =	ssyncadd.tile.s32 @!p0 $0x1;
	_ =	shalt  }
.Lfunc_end2:
_tile_overlayer_lowered:
.L_overlay_start_2:
0x482: {  	(tag) =	ssettag $0x2  }
0x483: {  	s0 =	rddreg [dreg:$0x0];
	s2 =	stileid.u32  }
0x484: {  	s1 =	rddreg [dreg:$0x1];
	p0 =	sne.s32 s2, $0x0  }
0x485: {  	s3 =	rddreg [dreg:$0x2];
	[bflag:$0x3] =	sbarrier.arrive $0xFFFF;
	s2 =	simm.s32 @!p0 $0x1C04  }
0x486: {  	[timem:s3], [sflag:s2] =	dma.local @!p0 [hbm:s0], s1  }
0x487: {  	s0 =	simm.s32 @!p0 $0x4  }
0x488: {  	_ =	swait.ge @!p0 [sflag:s0], s1  }
0x489: {  	s1 =	ssub.s32 @!p0 $0x0, s1;
	[sflag:s0] =	ssyncset.done @!p0 $0x0  }
0x48a: {  	[sflag:s0] =	ssyncadd.s32 @!p0 s1  }
0x48b: {  	[bflag:$0x3] =	sbarrier.arrive $0xFFFF  }
0x48c: {  	_ =	shalt  }

</sc_bundles>
